<compile_context>
chip_gen: v7x
topology: tpu7x:2x2x1
jax: 0.10.2.dev20260603
libtpu: 0.0.44.dev20260713+nightly
codegen_flags: <defaults>
</compile_context>

<pallas_src>
import functools

import jax
import jax.numpy as jnp
from jax import lax
from jax.experimental import pallas as pl
from jax.experimental.pallas import tpu as pltpu
from jax.experimental.pallas import tpu_sc as plsc

_N = 100000
_K = 9
_DF = 32
_DS = 16
_L = 16
_NC = 2
_NS = 16
_NW = _NC * _NS
_CP = 8
_IPT = _CP * _K
_NBUF = 8

_PPW = 3136
_IPW = _PPW * _K
_NPAD = _NW * _PPW
_TPW = _PPW // _CP

_WF = 1.0 / (_N * _DF)
_W3 = 1.0 / (_N * 3)
_W1 = 1.0 / _N


def _body(feat, small, idxh, out, idx_v, rf_v, rs_v, out_v,
          s0, s1, s2, s3, s4, s5, s6, s7):
    sems = (s0, s1, s2, s3, s4, s5, s6, s7)
    wid = lax.axis_index("s") * _NC + lax.axis_index("c")

    io = lax.iota(jnp.int32, _L)
    pltpu.sync_copy(idxh.at[pl.ds(wid * _IPW, _IPW)], idx_v)

    wsm = jnp.where(io < 6, jnp.float32(_W3),
                    jnp.where(io == 6, jnp.float32(_W1),
                              jnp.zeros((_L,), jnp.float32)))

    def fire(t, b):
        ix = idx_v.at[pl.ds(t * _IPT, _IPT)]
        pltpu.async_copy(feat.at[ix], rf_v.at[b], sems[b])
        pltpu.async_copy(small.at[ix], rs_v.at[b], sems[b])

    for b in range(_NBUF):
        fire(b, b)

    def outer(t2, acc):
        t = t2 * _NBUF
        for b in range(_NBUF):
            ixw = idx_v.at[pl.ds(b * _IPT, _IPT)]
            pltpu.make_async_copy(feat.at[ixw], rf_v.at[b], sems[b]).wait()
            pltpu.make_async_copy(small.at[ixw], rs_v.at[b], sems[b]).wait()

            def point(p, a, b=b):
                r = p * _K
                for g in range(2):
                    col = pl.ds(g * _L, _L)
                    cv = rf_v[b, r, col]
                    s = rf_v[b, r + 1, col]
                    for j in range(2, _K):
                        s = s + rf_v[b, r + j, col]
                    d = cv - 0.125 * s
                    a = a + (d * d) * _WF
                cs = rs_v[b, r, :]
                ss = rs_v[b, r + 1, :]
                for j in range(2, _K):
                    ss = ss + rs_v[b, r + j, :]
                d = cs - 0.125 * ss
                return a + (d * d) * wsm

            acc = lax.fori_loop(0, _CP, point, acc)

            tn = t + b + _NBUF

            @pl.when(tn < _TPW)
            def _(b=b, tn=tn):
                fire(tn, b)

        return acc

    acc = lax.fori_loop(0, _TPW // _NBUF, outer,
                        jnp.zeros((_L,), jnp.float32))
    out_v[...] = acc
    pltpu.sync_copy(out_v, out.at[pl.ds(wid * _L, _L)])


_kern = functools.partial(
    pl.kernel,
    out_type=jax.ShapeDtypeStruct((_NW * _L,), jnp.float32),
    mesh=plsc.VectorSubcoreMesh(core_axis_name="c", subcore_axis_name="s"),
    scratch_types=[
        pltpu.VMEM((_IPW,), jnp.int32),
        pltpu.VMEM((_NBUF, _IPT, _DF), jnp.float32),
        pltpu.VMEM((_NBUF, _IPT, _DS), jnp.float32),
        pltpu.VMEM((_L,), jnp.float32),
        pltpu.SemaphoreType.DMA,
        pltpu.SemaphoreType.DMA,
        pltpu.SemaphoreType.DMA,
        pltpu.SemaphoreType.DMA,
        pltpu.SemaphoreType.DMA,
        pltpu.SemaphoreType.DMA,
        pltpu.SemaphoreType.DMA,
        pltpu.SemaphoreType.DMA,
    ],
    compiler_params=pltpu.CompilerParams(use_tc_tiling_on_sc=False),
)(_body)


def kernel(xyz_dis, scaling, opacity, neural_features, lap_indices):
    n = xyz_dis.shape[0]
    small = jnp.concatenate(
        [xyz_dis, scaling, opacity, jnp.zeros((n, _DS - 7), jnp.float32)],
        axis=1)
    idxflat = jnp.pad(lap_indices.astype(jnp.int32).reshape(-1),
                      (0, (_NPAD - n) * _K))
    parts = _kern(neural_features, small, idxflat)
    return jnp.sum(parts)

# --- scband reference (transcript-rebuilt; emitter-appended) ---
"""Pipeline reference for scband-gaussian-scene-90692529422794 (READ-ONLY COPY).

The authoritative reference and input builder live on the scoring server;
editing this copy changes nothing except your own understanding.
"""

import jax, jax.numpy as jnp
import numpy as np

N = 100000
K = 9  # 1 center + 8 neighbors


def setup_inputs(seed: int = 0) -> dict:
    key = jax.random.key(seed)
    k1, k2, k3, k4, k5 = jax.random.split(key, 5)
    xyz_dis = jax.random.normal(k1, (N, 3), dtype=jnp.float32)
    scaling = jax.random.normal(k2, (N, 3), dtype=jnp.float32)
    opacity = jax.random.normal(k3, (N, 1), dtype=jnp.float32)
    neural_features = jax.random.normal(k4, (N, 32), dtype=jnp.float32)
    lap_indices = jax.random.randint(k5, (N, K), 0, N, dtype=jnp.int64 if jax.config.jax_enable_x64 else jnp.int32)
    return {
        "xyz_dis": xyz_dis,
        "scaling": scaling,
        "opacity": opacity,
        "neural_features": neural_features,
        "lap_indices": lap_indices,
    }


def _attr_lap_loss(attr, lap_indices):
    # Faithful to GaussianScene.cal_attr_lap_loss:
    # attr_dis = attr[lap[:,0]] - mean(attr[lap[:,1:]], dim=1); return mean(attr_dis**2)
    center = jnp.take(attr, lap_indices[:, 0], axis=0)
    neigh = jnp.take(attr, lap_indices[:, 1:], axis=0)  # [N, K-1, d]
    neigh_mean = jnp.mean(neigh, axis=1)
    attr_dis = center - neigh_mean
    return jnp.mean(attr_dis ** 2)


def reference(xyz_dis, scaling, opacity, neural_features, lap_indices):
    # Faithful to GaussianScene.cal_lap_loss_neural: sum of laplacian
    # smoothness losses over four per-point gaussian attribute tensors.
    loss = (
        _attr_lap_loss(xyz_dis, lap_indices)
        + _attr_lap_loss(scaling, lap_indices)
        + _attr_lap_loss(opacity, lap_indices)
        + _attr_lap_loss(neural_features, lap_indices)
    )
    return loss

if __name__ == "__main__":
    import jax
    _d = setup_inputs()
    print(jax.jit(kernel)(*tuple(_d.values())))

</pallas_src>

<mosaic_0001>
#map = affine_map<(d0, d1) -> (0, 0)>
#map1 = affine_map<(d0, d1) -> (0)>
module attributes {stable_mosaic.version = 14 : i64} {
  func.func @_body(%arg0: i32, %arg1: i32, %arg2: memref<100000x32xf32, #tpu.memory_space<hbm>>, %arg3: memref<100000x16xf32, #tpu.memory_space<hbm>>, %arg4: memref<903168xi32, #tpu.memory_space<hbm>>, %arg5: memref<512xf32, #tpu.memory_space<hbm>>, %arg6: memref<28224xi32, #tpu.memory_space<vmem>>, %arg7: memref<8x72x32xf32, #tpu.memory_space<vmem>>, %arg8: memref<8x72x16xf32, #tpu.memory_space<vmem>>, %arg9: memref<16xf32, #tpu.memory_space<vmem>>, %arg10: memref<!tpu.dma_semaphore, #tpu.memory_space<semaphore_mem>>, %arg11: memref<!tpu.dma_semaphore, #tpu.memory_space<semaphore_mem>>, %arg12: memref<!tpu.dma_semaphore, #tpu.memory_space<semaphore_mem>>, %arg13: memref<!tpu.dma_semaphore, #tpu.memory_space<semaphore_mem>>, %arg14: memref<!tpu.dma_semaphore, #tpu.memory_space<semaphore_mem>>, %arg15: memref<!tpu.dma_semaphore, #tpu.memory_space<semaphore_mem>>, %arg16: memref<!tpu.dma_semaphore, #tpu.memory_space<semaphore_mem>>, %arg17: memref<!tpu.dma_semaphore, #tpu.memory_space<semaphore_mem>>) attributes {dimension_semantics = [#tpu.dimension_semantics<core_parallel>, #tpu.dimension_semantics<subcore_parallel>], iteration_bounds = array<i64: 2, 16>, scalar_prefetch = 0 : i64, scratch_operands = 12 : i64, tpu.core_type = #tpu.core_type<sc_vector_subcore>, window_params = [{transform_indices = #map}, {transform_indices = #map}, {transform_indices = #map1}, {transform_indices = #map1}]} {
    %mul3A = arith.constant 2 : i32
    %mul3A_0 = arith.muli %arg1, %mul3A : i32
    %add3A = arith.addi %mul3A_0, %arg0 : i32
    %iota3A = tpu.iota {dimensions = array<i32: 0>} : vector<16xi32>
    %mul3A_1 = arith.constant 28224 : i32
    %mul3A_2 = arith.muli %add3A, %mul3A_1 : i32
    "tpu.region"() ({
      %run_scoped3A = tpu.sem_alloc : memref<!tpu.dma_semaphore, #tpu.memory_space<semaphore_mem>>
      %dma_start3A_183 = tpu.memref_slice %arg4[%mul3A_2] : memref<903168xi32, #tpu.memory_space<hbm>> -> memref<28224xi32, #tpu.memory_space<hbm>>
      %dma_start3A_184 = tpu.memref_slice %arg4[%mul3A_2] : memref<903168xi32, #tpu.memory_space<hbm>> -> memref<28224xi32, #tpu.memory_space<hbm>>
      tpu.enqueue_dma source(%dma_start3A_184 : memref<28224xi32, #tpu.memory_space<hbm>>) target(%arg6 : memref<28224xi32, #tpu.memory_space<vmem>>) target_semaphore(%run_scoped3A : memref<!tpu.dma_semaphore, #tpu.memory_space<semaphore_mem>>)
      %dma_wait3A = tpu.memref_slice %arg4[%mul3A_2] : memref<903168xi32, #tpu.memory_space<hbm>> -> memref<28224xi32, #tpu.memory_space<hbm>>
      %dma_wait3A_185 = tpu.memref_slice %arg4[%mul3A_2] : memref<903168xi32, #tpu.memory_space<hbm>> -> memref<28224xi32, #tpu.memory_space<hbm>>
      tpu.wait_dma2 semaphore(%run_scoped3A : memref<!tpu.dma_semaphore, #tpu.memory_space<semaphore_mem>>) src(%dma_wait3A_185 : memref<28224xi32, #tpu.memory_space<hbm>>) dst(%arg6 : memref<28224xi32, #tpu.memory_space<vmem>>)
      tpu.yield
    }) : () -> ()
    %lt3A = arith.constant 6 : i32
    %lt3A_3 = vector.broadcast %lt3A : i32 to vector<16xi32>
    %lt3A_4 = arith.cmpi slt, %iota3A, %lt3A_3 : vector<16xi32>
    %eq3A = arith.constant 6 : i32
    %eq3A_5 = vector.broadcast %eq3A : i32 to vector<16xi32>
    %eq3A_6 = arith.cmpi eq, %iota3A, %eq3A_5 : vector<16xi32>
    %broadcast_in_dim3A = arith.constant 0.000000e+00 : f32
    %broadcast_in_dim3A_7 = vector.broadcast %broadcast_in_dim3A : f32 to vector<16xf32>
    %jit3A = arith.constant 9.99999974E-6 : f32
    %broadcast_in_dim3A_8 = vector.broadcast %jit3A : f32 to vector<16xf32>
    %select_n3A = arith.select %eq3A_6, %broadcast_in_dim3A_8, %broadcast_in_dim3A_7 : vector<16xi1>, vector<16xf32>
    %jit3A_9 = arith.constant 3.33333332E-6 : f32
    %broadcast_in_dim3A_10 = vector.broadcast %jit3A_9 : f32 to vector<16xf32>
    %select_n3A_11 = arith.select %lt3A_4, %broadcast_in_dim3A_10, %select_n3A : vector<16xi1>, vector<16xf32>
    %dma_start3A = arith.constant 0 : i32
    %dma_start3A_12 = arith.constant 0 : i32
    %dma_start3A_13 = arith.constant 0 : i32
    %dma_start3A_14 = tpu.memref_slice %arg7[%dma_start3A, %dma_start3A_12, %dma_start3A_13] : memref<8x72x32xf32, #tpu.memory_space<vmem>> -> memref<1x72x32xf32, #tpu.memory_space<vmem>>
    %dma_start3A_15 = tpu.memref_squeeze %dma_start3A_14 : memref<1x72x32xf32, #tpu.memory_space<vmem>> -> memref<72x32xf32, #tpu.memory_space<vmem>>
    %dma_start3A_16 = arith.constant 0 : i32
    %dma_start3A_17 = tpu.memref_slice %arg6[%dma_start3A_16] : memref<28224xi32, #tpu.memory_space<vmem>> -> memref<72xi32, #tpu.memory_space<vmem>>
    %dma_start3A_18 = arith.constant 0 : i32
    %dma_start3A_19 = arith.constant 0 : i32
    %dma_start3A_20 = tpu.memref_slice %arg2[%dma_start3A_18, %dma_start3A_19] : memref<100000x32xf32, #tpu.memory_space<hbm>> -> memref<100000x32xf32, #tpu.memory_space<hbm>>
    tpu.enqueue_indirect_dma source(%dma_start3A_20 : memref<100000x32xf32, #tpu.memory_space<hbm>>) target(%dma_start3A_15 : memref<72x32xf32, #tpu.memory_space<vmem>>) offsets(%dma_start3A_17 : memref<72xi32, #tpu.memory_space<vmem>>) semaphore(%arg10 : memref<!tpu.dma_semaphore, #tpu.memory_space<semaphore_mem>>)
    %dma_start3A_21 = arith.constant 0 : i32
    %dma_start3A_22 = arith.constant 0 : i32
    %dma_start3A_23 = arith.constant 0 : i32
    %dma_start3A_24 = tpu.memref_slice %arg8[%dma_start3A_21, %dma_start3A_22, %dma_start3A_23] : memref<8x72x16xf32, #tpu.memory_space<vmem>> -> memref<1x72x16xf32, #tpu.memory_space<vmem>>
    %dma_start3A_25 = tpu.memref_squeeze %dma_start3A_24 : memref<1x72x16xf32, #tpu.memory_space<vmem>> -> memref<72x16xf32, #tpu.memory_space<vmem>>
    %dma_start3A_26 = arith.constant 0 : i32
    %dma_start3A_27 = tpu.memref_slice %arg6[%dma_start3A_26] : memref<28224xi32, #tpu.memory_space<vmem>> -> memref<72xi32, #tpu.memory_space<vmem>>
    %dma_start3A_28 = arith.constant 0 : i32
    %dma_start3A_29 = arith.constant 0 : i32
    %dma_start3A_30 = tpu.memref_slice %arg3[%dma_start3A_28, %dma_start3A_29] : memref<100000x16xf32, #tpu.memory_space<hbm>> -> memref<100000x16xf32, #tpu.memory_space<hbm>>
    tpu.enqueue_indirect_dma source(%dma_start3A_30 : memref<100000x16xf32, #tpu.memory_space<hbm>>) target(%dma_start3A_25 : memref<72x16xf32, #tpu.memory_space<vmem>>) offsets(%dma_start3A_27 : memref<72xi32, #tpu.memory_space<vmem>>) semaphore(%arg10 : memref<!tpu.dma_semaphore, #tpu.memory_space<semaphore_mem>>)
    %dma_start3A_31 = arith.constant 1 : i32
    %dma_start3A_32 = arith.constant 0 : i32
    %dma_start3A_33 = arith.constant 0 : i32
    %dma_start3A_34 = tpu.memref_slice %arg7[%dma_start3A_31, %dma_start3A_32, %dma_start3A_33] : memref<8x72x32xf32, #tpu.memory_space<vmem>> -> memref<1x72x32xf32, #tpu.memory_space<vmem>>
    %dma_start3A_35 = tpu.memref_squeeze %dma_start3A_34 : memref<1x72x32xf32, #tpu.memory_space<vmem>> -> memref<72x32xf32, #tpu.memory_space<vmem>>
    %dma_start3A_36 = arith.constant 72 : i32
    %dma_start3A_37 = tpu.memref_slice %arg6[%dma_start3A_36] : memref<28224xi32, #tpu.memory_space<vmem>> -> memref<72xi32, #tpu.memory_space<vmem>>
    %dma_start3A_38 = arith.constant 0 : i32
    %dma_start3A_39 = arith.constant 0 : i32
    %dma_start3A_40 = tpu.memref_slice %arg2[%dma_start3A_38, %dma_start3A_39] : memref<100000x32xf32, #tpu.memory_space<hbm>> -> memref<100000x32xf32, #tpu.memory_space<hbm>>
    tpu.enqueue_indirect_dma source(%dma_start3A_40 : memref<100000x32xf32, #tpu.memory_space<hbm>>) target(%dma_start3A_35 : memref<72x32xf32, #tpu.memory_space<vmem>>) offsets(%dma_start3A_37 : memref<72xi32, #tpu.memory_space<vmem>>) semaphore(%arg11 : memref<!tpu.dma_semaphore, #tpu.memory_space<semaphore_mem>>)
    %dma_start3A_41 = arith.constant 1 : i32
    %dma_start3A_42 = arith.constant 0 : i32
    %dma_start3A_43 = arith.constant 0 : i32
    %dma_start3A_44 = tpu.memref_slice %arg8[%dma_start3A_41, %dma_start3A_42, %dma_start3A_43] : memref<8x72x16xf32, #tpu.memory_space<vmem>> -> memref<1x72x16xf32, #tpu.memory_space<vmem>>
    %dma_start3A_45 = tpu.memref_squeeze %dma_start3A_44 : memref<1x72x16xf32, #tpu.memory_space<vmem>> -> memref<72x16xf32, #tpu.memory_space<vmem>>
    %dma_start3A_46 = arith.constant 72 : i32
    %dma_start3A_47 = tpu.memref_slice %arg6[%dma_start3A_46] : memref<28224xi32, #tpu.memory_space<vmem>> -> memref<72xi32, #tpu.memory_space<vmem>>
    %dma_start3A_48 = arith.constant 0 : i32
    %dma_start3A_49 = arith.constant 0 : i32
    %dma_start3A_50 = tpu.memref_slice %arg3[%dma_start3A_48, %dma_start3A_49] : memref<100000x16xf32, #tpu.memory_space<hbm>> -> memref<100000x16xf32, #tpu.memory_space<hbm>>
    tpu.enqueue_indirect_dma source(%dma_start3A_50 : memref<100000x16xf32, #tpu.memory_space<hbm>>) target(%dma_start3A_45 : memref<72x16xf32, #tpu.memory_space<vmem>>) offsets(%dma_start3A_47 : memref<72xi32, #tpu.memory_space<vmem>>) semaphore(%arg11 : memref<!tpu.dma_semaphore, #tpu.memory_space<semaphore_mem>>)
    %dma_start3A_51 = arith.constant 2 : i32
    %dma_start3A_52 = arith.constant 0 : i32
    %dma_start3A_53 = arith.constant 0 : i32
    %dma_start3A_54 = tpu.memref_slice %arg7[%dma_start3A_51, %dma_start3A_52, %dma_start3A_53] : memref<8x72x32xf32, #tpu.memory_space<vmem>> -> memref<1x72x32xf32, #tpu.memory_space<vmem>>
    %dma_start3A_55 = tpu.memref_squeeze %dma_start3A_54 : memref<1x72x32xf32, #tpu.memory_space<vmem>> -> memref<72x32xf32, #tpu.memory_space<vmem>>
    %dma_start3A_56 = arith.constant 144 : i32
    %dma_start3A_57 = tpu.memref_slice %arg6[%dma_start3A_56] : memref<28224xi32, #tpu.memory_space<vmem>> -> memref<72xi32, #tpu.memory_space<vmem>>
    %dma_start3A_58 = arith.constant 0 : i32
    %dma_start3A_59 = arith.constant 0 : i32
    %dma_start3A_60 = tpu.memref_slice %arg2[%dma_start3A_58, %dma_start3A_59] : memref<100000x32xf32, #tpu.memory_space<hbm>> -> memref<100000x32xf32, #tpu.memory_space<hbm>>
    tpu.enqueue_indirect_dma source(%dma_start3A_60 : memref<100000x32xf32, #tpu.memory_space<hbm>>) target(%dma_start3A_55 : memref<72x32xf32, #tpu.memory_space<vmem>>) offsets(%dma_start3A_57 : memref<72xi32, #tpu.memory_space<vmem>>) semaphore(%arg12 : memref<!tpu.dma_semaphore, #tpu.memory_space<semaphore_mem>>)
    %dma_start3A_61 = arith.constant 2 : i32
    %dma_start3A_62 = arith.constant 0 : i32
    %dma_start3A_63 = arith.constant 0 : i32
    %dma_start3A_64 = tpu.memref_slice %arg8[%dma_start3A_61, %dma_start3A_62, %dma_start3A_63] : memref<8x72x16xf32, #tpu.memory_space<vmem>> -> memref<1x72x16xf32, #tpu.memory_space<vmem>>
    %dma_start3A_65 = tpu.memref_squeeze %dma_start3A_64 : memref<1x72x16xf32, #tpu.memory_space<vmem>> -> memref<72x16xf32, #tpu.memory_space<vmem>>
    %dma_start3A_66 = arith.constant 144 : i32
    %dma_start3A_67 = tpu.memref_slice %arg6[%dma_start3A_66] : memref<28224xi32, #tpu.memory_space<vmem>> -> memref<72xi32, #tpu.memory_space<vmem>>
    %dma_start3A_68 = arith.constant 0 : i32
    %dma_start3A_69 = arith.constant 0 : i32
    %dma_start3A_70 = tpu.memref_slice %arg3[%dma_start3A_68, %dma_start3A_69] : memref<100000x16xf32, #tpu.memory_space<hbm>> -> memref<100000x16xf32, #tpu.memory_space<hbm>>
    tpu.enqueue_indirect_dma source(%dma_start3A_70 : memref<100000x16xf32, #tpu.memory_space<hbm>>) target(%dma_start3A_65 : memref<72x16xf32, #tpu.memory_space<vmem>>) offsets(%dma_start3A_67 : memref<72xi32, #tpu.memory_space<vmem>>) semaphore(%arg12 : memref<!tpu.dma_semaphore, #tpu.memory_space<semaphore_mem>>)
    %dma_start3A_71 = arith.constant 3 : i32
    %dma_start3A_72 = arith.constant 0 : i32
    %dma_start3A_73 = arith.constant 0 : i32
    %dma_start3A_74 = tpu.memref_slice %arg7[%dma_start3A_71, %dma_start3A_72, %dma_start3A_73] : memref<8x72x32xf32, #tpu.memory_space<vmem>> -> memref<1x72x32xf32, #tpu.memory_space<vmem>>
    %dma_start3A_75 = tpu.memref_squeeze %dma_start3A_74 : memref<1x72x32xf32, #tpu.memory_space<vmem>> -> memref<72x32xf32, #tpu.memory_space<vmem>>
    %dma_start3A_76 = arith.constant 216 : i32
    %dma_start3A_77 = tpu.memref_slice %arg6[%dma_start3A_76] : memref<28224xi32, #tpu.memory_space<vmem>> -> memref<72xi32, #tpu.memory_space<vmem>>
    %dma_start3A_78 = arith.constant 0 : i32
    %dma_start3A_79 = arith.constant 0 : i32
    %dma_start3A_80 = tpu.memref_slice %arg2[%dma_start3A_78, %dma_start3A_79] : memref<100000x32xf32, #tpu.memory_space<hbm>> -> memref<100000x32xf32, #tpu.memory_space<hbm>>
    tpu.enqueue_indirect_dma source(%dma_start3A_80 : memref<100000x32xf32, #tpu.memory_space<hbm>>) target(%dma_start3A_75 : memref<72x32xf32, #tpu.memory_space<vmem>>) offsets(%dma_start3A_77 : memref<72xi32, #tpu.memory_space<vmem>>) semaphore(%arg13 : memref<!tpu.dma_semaphore, #tpu.memory_space<semaphore_mem>>)
    %dma_start3A_81 = arith.constant 3 : i32
    %dma_start3A_82 = arith.constant 0 : i32
    %dma_start3A_83 = arith.constant 0 : i32
    %dma_start3A_84 = tpu.memref_slice %arg8[%dma_start3A_81, %dma_start3A_82, %dma_start3A_83] : memref<8x72x16xf32, #tpu.memory_space<vmem>> -> memref<1x72x16xf32, #tpu.memory_space<vmem>>
    %dma_start3A_85 = tpu.memref_squeeze %dma_start3A_84 : memref<1x72x16xf32, #tpu.memory_space<vmem>> -> memref<72x16xf32, #tpu.memory_space<vmem>>
    %dma_start3A_86 = arith.constant 216 : i32
    %dma_start3A_87 = tpu.memref_slice %arg6[%dma_start3A_86] : memref<28224xi32, #tpu.memory_space<vmem>> -> memref<72xi32, #tpu.memory_space<vmem>>
    %dma_start3A_88 = arith.constant 0 : i32
    %dma_start3A_89 = arith.constant 0 : i32
    %dma_start3A_90 = tpu.memref_slice %arg3[%dma_start3A_88, %dma_start3A_89] : memref<100000x16xf32, #tpu.memory_space<hbm>> -> memref<100000x16xf32, #tpu.memory_space<hbm>>
    tpu.enqueue_indirect_dma source(%dma_start3A_90 : memref<100000x16xf32, #tpu.memory_space<hbm>>) target(%dma_start3A_85 : memref<72x16xf32, #tpu.memory_space<vmem>>) offsets(%dma_start3A_87 : memref<72xi32, #tpu.memory_space<vmem>>) semaphore(%arg13 : memref<!tpu.dma_semaphore, #tpu.memory_space<semaphore_mem>>)
    %dma_start3A_91 = arith.constant 4 : i32
    %dma_start3A_92 = arith.constant 0 : i32
    %dma_start3A_93 = arith.constant 0 : i32
    %dma_start3A_94 = tpu.memref_slice %arg7[%dma_start3A_91, %dma_start3A_92, %dma_start3A_93] : memref<8x72x32xf32, #tpu.memory_space<vmem>> -> memref<1x72x32xf32, #tpu.memory_space<vmem>>
    %dma_start3A_95 = tpu.memref_squeeze %dma_start3A_94 : memref<1x72x32xf32, #tpu.memory_space<vmem>> -> memref<72x32xf32, #tpu.memory_space<vmem>>
    %dma_start3A_96 = arith.constant 288 : i32
    %dma_start3A_97 = tpu.memref_slice %arg6[%dma_start3A_96] : memref<28224xi32, #tpu.memory_space<vmem>> -> memref<72xi32, #tpu.memory_space<vmem>>
    %dma_start3A_98 = arith.constant 0 : i32
    %dma_start3A_99 = arith.constant 0 : i32
    %dma_start3A_100 = tpu.memref_slice %arg2[%dma_start3A_98, %dma_start3A_99] : memref<100000x32xf32, #tpu.memory_space<hbm>> -> memref<100000x32xf32, #tpu.memory_space<hbm>>
    tpu.enqueue_indirect_dma source(%dma_start3A_100 : memref<100000x32xf32, #tpu.memory_space<hbm>>) target(%dma_start3A_95 : memref<72x32xf32, #tpu.memory_space<vmem>>) offsets(%dma_start3A_97 : memref<72xi32, #tpu.memory_space<vmem>>) semaphore(%arg14 : memref<!tpu.dma_semaphore, #tpu.memory_space<semaphore_mem>>)
    %dma_start3A_101 = arith.constant 4 : i32
    %dma_start3A_102 = arith.constant 0 : i32
    %dma_start3A_103 = arith.constant 0 : i32
    %dma_start3A_104 = tpu.memref_slice %arg8[%dma_start3A_101, %dma_start3A_102, %dma_start3A_103] : memref<8x72x16xf32, #tpu.memory_space<vmem>> -> memref<1x72x16xf32, #tpu.memory_space<vmem>>
    %dma_start3A_105 = tpu.memref_squeeze %dma_start3A_104 : memref<1x72x16xf32, #tpu.memory_space<vmem>> -> memref<72x16xf32, #tpu.memory_space<vmem>>
    %dma_start3A_106 = arith.constant 288 : i32
    %dma_start3A_107 = tpu.memref_slice %arg6[%dma_start3A_106] : memref<28224xi32, #tpu.memory_space<vmem>> -> memref<72xi32, #tpu.memory_space<vmem>>
    %dma_start3A_108 = arith.constant 0 : i32
    %dma_start3A_109 = arith.constant 0 : i32
    %dma_start3A_110 = tpu.memref_slice %arg3[%dma_start3A_108, %dma_start3A_109] : memref<100000x16xf32, #tpu.memory_space<hbm>> -> memref<100000x16xf32, #tpu.memory_space<hbm>>
    tpu.enqueue_indirect_dma source(%dma_start3A_110 : memref<100000x16xf32, #tpu.memory_space<hbm>>) target(%dma_start3A_105 : memref<72x16xf32, #tpu.memory_space<vmem>>) offsets(%dma_start3A_107 : memref<72xi32, #tpu.memory_space<vmem>>) semaphore(%arg14 : memref<!tpu.dma_semaphore, #tpu.memory_space<semaphore_mem>>)
    %dma_start3A_111 = arith.constant 5 : i32
    %dma_start3A_112 = arith.constant 0 : i32
    %dma_start3A_113 = arith.constant 0 : i32
    %dma_start3A_114 = tpu.memref_slice %arg7[%dma_start3A_111, %dma_start3A_112, %dma_start3A_113] : memref<8x72x32xf32, #tpu.memory_space<vmem>> -> memref<1x72x32xf32, #tpu.memory_space<vmem>>
    %dma_start3A_115 = tpu.memref_squeeze %dma_start3A_114 : memref<1x72x32xf32, #tpu.memory_space<vmem>> -> memref<72x32xf32, #tpu.memory_space<vmem>>
    %dma_start3A_116 = arith.constant 360 : i32
    %dma_start3A_117 = tpu.memref_slice %arg6[%dma_start3A_116] : memref<28224xi32, #tpu.memory_space<vmem>> -> memref<72xi32, #tpu.memory_space<vmem>>
    %dma_start3A_118 = arith.constant 0 : i32
    %dma_start3A_119 = arith.constant 0 : i32
    %dma_start3A_120 = tpu.memref_slice %arg2[%dma_start3A_118, %dma_start3A_119] : memref<100000x32xf32, #tpu.memory_space<hbm>> -> memref<100000x32xf32, #tpu.memory_space<hbm>>
    tpu.enqueue_indirect_dma source(%dma_start3A_120 : memref<100000x32xf32, #tpu.memory_space<hbm>>) target(%dma_start3A_115 : memref<72x32xf32, #tpu.memory_space<vmem>>) offsets(%dma_start3A_117 : memref<72xi32, #tpu.memory_space<vmem>>) semaphore(%arg15 : memref<!tpu.dma_semaphore, #tpu.memory_space<semaphore_mem>>)
    %dma_start3A_121 = arith.constant 5 : i32
    %dma_start3A_122 = arith.constant 0 : i32
    %dma_start3A_123 = arith.constant 0 : i32
    %dma_start3A_124 = tpu.memref_slice %arg8[%dma_start3A_121, %dma_start3A_122, %dma_start3A_123] : memref<8x72x16xf32, #tpu.memory_space<vmem>> -> memref<1x72x16xf32, #tpu.memory_space<vmem>>
    %dma_start3A_125 = tpu.memref_squeeze %dma_start3A_124 : memref<1x72x16xf32, #tpu.memory_space<vmem>> -> memref<72x16xf32, #tpu.memory_space<vmem>>
    %dma_start3A_126 = arith.constant 360 : i32
    %dma_start3A_127 = tpu.memref_slice %arg6[%dma_start3A_126] : memref<28224xi32, #tpu.memory_space<vmem>> -> memref<72xi32, #tpu.memory_space<vmem>>
    %dma_start3A_128 = arith.constant 0 : i32
    %dma_start3A_129 = arith.constant 0 : i32
    %dma_start3A_130 = tpu.memref_slice %arg3[%dma_start3A_128, %dma_start3A_129] : memref<100000x16xf32, #tpu.memory_space<hbm>> -> memref<100000x16xf32, #tpu.memory_space<hbm>>
    tpu.enqueue_indirect_dma source(%dma_start3A_130 : memref<100000x16xf32, #tpu.memory_space<hbm>>) target(%dma_start3A_125 : memref<72x16xf32, #tpu.memory_space<vmem>>) offsets(%dma_start3A_127 : memref<72xi32, #tpu.memory_space<vmem>>) semaphore(%arg15 : memref<!tpu.dma_semaphore, #tpu.memory_space<semaphore_mem>>)
    %dma_start3A_131 = arith.constant 6 : i32
    %dma_start3A_132 = arith.constant 0 : i32
    %dma_start3A_133 = arith.constant 0 : i32
    %dma_start3A_134 = tpu.memref_slice %arg7[%dma_start3A_131, %dma_start3A_132, %dma_start3A_133] : memref<8x72x32xf32, #tpu.memory_space<vmem>> -> memref<1x72x32xf32, #tpu.memory_space<vmem>>
    %dma_start3A_135 = tpu.memref_squeeze %dma_start3A_134 : memref<1x72x32xf32, #tpu.memory_space<vmem>> -> memref<72x32xf32, #tpu.memory_space<vmem>>
    %dma_start3A_136 = arith.constant 432 : i32
    %dma_start3A_137 = tpu.memref_slice %arg6[%dma_start3A_136] : memref<28224xi32, #tpu.memory_space<vmem>> -> memref<72xi32, #tpu.memory_space<vmem>>
    %dma_start3A_138 = arith.constant 0 : i32
    %dma_start3A_139 = arith.constant 0 : i32
    %dma_start3A_140 = tpu.memref_slice %arg2[%dma_start3A_138, %dma_start3A_139] : memref<100000x32xf32, #tpu.memory_space<hbm>> -> memref<100000x32xf32, #tpu.memory_space<hbm>>
    tpu.enqueue_indirect_dma source(%dma_start3A_140 : memref<100000x32xf32, #tpu.memory_space<hbm>>) target(%dma_start3A_135 : memref<72x32xf32, #tpu.memory_space<vmem>>) offsets(%dma_start3A_137 : memref<72xi32, #tpu.memory_space<vmem>>) semaphore(%arg16 : memref<!tpu.dma_semaphore, #tpu.memory_space<semaphore_mem>>)
    %dma_start3A_141 = arith.constant 6 : i32
    %dma_start3A_142 = arith.constant 0 : i32
    %dma_start3A_143 = arith.constant 0 : i32
    %dma_start3A_144 = tpu.memref_slice %arg8[%dma_start3A_141, %dma_start3A_142, %dma_start3A_143] : memref<8x72x16xf32, #tpu.memory_space<vmem>> -> memref<1x72x16xf32, #tpu.memory_space<vmem>>
    %dma_start3A_145 = tpu.memref_squeeze %dma_start3A_144 : memref<1x72x16xf32, #tpu.memory_space<vmem>> -> memref<72x16xf32, #tpu.memory_space<vmem>>
    %dma_start3A_146 = arith.constant 432 : i32
    %dma_start3A_147 = tpu.memref_slice %arg6[%dma_start3A_146] : memref<28224xi32, #tpu.memory_space<vmem>> -> memref<72xi32, #tpu.memory_space<vmem>>
    %dma_start3A_148 = arith.constant 0 : i32
    %dma_start3A_149 = arith.constant 0 : i32
    %dma_start3A_150 = tpu.memref_slice %arg3[%dma_start3A_148, %dma_start3A_149] : memref<100000x16xf32, #tpu.memory_space<hbm>> -> memref<100000x16xf32, #tpu.memory_space<hbm>>
    tpu.enqueue_indirect_dma source(%dma_start3A_150 : memref<100000x16xf32, #tpu.memory_space<hbm>>) target(%dma_start3A_145 : memref<72x16xf32, #tpu.memory_space<vmem>>) offsets(%dma_start3A_147 : memref<72xi32, #tpu.memory_space<vmem>>) semaphore(%arg16 : memref<!tpu.dma_semaphore, #tpu.memory_space<semaphore_mem>>)
    %dma_start3A_151 = arith.constant 7 : i32
    %dma_start3A_152 = arith.constant 0 : i32
    %dma_start3A_153 = arith.constant 0 : i32
    %dma_start3A_154 = tpu.memref_slice %arg7[%dma_start3A_151, %dma_start3A_152, %dma_start3A_153] : memref<8x72x32xf32, #tpu.memory_space<vmem>> -> memref<1x72x32xf32, #tpu.memory_space<vmem>>
    %dma_start3A_155 = tpu.memref_squeeze %dma_start3A_154 : memref<1x72x32xf32, #tpu.memory_space<vmem>> -> memref<72x32xf32, #tpu.memory_space<vmem>>
    %dma_start3A_156 = arith.constant 504 : i32
    %dma_start3A_157 = tpu.memref_slice %arg6[%dma_start3A_156] : memref<28224xi32, #tpu.memory_space<vmem>> -> memref<72xi32, #tpu.memory_space<vmem>>
    %dma_start3A_158 = arith.constant 0 : i32
    %dma_start3A_159 = arith.constant 0 : i32
    %dma_start3A_160 = tpu.memref_slice %arg2[%dma_start3A_158, %dma_start3A_159] : memref<100000x32xf32, #tpu.memory_space<hbm>> -> memref<100000x32xf32, #tpu.memory_space<hbm>>
    tpu.enqueue_indirect_dma source(%dma_start3A_160 : memref<100000x32xf32, #tpu.memory_space<hbm>>) target(%dma_start3A_155 : memref<72x32xf32, #tpu.memory_space<vmem>>) offsets(%dma_start3A_157 : memref<72xi32, #tpu.memory_space<vmem>>) semaphore(%arg17 : memref<!tpu.dma_semaphore, #tpu.memory_space<semaphore_mem>>)
    %dma_start3A_161 = arith.constant 7 : i32
    %dma_start3A_162 = arith.constant 0 : i32
    %dma_start3A_163 = arith.constant 0 : i32
    %dma_start3A_164 = tpu.memref_slice %arg8[%dma_start3A_161, %dma_start3A_162, %dma_start3A_163] : memref<8x72x16xf32, #tpu.memory_space<vmem>> -> memref<1x72x16xf32, #tpu.memory_space<vmem>>
    %dma_start3A_165 = tpu.memref_squeeze %dma_start3A_164 : memref<1x72x16xf32, #tpu.memory_space<vmem>> -> memref<72x16xf32, #tpu.memory_space<vmem>>
    %dma_start3A_166 = arith.constant 504 : i32
    %dma_start3A_167 = tpu.memref_slice %arg6[%dma_start3A_166] : memref<28224xi32, #tpu.memory_space<vmem>> -> memref<72xi32, #tpu.memory_space<vmem>>
    %dma_start3A_168 = arith.constant 0 : i32
    %dma_start3A_169 = arith.constant 0 : i32
    %dma_start3A_170 = tpu.memref_slice %arg3[%dma_start3A_168, %dma_start3A_169] : memref<100000x16xf32, #tpu.memory_space<hbm>> -> memref<100000x16xf32, #tpu.memory_space<hbm>>
    tpu.enqueue_indirect_dma source(%dma_start3A_170 : memref<100000x16xf32, #tpu.memory_space<hbm>>) target(%dma_start3A_165 : memref<72x16xf32, #tpu.memory_space<vmem>>) offsets(%dma_start3A_167 : memref<72xi32, #tpu.memory_space<vmem>>) semaphore(%arg17 : memref<!tpu.dma_semaphore, #tpu.memory_space<semaphore_mem>>)
    %broadcast_in_dim3A_171 = arith.constant 0.000000e+00 : f32
    %broadcast_in_dim3A_172 = vector.broadcast %broadcast_in_dim3A_171 : f32 to vector<16xf32>
    %scan3A = arith.constant 0 : i32
    %scan3A_173 = arith.constant 49 : i32
    %scan3A_174 = arith.addi %scan3A, %scan3A_173 : i32
    %scan3A_175 = arith.constant 1 : i32
    %scan3A_176 = scf.for %scan3A_183 = %scan3A to %scan3A_174 step %scan3A_175 iter_args(%scan3A_184 = %broadcast_in_dim3A_172) -> (vector<16xf32>)  : i32 {
      %mul3A_185 = arith.constant 8 : i32
      %mul3A_186 = arith.muli %scan3A_183, %mul3A_185 : i32
      %dma_wait3A = arith.constant 0 : i32
      %dma_wait3A_187 = arith.constant 0 : i32
      %dma_wait3A_188 = arith.constant 0 : i32
      %dma_wait3A_189 = tpu.memref_slice %arg7[%dma_wait3A, %dma_wait3A_187, %dma_wait3A_188] : memref<8x72x32xf32, #tpu.memory_space<vmem>> -> memref<1x72x32xf32, #tpu.memory_space<vmem>>
      %dma_wait3A_190 = tpu.memref_squeeze %dma_wait3A_189 : memref<1x72x32xf32, #tpu.memory_space<vmem>> -> memref<72x32xf32, #tpu.memory_space<vmem>>
      %dma_wait3A_191 = arith.constant 0 : i32
      %dma_wait3A_192 = tpu.memref_slice %arg6[%dma_wait3A_191] : memref<28224xi32, #tpu.memory_space<vmem>> -> memref<72xi32, #tpu.memory_space<vmem>>
      %dma_wait3A_193 = arith.constant 0 : i32
      %dma_wait3A_194 = arith.constant 0 : i32
      %dma_wait3A_195 = tpu.memref_slice %arg2[%dma_wait3A_193, %dma_wait3A_194] : memref<100000x32xf32, #tpu.memory_space<hbm>> -> memref<100000x32xf32, #tpu.memory_space<hbm>>
      tpu.wait_indirect_dma semaphore(%arg10 : memref<!tpu.dma_semaphore, #tpu.memory_space<semaphore_mem>>) src(%dma_wait3A_195 : memref<100000x32xf32, #tpu.memory_space<hbm>>) dst(%dma_wait3A_190 : memref<72x32xf32, #tpu.memory_space<vmem>>)
      %dma_wait3A_196 = arith.constant 0 : i32
      %dma_wait3A_197 = arith.constant 0 : i32
      %dma_wait3A_198 = arith.constant 0 : i32
      %dma_wait3A_199 = tpu.memref_slice %arg8[%dma_wait3A_196, %dma_wait3A_197, %dma_wait3A_198] : memref<8x72x16xf32, #tpu.memory_space<vmem>> -> memref<1x72x16xf32, #tpu.memory_space<vmem>>
      %dma_wait3A_200 = tpu.memref_squeeze %dma_wait3A_199 : memref<1x72x16xf32, #tpu.memory_space<vmem>> -> memref<72x16xf32, #tpu.memory_space<vmem>>
      %dma_wait3A_201 = arith.constant 0 : i32
      %dma_wait3A_202 = tpu.memref_slice %arg6[%dma_wait3A_201] : memref<28224xi32, #tpu.memory_space<vmem>> -> memref<72xi32, #tpu.memory_space<vmem>>
      %dma_wait3A_203 = arith.constant 0 : i32
      %dma_wait3A_204 = arith.constant 0 : i32
      %dma_wait3A_205 = tpu.memref_slice %arg3[%dma_wait3A_203, %dma_wait3A_204] : memref<100000x16xf32, #tpu.memory_space<hbm>> -> memref<100000x16xf32, #tpu.memory_space<hbm>>
      tpu.wait_indirect_dma semaphore(%arg10 : memref<!tpu.dma_semaphore, #tpu.memory_space<semaphore_mem>>) src(%dma_wait3A_205 : memref<100000x16xf32, #tpu.memory_space<hbm>>) dst(%dma_wait3A_200 : memref<72x16xf32, #tpu.memory_space<vmem>>)
      %scan3A_206 = arith.constant 0 : i32
      %scan3A_207 = arith.constant 8 : i32
      %scan3A_208 = arith.addi %scan3A_206, %scan3A_207 : i32
      %scan3A_209 = arith.constant 1 : i32
      %scan3A_210 = scf.for %scan3A_464 = %scan3A_206 to %scan3A_208 step %scan3A_209 iter_args(%scan3A_465 = %scan3A_184) -> (vector<16xf32>)  : i32 {
        %mul3A_466 = arith.constant 9 : i32
        %mul3A_467 = arith.muli %scan3A_464, %mul3A_466 : i32
        %get3A = arith.constant 0 : i32
        %get3A_468 = arith.index_cast %get3A : i32 to index
        %get3A_469 = arith.index_cast %mul3A_467 : i32 to index
        %get3A_470 = arith.constant 0 : index
        %get3A_471 = tpu.vector_load %arg7[%get3A_468, %get3A_469, %get3A_470] {strides = array<i32>} : memref<8x72x32xf32, #tpu.memory_space<vmem>>, vector<1x1x16xf32>,
        %get3A_472 = vector.shape_cast %get3A_471 : vector<1x1x16xf32> to vector<16xf32>
        %add3A_473 = arith.constant 1 : i32
        %add3A_474 = arith.addi %mul3A_467, %add3A_473 : i32
        %get3A_475 = arith.constant 0 : i32
        %get3A_476 = arith.index_cast %get3A_475 : i32 to index
        %get3A_477 = arith.index_cast %add3A_474 : i32 to index
        %get3A_478 = arith.constant 0 : index
        %get3A_479 = tpu.vector_load %arg7[%get3A_476, %get3A_477, %get3A_478] {strides = array<i32>} : memref<8x72x32xf32, #tpu.memory_space<vmem>>, vector<1x1x16xf32>,
        %get3A_480 = vector.shape_cast %get3A_479 : vector<1x1x16xf32> to vector<16xf32>
        %add3A_481 = arith.constant 2 : i32
        %add3A_482 = arith.addi %mul3A_467, %add3A_481 : i32
        %get3A_483 = arith.constant 0 : i32
        %get3A_484 = arith.index_cast %get3A_483 : i32 to index
        %get3A_485 = arith.index_cast %add3A_482 : i32 to index
        %get3A_486 = arith.constant 0 : index
        %get3A_487 = tpu.vector_load %arg7[%get3A_484, %get3A_485, %get3A_486] {strides = array<i32>} : memref<8x72x32xf32, #tpu.memory_space<vmem>>, vector<1x1x16xf32>,
        %get3A_488 = vector.shape_cast %get3A_487 : vector<1x1x16xf32> to vector<16xf32>
        %add3A_489 = arith.addf %get3A_480, %get3A_488 : vector<16xf32>
        %add3A_490 = arith.constant 3 : i32
        %add3A_491 = arith.addi %mul3A_467, %add3A_490 : i32
        %get3A_492 = arith.constant 0 : i32
        %get3A_493 = arith.index_cast %get3A_492 : i32 to index
        %get3A_494 = arith.index_cast %add3A_491 : i32 to index
        %get3A_495 = arith.constant 0 : index
        %get3A_496 = tpu.vector_load %arg7[%get3A_493, %get3A_494, %get3A_495] {strides = array<i32>} : memref<8x72x32xf32, #tpu.memory_space<vmem>>, vector<1x1x16xf32>,
        %get3A_497 = vector.shape_cast %get3A_496 : vector<1x1x16xf32> to vector<16xf32>
        %add3A_498 = arith.addf %add3A_489, %get3A_497 : vector<16xf32>
        %add3A_499 = arith.constant 4 : i32
        %add3A_500 = arith.addi %mul3A_467, %add3A_499 : i32
        %get3A_501 = arith.constant 0 : i32
        %get3A_502 = arith.index_cast %get3A_501 : i32 to index
        %get3A_503 = arith.index_cast %add3A_500 : i32 to index
        %get3A_504 = arith.constant 0 : index
        %get3A_505 = tpu.vector_load %arg7[%get3A_502, %get3A_503, %get3A_504] {strides = array<i32>} : memref<8x72x32xf32, #tpu.memory_space<vmem>>, vector<1x1x16xf32>,
        %get3A_506 = vector.shape_cast %get3A_505 : vector<1x1x16xf32> to vector<16xf32>
        %add3A_507 = arith.addf %add3A_498, %get3A_506 : vector<16xf32>
        %add3A_508 = arith.constant 5 : i32
        %add3A_509 = arith.addi %mul3A_467, %add3A_508 : i32
        %get3A_510 = arith.constant 0 : i32
        %get3A_511 = arith.index_cast %get3A_510 : i32 to index
        %get3A_512 = arith.index_cast %add3A_509 : i32 to index
        %get3A_513 = arith.constant 0 : index
        %get3A_514 = tpu.vector_load %arg7[%get3A_511, %get3A_512, %get3A_513] {strides = array<i32>} : memref<8x72x32xf32, #tpu.memory_space<vmem>>, vector<1x1x16xf32>,
        %get3A_515 = vector.shape_cast %get3A_514 : vector<1x1x16xf32> to vector<16xf32>
        %add3A_516 = arith.addf %add3A_507, %get3A_515 : vector<16xf32>
        %add3A_517 = arith.constant 6 : i32
        %add3A_518 = arith.addi %mul3A_467, %add3A_517 : i32
        %get3A_519 = arith.constant 0 : i32
        %get3A_520 = arith.index_cast %get3A_519 : i32 to index
        %get3A_521 = arith.index_cast %add3A_518 : i32 to index
        %get3A_522 = arith.constant 0 : index
        %get3A_523 = tpu.vector_load %arg7[%get3A_520, %get3A_521, %get3A_522] {strides = array<i32>} : memref<8x72x32xf32, #tpu.memory_space<vmem>>, vector<1x1x16xf32>,
        %get3A_524 = vector.shape_cast %get3A_523 : vector<1x1x16xf32> to vector<16xf32>
        %add3A_525 = arith.addf %add3A_516, %get3A_524 : vector<16xf32>
        %add3A_526 = arith.constant 7 : i32
        %add3A_527 = arith.addi %mul3A_467, %add3A_526 : i32
        %get3A_528 = arith.constant 0 : i32
        %get3A_529 = arith.index_cast %get3A_528 : i32 to index
        %get3A_530 = arith.index_cast %add3A_527 : i32 to index
        %get3A_531 = arith.constant 0 : index
        %get3A_532 = tpu.vector_load %arg7[%get3A_529, %get3A_530, %get3A_531] {strides = array<i32>} : memref<8x72x32xf32, #tpu.memory_space<vmem>>, vector<1x1x16xf32>,
        %get3A_533 = vector.shape_cast %get3A_532 : vector<1x1x16xf32> to vector<16xf32>
        %add3A_534 = arith.addf %add3A_525, %get3A_533 : vector<16xf32>
        %add3A_535 = arith.constant 8 : i32
        %add3A_536 = arith.addi %mul3A_467, %add3A_535 : i32
        %get3A_537 = arith.constant 0 : i32
        %get3A_538 = arith.index_cast %get3A_537 : i32 to index
        %get3A_539 = arith.index_cast %add3A_536 : i32 to index
        %get3A_540 = arith.constant 0 : index
        %get3A_541 = tpu.vector_load %arg7[%get3A_538, %get3A_539, %get3A_540] {strides = array<i32>} : memref<8x72x32xf32, #tpu.memory_space<vmem>>, vector<1x1x16xf32>,
        %get3A_542 = vector.shape_cast %get3A_541 : vector<1x1x16xf32> to vector<16xf32>
        %add3A_543 = arith.addf %add3A_534, %get3A_542 : vector<16xf32>
        %mul3A_544 = arith.constant 1.250000e-01 : f32
        %mul3A_545 = vector.broadcast %mul3A_544 : f32 to vector<16xf32>
        %mul3A_546 = arith.mulf %mul3A_545, %add3A_543 : vector<16xf32>
        %sub3A = arith.subf %get3A_472, %mul3A_546 : vector<16xf32>
        %mul3A_547 = arith.mulf %sub3A, %sub3A : vector<16xf32>
        %mul3A_548 = arith.constant 3.125000e-07 : f32
        %mul3A_549 = vector.broadcast %mul3A_548 : f32 to vector<16xf32>
        %mul3A_550 = arith.mulf %mul3A_547, %mul3A_549 : vector<16xf32>
        %add3A_551 = arith.addf %scan3A_465, %mul3A_550 : vector<16xf32>
        %get3A_552 = arith.constant 0 : i32
        %get3A_553 = arith.index_cast %get3A_552 : i32 to index
        %get3A_554 = arith.index_cast %mul3A_467 : i32 to index
        %get3A_555 = arith.constant 16 : index
        %get3A_556 = tpu.vector_load %arg7[%get3A_553, %get3A_554, %get3A_555] {strides = array<i32>} : memref<8x72x32xf32, #tpu.memory_space<vmem>>, vector<1x1x16xf32>,
        %get3A_557 = vector.shape_cast %get3A_556 : vector<1x1x16xf32> to vector<16xf32>
        %add3A_558 = arith.constant 1 : i32
        %add3A_559 = arith.addi %mul3A_467, %add3A_558 : i32
        %get3A_560 = arith.constant 0 : i32
        %get3A_561 = arith.index_cast %get3A_560 : i32 to index
        %get3A_562 = arith.index_cast %add3A_559 : i32 to index
        %get3A_563 = arith.constant 16 : index
        %get3A_564 = tpu.vector_load %arg7[%get3A_561, %get3A_562, %get3A_563] {strides = array<i32>} : memref<8x72x32xf32, #tpu.memory_space<vmem>>, vector<1x1x16xf32>,
        %get3A_565 = vector.shape_cast %get3A_564 : vector<1x1x16xf32> to vector<16xf32>
        %add3A_566 = arith.constant 2 : i32
        %add3A_567 = arith.addi %mul3A_467, %add3A_566 : i32
        %get3A_568 = arith.constant 0 : i32
        %get3A_569 = arith.index_cast %get3A_568 : i32 to index
        %get3A_570 = arith.index_cast %add3A_567 : i32 to index
        %get3A_571 = arith.constant 16 : index
        %get3A_572 = tpu.vector_load %arg7[%get3A_569, %get3A_570, %get3A_571] {strides = array<i32>} : memref<8x72x32xf32, #tpu.memory_space<vmem>>, vector<1x1x16xf32>,
        %get3A_573 = vector.shape_cast %get3A_572 : vector<1x1x16xf32> to vector<16xf32>
        %add3A_574 = arith.addf %get3A_565, %get3A_573 : vector<16xf32>
        %add3A_575 = arith.constant 3 : i32
        %add3A_576 = arith.addi %mul3A_467, %add3A_575 : i32
        %get3A_577 = arith.constant 0 : i32
        %get3A_578 = arith.index_cast %get3A_577 : i32 to index
        %get3A_579 = arith.index_cast %add3A_576 : i32 to index
        %get3A_580 = arith.constant 16 : index
        %get3A_581 = tpu.vector_load %arg7[%get3A_578, %get3A_579, %get3A_580] {strides = array<i32>} : memref<8x72x32xf32, #tpu.memory_space<vmem>>, vector<1x1x16xf32>,
        %get3A_582 = vector.shape_cast %get3A_581 : vector<1x1x16xf32> to vector<16xf32>
        %add3A_583 = arith.addf %add3A_574, %get3A_582 : vector<16xf32>
        %add3A_584 = arith.constant 4 : i32
        %add3A_585 = arith.addi %mul3A_467, %add3A_584 : i32
        %get3A_586 = arith.constant 0 : i32
        %get3A_587 = arith.index_cast %get3A_586 : i32 to index
        %get3A_588 = arith.index_cast %add3A_585 : i32 to index
        %get3A_589 = arith.constant 16 : index
        %get3A_590 = tpu.vector_load %arg7[%get3A_587, %get3A_588, %get3A_589] {strides = array<i32>} : memref<8x72x32xf32, #tpu.memory_space<vmem>>, vector<1x1x16xf32>,
        %get3A_591 = vector.shape_cast %get3A_590 : vector<1x1x16xf32> to vector<16xf32>
        %add3A_592 = arith.addf %add3A_583, %get3A_591 : vector<16xf32>
        %add3A_593 = arith.constant 5 : i32
        %add3A_594 = arith.addi %mul3A_467, %add3A_593 : i32
        %get3A_595 = arith.constant 0 : i32
        %get3A_596 = arith.index_cast %get3A_595 : i32 to index
        %get3A_597 = arith.index_cast %add3A_594 : i32 to index
        %get3A_598 = arith.constant 16 : index
        %get3A_599 = tpu.vector_load %arg7[%get3A_596, %get3A_597, %get3A_598] {strides = array<i32>} : memref<8x72x32xf32, #tpu.memory_space<vmem>>, vector<1x1x16xf32>,
        %get3A_600 = vector.shape_cast %get3A_599 : vector<1x1x16xf32> to vector<16xf32>
        %add3A_601 = arith.addf %add3A_592, %get3A_600 : vector<16xf32>
        %add3A_602 = arith.constant 6 : i32
        %add3A_603 = arith.addi %mul3A_467, %add3A_602 : i32
        %get3A_604 = arith.constant 0 : i32
        %get3A_605 = arith.index_cast %get3A_604 : i32 to index
        %get3A_606 = arith.index_cast %add3A_603 : i32 to index
        %get3A_607 = arith.constant 16 : index
        %get3A_608 = tpu.vector_load %arg7[%get3A_605, %get3A_606, %get3A_607] {strides = array<i32>} : memref<8x72x32xf32, #tpu.memory_space<vmem>>, vector<1x1x16xf32>,
        %get3A_609 = vector.shape_cast %get3A_608 : vector<1x1x16xf32> to vector<16xf32>
        %add3A_610 = arith.addf %add3A_601, %get3A_609 : vector<16xf32>
        %add3A_611 = arith.constant 7 : i32
        %add3A_612 = arith.addi %mul3A_467, %add3A_611 : i32
        %get3A_613 = arith.constant 0 : i32
        %get3A_614 = arith.index_cast %get3A_613 : i32 to index
        %get3A_615 = arith.index_cast %add3A_612 : i32 to index
        %get3A_616 = arith.constant 16 : index
        %get3A_617 = tpu.vector_load %arg7[%get3A_614, %get3A_615, %get3A_616] {strides = array<i32>} : memref<8x72x32xf32, #tpu.memory_space<vmem>>, vector<1x1x16xf32>,
        %get3A_618 = vector.shape_cast %get3A_617 : vector<1x1x16xf32> to vector<16xf32>
        %add3A_619 = arith.addf %add3A_610, %get3A_618 : vector<16xf32>
        %add3A_620 = arith.constant 8 : i32
        %add3A_621 = arith.addi %mul3A_467, %add3A_620 : i32
        %get3A_622 = arith.constant 0 : i32
        %get3A_623 = arith.index_cast %get3A_622 : i32 to index
        %get3A_624 = arith.index_cast %add3A_621 : i32 to index
        %get3A_625 = arith.constant 16 : index
        %get3A_626 = tpu.vector_load %arg7[%get3A_623, %get3A_624, %get3A_625] {strides = array<i32>} : memref<8x72x32xf32, #tpu.memory_space<vmem>>, vector<1x1x16xf32>,
        %get3A_627 = vector.shape_cast %get3A_626 : vector<1x1x16xf32> to vector<16xf32>
        %add3A_628 = arith.addf %add3A_619, %get3A_627 : vector<16xf32>
        %mul3A_629 = arith.constant 1.250000e-01 : f32
        %mul3A_630 = vector.broadcast %mul3A_629 : f32 to vector<16xf32>
        %mul3A_631 = arith.mulf %mul3A_630, %add3A_628 : vector<16xf32>
        %sub3A_632 = arith.subf %get3A_557, %mul3A_631 : vector<16xf32>
        %mul3A_633 = arith.mulf %sub3A_632, %sub3A_632 : vector<16xf32>
        %mul3A_634 = arith.constant 3.125000e-07 : f32
        %mul3A_635 = vector.broadcast %mul3A_634 : f32 to vector<16xf32>
        %mul3A_636 = arith.mulf %mul3A_633, %mul3A_635 : vector<16xf32>
        %add3A_637 = arith.addf %add3A_551, %mul3A_636 : vector<16xf32>
        %get3A_638 = arith.constant 0 : i32
        %get3A_639 = arith.index_cast %get3A_638 : i32 to index
        %get3A_640 = arith.index_cast %mul3A_467 : i32 to index
        %get3A_641 = arith.constant 0 : index
        %get3A_642 = tpu.vector_load %arg8[%get3A_639, %get3A_640, %get3A_641] {strides = array<i32>} : memref<8x72x16xf32, #tpu.memory_space<vmem>>, vector<1x1x16xf32>,
        %get3A_643 = vector.shape_cast %get3A_642 : vector<1x1x16xf32> to vector<16xf32>
        %add3A_644 = arith.constant 1 : i32
        %add3A_645 = arith.addi %mul3A_467, %add3A_644 : i32
        %get3A_646 = arith.constant 0 : i32
        %get3A_647 = arith.index_cast %get3A_646 : i32 to index
        %get3A_648 = arith.index_cast %add3A_645 : i32 to index
        %get3A_649 = arith.constant 0 : index
        %get3A_650 = tpu.vector_load %arg8[%get3A_647, %get3A_648, %get3A_649] {strides = array<i32>} : memref<8x72x16xf32, #tpu.memory_space<vmem>>, vector<1x1x16xf32>,
        %get3A_651 = vector.shape_cast %get3A_650 : vector<1x1x16xf32> to vector<16xf32>
        %add3A_652 = arith.constant 2 : i32
        %add3A_653 = arith.addi %mul3A_467, %add3A_652 : i32
        %get3A_654 = arith.constant 0 : i32
        %get3A_655 = arith.index_cast %get3A_654 : i32 to index
        %get3A_656 = arith.index_cast %add3A_653 : i32 to index
        %get3A_657 = arith.constant 0 : index
        %get3A_658 = tpu.vector_load %arg8[%get3A_655, %get3A_656, %get3A_657] {strides = array<i32>} : memref<8x72x16xf32, #tpu.memory_space<vmem>>, vector<1x1x16xf32>,
        %get3A_659 = vector.shape_cast %get3A_658 : vector<1x1x16xf32> to vector<16xf32>
        %add3A_660 = arith.addf %get3A_651, %get3A_659 : vector<16xf32>
        %add3A_661 = arith.constant 3 : i32
        %add3A_662 = arith.addi %mul3A_467, %add3A_661 : i32
        %get3A_663 = arith.constant 0 : i32
        %get3A_664 = arith.index_cast %get3A_663 : i32 to index
        %get3A_665 = arith.index_cast %add3A_662 : i32 to index
        %get3A_666 = arith.constant 0 : index
        %get3A_667 = tpu.vector_load %arg8[%get3A_664, %get3A_665, %get3A_666] {strides = array<i32>} : memref<8x72x16xf32, #tpu.memory_space<vmem>>, vector<1x1x16xf32>,
        %get3A_668 = vector.shape_cast %get3A_667 : vector<1x1x16xf32> to vector<16xf32>
        %add3A_669 = arith.addf %add3A_660, %get3A_668 : vector<16xf32>
        %add3A_670 = arith.constant 4 : i32
        %add3A_671 = arith.addi %mul3A_467, %add3A_670 : i32
        %get3A_672 = arith.constant 0 : i32
        %get3A_673 = arith.index_cast %get3A_672 : i32 to index
        %get3A_674 = arith.index_cast %add3A_671 : i32 to index
        %get3A_675 = arith.constant 0 : index
        %get3A_676 = tpu.vector_load %arg8[%get3A_673, %get3A_674, %get3A_675] {strides = array<i32>} : memref<8x72x16xf32, #tpu.memory_space<vmem>>, vector<1x1x16xf32>,
        %get3A_677 = vector.shape_cast %get3A_676 : vector<1x1x16xf32> to vector<16xf32>
        %add3A_678 = arith.addf %add3A_669, %get3A_677 : vector<16xf32>
        %add3A_679 = arith.constant 5 : i32
        %add3A_680 = arith.addi %mul3A_467, %add3A_679 : i32
        %get3A_681 = arith.constant 0 : i32
        %get3A_682 = arith.index_cast %get3A_681 : i32 to index
        %get3A_683 = arith.index_cast %add3A_680 : i32 to index
        %get3A_684 = arith.constant 0 : index
        %get3A_685 = tpu.vector_load %arg8[%get3A_682, %get3A_683, %get3A_684] {strides = array<i32>} : memref<8x72x16xf32, #tpu.memory_space<vmem>>, vector<1x1x16xf32>,
        %get3A_686 = vector.shape_cast %get3A_685 : vector<1x1x16xf32> to vector<16xf32>
        %add3A_687 = arith.addf %add3A_678, %get3A_686 : vector<16xf32>
        %add3A_688 = arith.constant 6 : i32
        %add3A_689 = arith.addi %mul3A_467, %add3A_688 : i32
        %get3A_690 = arith.constant 0 : i32
        %get3A_691 = arith.index_cast %get3A_690 : i32 to index
        %get3A_692 = arith.index_cast %add3A_689 : i32 to index
        %get3A_693 = arith.constant 0 : index
        %get3A_694 = tpu.vector_load %arg8[%get3A_691, %get3A_692, %get3A_693] {strides = array<i32>} : memref<8x72x16xf32, #tpu.memory_space<vmem>>, vector<1x1x16xf32>,
        %get3A_695 = vector.shape_cast %get3A_694 : vector<1x1x16xf32> to vector<16xf32>
        %add3A_696 = arith.addf %add3A_687, %get3A_695 : vector<16xf32>
        %add3A_697 = arith.constant 7 : i32
        %add3A_698 = arith.addi %mul3A_467, %add3A_697 : i32
        %get3A_699 = arith.constant 0 : i32
        %get3A_700 = arith.index_cast %get3A_699 : i32 to index
        %get3A_701 = arith.index_cast %add3A_698 : i32 to index
        %get3A_702 = arith.constant 0 : index
        %get3A_703 = tpu.vector_load %arg8[%get3A_700, %get3A_701, %get3A_702] {strides = array<i32>} : memref<8x72x16xf32, #tpu.memory_space<vmem>>, vector<1x1x16xf32>,
        %get3A_704 = vector.shape_cast %get3A_703 : vector<1x1x16xf32> to vector<16xf32>
        %add3A_705 = arith.addf %add3A_696, %get3A_704 : vector<16xf32>
        %add3A_706 = arith.constant 8 : i32
        %add3A_707 = arith.addi %mul3A_467, %add3A_706 : i32
        %get3A_708 = arith.constant 0 : i32
        %get3A_709 = arith.index_cast %get3A_708 : i32 to index
        %get3A_710 = arith.index_cast %add3A_707 : i32 to index
        %get3A_711 = arith.constant 0 : index
        %get3A_712 = tpu.vector_load %arg8[%get3A_709, %get3A_710, %get3A_711] {strides = array<i32>} : memref<8x72x16xf32, #tpu.memory_space<vmem>>, vector<1x1x16xf32>,
        %get3A_713 = vector.shape_cast %get3A_712 : vector<1x1x16xf32> to vector<16xf32>
        %add3A_714 = arith.addf %add3A_705, %get3A_713 : vector<16xf32>
        %mul3A_715 = arith.constant 1.250000e-01 : f32
        %mul3A_716 = vector.broadcast %mul3A_715 : f32 to vector<16xf32>
        %mul3A_717 = arith.mulf %mul3A_716, %add3A_714 : vector<16xf32>
        %sub3A_718 = arith.subf %get3A_643, %mul3A_717 : vector<16xf32>
        %mul3A_719 = arith.mulf %sub3A_718, %sub3A_718 : vector<16xf32>
        %mul3A_720 = arith.mulf %mul3A_719, %select_n3A_11 : vector<16xf32>
        %add3A_721 = arith.addf %add3A_637, %mul3A_720 : vector<16xf32>
        scf.yield %add3A_721 : vector<16xf32>
      }
      %scan3A_211 = arith.constant 8 : i32
      %add3A_212 = arith.constant 0 : i32
      %add3A_213 = arith.addi %mul3A_186, %add3A_212 : i32
      %add3A_214 = arith.constant 8 : i32
      %add3A_215 = arith.addi %add3A_213, %add3A_214 : i32
      %lt3A_216 = arith.constant 392 : i32
      %lt3A_217 = arith.cmpi slt, %add3A_215, %lt3A_216 : i32
      %convert_element_type3A = arith.extui %lt3A_217 : i1 to i32
      %cond3A = arith.constant 0 : i32
      %cond3A_218 = arith.cmpi ne, %convert_element_type3A, %cond3A : i32
      scf.if %cond3A_218 {
        %mul3A_464 = arith.constant 72 : i32
        %mul3A_465 = arith.muli %add3A_215, %mul3A_464 : i32
        %dma_start3A_466 = arith.constant 0 : i32
        %dma_start3A_467 = arith.constant 0 : i32
        %dma_start3A_468 = arith.constant 0 : i32
        %dma_start3A_469 = tpu.memref_slice %arg7[%dma_start3A_466, %dma_start3A_467, %dma_start3A_468] : memref<8x72x32xf32, #tpu.memory_space<vmem>> -> memref<1x72x32xf32, #tpu.memory_space<vmem>>
        %dma_start3A_470 = tpu.memref_squeeze %dma_start3A_469 : memref<1x72x32xf32, #tpu.memory_space<vmem>> -> memref<72x32xf32, #tpu.memory_space<vmem>>
        %dma_start3A_471 = tpu.memref_slice %arg6[%mul3A_465] : memref<28224xi32, #tpu.memory_space<vmem>> -> memref<72xi32, #tpu.memory_space<vmem>>
        %dma_start3A_472 = arith.constant 0 : i32
        %dma_start3A_473 = arith.constant 0 : i32
        %dma_start3A_474 = tpu.memref_slice %arg2[%dma_start3A_472, %dma_start3A_473] : memref<100000x32xf32, #tpu.memory_space<hbm>> -> memref<100000x32xf32, #tpu.memory_space<hbm>>
        tpu.enqueue_indirect_dma source(%dma_start3A_474 : memref<100000x32xf32, #tpu.memory_space<hbm>>) target(%dma_start3A_470 : memref<72x32xf32, #tpu.memory_space<vmem>>) offsets(%dma_start3A_471 : memref<72xi32, #tpu.memory_space<vmem>>) semaphore(%arg10 : memref<!tpu.dma_semaphore, #tpu.memory_space<semaphore_mem>>)
        %dma_start3A_475 = arith.constant 0 : i32
        %dma_start3A_476 = arith.constant 0 : i32
        %dma_start3A_477 = arith.constant 0 : i32
        %dma_start3A_478 = tpu.memref_slice %arg8[%dma_start3A_475, %dma_start3A_476, %dma_start3A_477] : memref<8x72x16xf32, #tpu.memory_space<vmem>> -> memref<1x72x16xf32, #tpu.memory_space<vmem>>
        %dma_start3A_479 = tpu.memref_squeeze %dma_start3A_478 : memref<1x72x16xf32, #tpu.memory_space<vmem>> -> memref<72x16xf32, #tpu.memory_space<vmem>>
        %dma_start3A_480 = tpu.memref_slice %arg6[%mul3A_465] : memref<28224xi32, #tpu.memory_space<vmem>> -> memref<72xi32, #tpu.memory_space<vmem>>
        %dma_start3A_481 = arith.constant 0 : i32
        %dma_start3A_482 = arith.constant 0 : i32
        %dma_start3A_483 = tpu.memref_slice %arg3[%dma_start3A_481, %dma_start3A_482] : memref<100000x16xf32, #tpu.memory_space<hbm>> -> memref<100000x16xf32, #tpu.memory_space<hbm>>
        tpu.enqueue_indirect_dma source(%dma_start3A_483 : memref<100000x16xf32, #tpu.memory_space<hbm>>) target(%dma_start3A_479 : memref<72x16xf32, #tpu.memory_space<vmem>>) offsets(%dma_start3A_480 : memref<72xi32, #tpu.memory_space<vmem>>) semaphore(%arg10 : memref<!tpu.dma_semaphore, #tpu.memory_space<semaphore_mem>>)
      } else {
      }
      %dma_wait3A_219 = arith.constant 1 : i32
      %dma_wait3A_220 = arith.constant 0 : i32
      %dma_wait3A_221 = arith.constant 0 : i32
      %dma_wait3A_222 = tpu.memref_slice %arg7[%dma_wait3A_219, %dma_wait3A_220, %dma_wait3A_221] : memref<8x72x32xf32, #tpu.memory_space<vmem>> -> memref<1x72x32xf32, #tpu.memory_space<vmem>>
      %dma_wait3A_223 = tpu.memref_squeeze %dma_wait3A_222 : memref<1x72x32xf32, #tpu.memory_space<vmem>> -> memref<72x32xf32, #tpu.memory_space<vmem>>
      %dma_wait3A_224 = arith.constant 72 : i32
      %dma_wait3A_225 = tpu.memref_slice %arg6[%dma_wait3A_224] : memref<28224xi32, #tpu.memory_space<vmem>> -> memref<72xi32, #tpu.memory_space<vmem>>
      %dma_wait3A_226 = arith.constant 0 : i32
      %dma_wait3A_227 = arith.constant 0 : i32
      %dma_wait3A_228 = tpu.memref_slice %arg2[%dma_wait3A_226, %dma_wait3A_227] : memref<100000x32xf32, #tpu.memory_space<hbm>> -> memref<100000x32xf32, #tpu.memory_space<hbm>>
      tpu.wait_indirect_dma semaphore(%arg11 : memref<!tpu.dma_semaphore, #tpu.memory_space<semaphore_mem>>) src(%dma_wait3A_228 : memref<100000x32xf32, #tpu.memory_space<hbm>>) dst(%dma_wait3A_223 : memref<72x32xf32, #tpu.memory_space<vmem>>)
      %dma_wait3A_229 = arith.constant 1 : i32
      %dma_wait3A_230 = arith.constant 0 : i32
      %dma_wait3A_231 = arith.constant 0 : i32
      %dma_wait3A_232 = tpu.memref_slice %arg8[%dma_wait3A_229, %dma_wait3A_230, %dma_wait3A_231] : memref<8x72x16xf32, #tpu.memory_space<vmem>> -> memref<1x72x16xf32, #tpu.memory_space<vmem>>
      %dma_wait3A_233 = tpu.memref_squeeze %dma_wait3A_232 : memref<1x72x16xf32, #tpu.memory_space<vmem>> -> memref<72x16xf32, #tpu.memory_space<vmem>>
      %dma_wait3A_234 = arith.constant 72 : i32
      %dma_wait3A_235 = tpu.memref_slice %arg6[%dma_wait3A_234] : memref<28224xi32, #tpu.memory_space<vmem>> -> memref<72xi32, #tpu.memory_space<vmem>>
      %dma_wait3A_236 = arith.constant 0 : i32
      %dma_wait3A_237 = arith.constant 0 : i32
      %dma_wait3A_238 = tpu.memref_slice %arg3[%dma_wait3A_236, %dma_wait3A_237] : memref<100000x16xf32, #tpu.memory_space<hbm>> -> memref<100000x16xf32, #tpu.memory_space<hbm>>
      tpu.wait_indirect_dma semaphore(%arg11 : memref<!tpu.dma_semaphore, #tpu.memory_space<semaphore_mem>>) src(%dma_wait3A_238 : memref<100000x16xf32, #tpu.memory_space<hbm>>) dst(%dma_wait3A_233 : memref<72x16xf32, #tpu.memory_space<vmem>>)
      %scan3A_239 = arith.constant 0 : i32
      %scan3A_240 = arith.constant 8 : i32
      %scan3A_241 = arith.addi %scan3A_239, %scan3A_240 : i32
      %scan3A_242 = arith.constant 1 : i32
      %scan3A_243 = scf.for %scan3A_464 = %scan3A_239 to %scan3A_241 step %scan3A_242 iter_args(%scan3A_465 = %scan3A_210) -> (vector<16xf32>)  : i32 {
        %mul3A_466 = arith.constant 9 : i32
        %mul3A_467 = arith.muli %scan3A_464, %mul3A_466 : i32
        %get3A = arith.constant 1 : i32
        %get3A_468 = arith.index_cast %get3A : i32 to index
        %get3A_469 = arith.index_cast %mul3A_467 : i32 to index
        %get3A_470 = arith.constant 0 : index
        %get3A_471 = tpu.vector_load %arg7[%get3A_468, %get3A_469, %get3A_470] {strides = array<i32>} : memref<8x72x32xf32, #tpu.memory_space<vmem>>, vector<1x1x16xf32>,
        %get3A_472 = vector.shape_cast %get3A_471 : vector<1x1x16xf32> to vector<16xf32>
        %add3A_473 = arith.constant 1 : i32
        %add3A_474 = arith.addi %mul3A_467, %add3A_473 : i32
        %get3A_475 = arith.constant 1 : i32
        %get3A_476 = arith.index_cast %get3A_475 : i32 to index
        %get3A_477 = arith.index_cast %add3A_474 : i32 to index
        %get3A_478 = arith.constant 0 : index
        %get3A_479 = tpu.vector_load %arg7[%get3A_476, %get3A_477, %get3A_478] {strides = array<i32>} : memref<8x72x32xf32, #tpu.memory_space<vmem>>, vector<1x1x16xf32>,
        %get3A_480 = vector.shape_cast %get3A_479 : vector<1x1x16xf32> to vector<16xf32>
        %add3A_481 = arith.constant 2 : i32
        %add3A_482 = arith.addi %mul3A_467, %add3A_481 : i32
        %get3A_483 = arith.constant 1 : i32
        %get3A_484 = arith.index_cast %get3A_483 : i32 to index
        %get3A_485 = arith.index_cast %add3A_482 : i32 to index
        %get3A_486 = arith.constant 0 : index
        %get3A_487 = tpu.vector_load %arg7[%get3A_484, %get3A_485, %get3A_486] {strides = array<i32>} : memref<8x72x32xf32, #tpu.memory_space<vmem>>, vector<1x1x16xf32>,
        %get3A_488 = vector.shape_cast %get3A_487 : vector<1x1x16xf32> to vector<16xf32>
        %add3A_489 = arith.addf %get3A_480, %get3A_488 : vector<16xf32>
        %add3A_490 = arith.constant 3 : i32
        %add3A_491 = arith.addi %mul3A_467, %add3A_490 : i32
        %get3A_492 = arith.constant 1 : i32
        %get3A_493 = arith.index_cast %get3A_492 : i32 to index
        %get3A_494 = arith.index_cast %add3A_491 : i32 to index
        %get3A_495 = arith.constant 0 : index
        %get3A_496 = tpu.vector_load %arg7[%get3A_493, %get3A_494, %get3A_495] {strides = array<i32>} : memref<8x72x32xf32, #tpu.memory_space<vmem>>, vector<1x1x16xf32>,
        %get3A_497 = vector.shape_cast %get3A_496 : vector<1x1x16xf32> to vector<16xf32>
        %add3A_498 = arith.addf %add3A_489, %get3A_497 : vector<16xf32>
        %add3A_499 = arith.constant 4 : i32
        %add3A_500 = arith.addi %mul3A_467, %add3A_499 : i32
        %get3A_501 = arith.constant 1 : i32
        %get3A_502 = arith.index_cast %get3A_501 : i32 to index
        %get3A_503 = arith.index_cast %add3A_500 : i32 to index
        %get3A_504 = arith.constant 0 : index
        %get3A_505 = tpu.vector_load %arg7[%get3A_502, %get3A_503, %get3A_504] {strides = array<i32>} : memref<8x72x32xf32, #tpu.memory_space<vmem>>, vector<1x1x16xf32>,
        %get3A_506 = vector.shape_cast %get3A_505 : vector<1x1x16xf32> to vector<16xf32>
        %add3A_507 = arith.addf %add3A_498, %get3A_506 : vector<16xf32>
        %add3A_508 = arith.constant 5 : i32
        %add3A_509 = arith.addi %mul3A_467, %add3A_508 : i32
        %get3A_510 = arith.constant 1 : i32
        %get3A_511 = arith.index_cast %get3A_510 : i32 to index
        %get3A_512 = arith.index_cast %add3A_509 : i32 to index
        %get3A_513 = arith.constant 0 : index
        %get3A_514 = tpu.vector_load %arg7[%get3A_511, %get3A_512, %get3A_513] {strides = array<i32>} : memref<8x72x32xf32, #tpu.memory_space<vmem>>, vector<1x1x16xf32>,
        %get3A_515 = vector.shape_cast %get3A_514 : vector<1x1x16xf32> to vector<16xf32>
        %add3A_516 = arith.addf %add3A_507, %get3A_515 : vector<16xf32>
        %add3A_517 = arith.constant 6 : i32
        %add3A_518 = arith.addi %mul3A_467, %add3A_517 : i32
        %get3A_519 = arith.constant 1 : i32
        %get3A_520 = arith.index_cast %get3A_519 : i32 to index
        %get3A_521 = arith.index_cast %add3A_518 : i32 to index
        %get3A_522 = arith.constant 0 : index
        %get3A_523 = tpu.vector_load %arg7[%get3A_520, %get3A_521, %get3A_522] {strides = array<i32>} : memref<8x72x32xf32, #tpu.memory_space<vmem>>, vector<1x1x16xf32>,
        %get3A_524 = vector.shape_cast %get3A_523 : vector<1x1x16xf32> to vector<16xf32>
        %add3A_525 = arith.addf %add3A_516, %get3A_524 : vector<16xf32>
        %add3A_526 = arith.constant 7 : i32
        %add3A_527 = arith.addi %mul3A_467, %add3A_526 : i32
        %get3A_528 = arith.constant 1 : i32
        %get3A_529 = arith.index_cast %get3A_528 : i32 to index
        %get3A_530 = arith.index_cast %add3A_527 : i32 to index
        %get3A_531 = arith.constant 0 : index
        %get3A_532 = tpu.vector_load %arg7[%get3A_529, %get3A_530, %get3A_531] {strides = array<i32>} : memref<8x72x32xf32, #tpu.memory_space<vmem>>, vector<1x1x16xf32>,
        %get3A_533 = vector.shape_cast %get3A_532 : vector<1x1x16xf32> to vector<16xf32>
        %add3A_534 = arith.addf %add3A_525, %get3A_533 : vector<16xf32>
        %add3A_535 = arith.constant 8 : i32
        %add3A_536 = arith.addi %mul3A_467, %add3A_535 : i32
        %get3A_537 = arith.constant 1 : i32
        %get3A_538 = arith.index_cast %get3A_537 : i32 to index
        %get3A_539 = arith.index_cast %add3A_536 : i32 to index
        %get3A_540 = arith.constant 0 : index
        %get3A_541 = tpu.vector_load %arg7[%get3A_538, %get3A_539, %get3A_540] {strides = array<i32>} : memref<8x72x32xf32, #tpu.memory_space<vmem>>, vector<1x1x16xf32>,
        %get3A_542 = vector.shape_cast %get3A_541 : vector<1x1x16xf32> to vector<16xf32>
        %add3A_543 = arith.addf %add3A_534, %get3A_542 : vector<16xf32>
        %mul3A_544 = arith.constant 1.250000e-01 : f32
        %mul3A_545 = vector.broadcast %mul3A_544 : f32 to vector<16xf32>
        %mul3A_546 = arith.mulf %mul3A_545, %add3A_543 : vector<16xf32>
        %sub3A = arith.subf %get3A_472, %mul3A_546 : vector<16xf32>
        %mul3A_547 = arith.mulf %sub3A, %sub3A : vector<16xf32>
        %mul3A_548 = arith.constant 3.125000e-07 : f32
        %mul3A_549 = vector.broadcast %mul3A_548 : f32 to vector<16xf32>
        %mul3A_550 = arith.mulf %mul3A_547, %mul3A_549 : vector<16xf32>
        %add3A_551 = arith.addf %scan3A_465, %mul3A_550 : vector<16xf32>
        %get3A_552 = arith.constant 1 : i32
        %get3A_553 = arith.index_cast %get3A_552 : i32 to index
        %get3A_554 = arith.index_cast %mul3A_467 : i32 to index
        %get3A_555 = arith.constant 16 : index
        %get3A_556 = tpu.vector_load %arg7[%get3A_553, %get3A_554, %get3A_555] {strides = array<i32>} : memref<8x72x32xf32, #tpu.memory_space<vmem>>, vector<1x1x16xf32>,
        %get3A_557 = vector.shape_cast %get3A_556 : vector<1x1x16xf32> to vector<16xf32>
        %add3A_558 = arith.constant 1 : i32
        %add3A_559 = arith.addi %mul3A_467, %add3A_558 : i32
        %get3A_560 = arith.constant 1 : i32
        %get3A_561 = arith.index_cast %get3A_560 : i32 to index
        %get3A_562 = arith.index_cast %add3A_559 : i32 to index
        %get3A_563 = arith.constant 16 : index
        %get3A_564 = tpu.vector_load %arg7[%get3A_561, %get3A_562, %get3A_563] {strides = array<i32>} : memref<8x72x32xf32, #tpu.memory_space<vmem>>, vector<1x1x16xf32>,
        %get3A_565 = vector.shape_cast %get3A_564 : vector<1x1x16xf32> to vector<16xf32>
        %add3A_566 = arith.constant 2 : i32
        %add3A_567 = arith.addi %mul3A_467, %add3A_566 : i32
        %get3A_568 = arith.constant 1 : i32
        %get3A_569 = arith.index_cast %get3A_568 : i32 to index
        %get3A_570 = arith.index_cast %add3A_567 : i32 to index
        %get3A_571 = arith.constant 16 : index
        %get3A_572 = tpu.vector_load %arg7[%get3A_569, %get3A_570, %get3A_571] {strides = array<i32>} : memref<8x72x32xf32, #tpu.memory_space<vmem>>, vector<1x1x16xf32>,
        %get3A_573 = vector.shape_cast %get3A_572 : vector<1x1x16xf32> to vector<16xf32>
        %add3A_574 = arith.addf %get3A_565, %get3A_573 : vector<16xf32>
        %add3A_575 = arith.constant 3 : i32
        %add3A_576 = arith.addi %mul3A_467, %add3A_575 : i32
        %get3A_577 = arith.constant 1 : i32
        %get3A_578 = arith.index_cast %get3A_577 : i32 to index
        %get3A_579 = arith.index_cast %add3A_576 : i32 to index
        %get3A_580 = arith.constant 16 : index
        %get3A_581 = tpu.vector_load %arg7[%get3A_578, %get3A_579, %get3A_580] {strides = array<i32>} : memref<8x72x32xf32, #tpu.memory_space<vmem>>, vector<1x1x16xf32>,
        %get3A_582 = vector.shape_cast %get3A_581 : vector<1x1x16xf32> to vector<16xf32>
        %add3A_583 = arith.addf %add3A_574, %get3A_582 : vector<16xf32>
        %add3A_584 = arith.constant 4 : i32
        %add3A_585 = arith.addi %mul3A_467, %add3A_584 : i32
        %get3A_586 = arith.constant 1 : i32
        %get3A_587 = arith.index_cast %get3A_586 : i32 to index
        %get3A_588 = arith.index_cast %add3A_585 : i32 to index
        %get3A_589 = arith.constant 16 : index
        %get3A_590 = tpu.vector_load %arg7[%get3A_587, %get3A_588, %get3A_589] {strides = array<i32>} : memref<8x72x32xf32, #tpu.memory_space<vmem>>, vector<1x1x16xf32>,
        %get3A_591 = vector.shape_cast %get3A_590 : vector<1x1x16xf32> to vector<16xf32>
        %add3A_592 = arith.addf %add3A_583, %get3A_591 : vector<16xf32>
        %add3A_593 = arith.constant 5 : i32
        %add3A_594 = arith.addi %mul3A_467, %add3A_593 : i32
        %get3A_595 = arith.constant 1 : i32
        %get3A_596 = arith.index_cast %get3A_595 : i32 to index
        %get3A_597 = arith.index_cast %add3A_594 : i32 to index
        %get3A_598 = arith.constant 16 : index
        %get3A_599 = tpu.vector_load %arg7[%get3A_596, %get3A_597, %get3A_598] {strides = array<i32>} : memref<8x72x32xf32, #tpu.memory_space<vmem>>, vector<1x1x16xf32>,
        %get3A_600 = vector.shape_cast %get3A_599 : vector<1x1x16xf32> to vector<16xf32>
        %add3A_601 = arith.addf %add3A_592, %get3A_600 : vector<16xf32>
        %add3A_602 = arith.constant 6 : i32
        %add3A_603 = arith.addi %mul3A_467, %add3A_602 : i32
        %get3A_604 = arith.constant 1 : i32
        %get3A_605 = arith.index_cast %get3A_604 : i32 to index
        %get3A_606 = arith.index_cast %add3A_603 : i32 to index
        %get3A_607 = arith.constant 16 : index
        %get3A_608 = tpu.vector_load %arg7[%get3A_605, %get3A_606, %get3A_607] {strides = array<i32>} : memref<8x72x32xf32, #tpu.memory_space<vmem>>, vector<1x1x16xf32>,
        %get3A_609 = vector.shape_cast %get3A_608 : vector<1x1x16xf32> to vector<16xf32>
        %add3A_610 = arith.addf %add3A_601, %get3A_609 : vector<16xf32>
        %add3A_611 = arith.constant 7 : i32
        %add3A_612 = arith.addi %mul3A_467, %add3A_611 : i32
        %get3A_613 = arith.constant 1 : i32
        %get3A_614 = arith.index_cast %get3A_613 : i32 to index
        %get3A_615 = arith.index_cast %add3A_612 : i32 to index
        %get3A_616 = arith.constant 16 : index
        %get3A_617 = tpu.vector_load %arg7[%get3A_614, %get3A_615, %get3A_616] {strides = array<i32>} : memref<8x72x32xf32, #tpu.memory_space<vmem>>, vector<1x1x16xf32>,
        %get3A_618 = vector.shape_cast %get3A_617 : vector<1x1x16xf32> to vector<16xf32>
        %add3A_619 = arith.addf %add3A_610, %get3A_618 : vector<16xf32>
        %add3A_620 = arith.constant 8 : i32
        %add3A_621 = arith.addi %mul3A_467, %add3A_620 : i32
        %get3A_622 = arith.constant 1 : i32
        %get3A_623 = arith.index_cast %get3A_622 : i32 to index
        %get3A_624 = arith.index_cast %add3A_621 : i32 to index
        %get3A_625 = arith.constant 16 : index
        %get3A_626 = tpu.vector_load %arg7[%get3A_623, %get3A_624, %get3A_625] {strides = array<i32>} : memref<8x72x32xf32, #tpu.memory_space<vmem>>, vector<1x1x16xf32>,
        %get3A_627 = vector.shape_cast %get3A_626 : vector<1x1x16xf32> to vector<16xf32>
        %add3A_628 = arith.addf %add3A_619, %get3A_627 : vector<16xf32>
        %mul3A_629 = arith.constant 1.250000e-01 : f32
        %mul3A_630 = vector.broadcast %mul3A_629 : f32 to vector<16xf32>
        %mul3A_631 = arith.mulf %mul3A_630, %add3A_628 : vector<16xf32>
        %sub3A_632 = arith.subf %get3A_557, %mul3A_631 : vector<16xf32>
        %mul3A_633 = arith.mulf %sub3A_632, %sub3A_632 : vector<16xf32>
        %mul3A_634 = arith.constant 3.125000e-07 : f32
        %mul3A_635 = vector.broadcast %mul3A_634 : f32 to vector<16xf32>
        %mul3A_636 = arith.mulf %mul3A_633, %mul3A_635 : vector<16xf32>
        %add3A_637 = arith.addf %add3A_551, %mul3A_636 : vector<16xf32>
        %get3A_638 = arith.constant 1 : i32
        %get3A_639 = arith.index_cast %get3A_638 : i32 to index
        %get3A_640 = arith.index_cast %mul3A_467 : i32 to index
        %get3A_641 = arith.constant 0 : index
        %get3A_642 = tpu.vector_load %arg8[%get3A_639, %get3A_640, %get3A_641] {strides = array<i32>} : memref<8x72x16xf32, #tpu.memory_space<vmem>>, vector<1x1x16xf32>,
        %get3A_643 = vector.shape_cast %get3A_642 : vector<1x1x16xf32> to vector<16xf32>
        %add3A_644 = arith.constant 1 : i32
        %add3A_645 = arith.addi %mul3A_467, %add3A_644 : i32
        %get3A_646 = arith.constant 1 : i32
        %get3A_647 = arith.index_cast %get3A_646 : i32 to index
        %get3A_648 = arith.index_cast %add3A_645 : i32 to index
        %get3A_649 = arith.constant 0 : index
        %get3A_650 = tpu.vector_load %arg8[%get3A_647, %get3A_648, %get3A_649] {strides = array<i32>} : memref<8x72x16xf32, #tpu.memory_space<vmem>>, vector<1x1x16xf32>,
        %get3A_651 = vector.shape_cast %get3A_650 : vector<1x1x16xf32> to vector<16xf32>
        %add3A_652 = arith.constant 2 : i32
        %add3A_653 = arith.addi %mul3A_467, %add3A_652 : i32
        %get3A_654 = arith.constant 1 : i32
        %get3A_655 = arith.index_cast %get3A_654 : i32 to index
        %get3A_656 = arith.index_cast %add3A_653 : i32 to index
        %get3A_657 = arith.constant 0 : index
        %get3A_658 = tpu.vector_load %arg8[%get3A_655, %get3A_656, %get3A_657] {strides = array<i32>} : memref<8x72x16xf32, #tpu.memory_space<vmem>>, vector<1x1x16xf32>,
        %get3A_659 = vector.shape_cast %get3A_658 : vector<1x1x16xf32> to vector<16xf32>
        %add3A_660 = arith.addf %get3A_651, %get3A_659 : vector<16xf32>
        %add3A_661 = arith.constant 3 : i32
        %add3A_662 = arith.addi %mul3A_467, %add3A_661 : i32
        %get3A_663 = arith.constant 1 : i32
        %get3A_664 = arith.index_cast %get3A_663 : i32 to index
        %get3A_665 = arith.index_cast %add3A_662 : i32 to index
        %get3A_666 = arith.constant 0 : index
        %get3A_667 = tpu.vector_load %arg8[%get3A_664, %get3A_665, %get3A_666] {strides = array<i32>} : memref<8x72x16xf32, #tpu.memory_space<vmem>>, vector<1x1x16xf32>,
        %get3A_668 = vector.shape_cast %get3A_667 : vector<1x1x16xf32> to vector<16xf32>
        %add3A_669 = arith.addf %add3A_660, %get3A_668 : vector<16xf32>
        %add3A_670 = arith.constant 4 : i32
        %add3A_671 = arith.addi %mul3A_467, %add3A_670 : i32
        %get3A_672 = arith.constant 1 : i32
        %get3A_673 = arith.index_cast %get3A_672 : i32 to index
        %get3A_674 = arith.index_cast %add3A_671 : i32 to index
        %get3A_675 = arith.constant 0 : index
        %get3A_676 = tpu.vector_load %arg8[%get3A_673, %get3A_674, %get3A_675] {strides = array<i32>} : memref<8x72x16xf32, #tpu.memory_space<vmem>>, vector<1x1x16xf32>,
        %get3A_677 = vector.shape_cast %get3A_676 : vector<1x1x16xf32> to vector<16xf32>
        %add3A_678 = arith.addf %add3A_669, %get3A_677 : vector<16xf32>
        %add3A_679 = arith.constant 5 : i32
        %add3A_680 = arith.addi %mul3A_467, %add3A_679 : i32
        %get3A_681 = arith.constant 1 : i32
        %get3A_682 = arith.index_cast %get3A_681 : i32 to index
        %get3A_683 = arith.index_cast %add3A_680 : i32 to index
        %get3A_684 = arith.constant 0 : index
        %get3A_685 = tpu.vector_load %arg8[%get3A_682, %get3A_683, %get3A_684] {strides = array<i32>} : memref<8x72x16xf32, #tpu.memory_space<vmem>>, vector<1x1x16xf32>,
        %get3A_686 = vector.shape_cast %get3A_685 : vector<1x1x16xf32> to vector<16xf32>
        %add3A_687 = arith.addf %add3A_678, %get3A_686 : vector<16xf32>
        %add3A_688 = arith.constant 6 : i32
        %add3A_689 = arith.addi %mul3A_467, %add3A_688 : i32
        %get3A_690 = arith.constant 1 : i32
        %get3A_691 = arith.index_cast %get3A_690 : i32 to index
        %get3A_692 = arith.index_cast %add3A_689 : i32 to index
        %get3A_693 = arith.constant 0 : index
        %get3A_694 = tpu.vector_load %arg8[%get3A_691, %get3A_692, %get3A_693] {strides = array<i32>} : memref<8x72x16xf32, #tpu.memory_space<vmem>>, vector<1x1x16xf32>,
        %get3A_695 = vector.shape_cast %get3A_694 : vector<1x1x16xf32> to vector<16xf32>
        %add3A_696 = arith.addf %add3A_687, %get3A_695 : vector<16xf32>
        %add3A_697 = arith.constant 7 : i32
        %add3A_698 = arith.addi %mul3A_467, %add3A_697 : i32
        %get3A_699 = arith.constant 1 : i32
        %get3A_700 = arith.index_cast %get3A_699 : i32 to index
        %get3A_701 = arith.index_cast %add3A_698 : i32 to index
        %get3A_702 = arith.constant 0 : index
        %get3A_703 = tpu.vector_load %arg8[%get3A_700, %get3A_701, %get3A_702] {strides = array<i32>} : memref<8x72x16xf32, #tpu.memory_space<vmem>>, vector<1x1x16xf32>,
        %get3A_704 = vector.shape_cast %get3A_703 : vector<1x1x16xf32> to vector<16xf32>
        %add3A_705 = arith.addf %add3A_696, %get3A_704 : vector<16xf32>
        %add3A_706 = arith.constant 8 : i32
        %add3A_707 = arith.addi %mul3A_467, %add3A_706 : i32
        %get3A_708 = arith.constant 1 : i32
        %get3A_709 = arith.index_cast %get3A_708 : i32 to index
        %get3A_710 = arith.index_cast %add3A_707 : i32 to index
        %get3A_711 = arith.constant 0 : index
        %get3A_712 = tpu.vector_load %arg8[%get3A_709, %get3A_710, %get3A_711] {strides = array<i32>} : memref<8x72x16xf32, #tpu.memory_space<vmem>>, vector<1x1x16xf32>,
        %get3A_713 = vector.shape_cast %get3A_712 : vector<1x1x16xf32> to vector<16xf32>
        %add3A_714 = arith.addf %add3A_705, %get3A_713 : vector<16xf32>
        %mul3A_715 = arith.constant 1.250000e-01 : f32
        %mul3A_716 = vector.broadcast %mul3A_715 : f32 to vector<16xf32>
        %mul3A_717 = arith.mulf %mul3A_716, %add3A_714 : vector<16xf32>
        %sub3A_718 = arith.subf %get3A_643, %mul3A_717 : vector<16xf32>
        %mul3A_719 = arith.mulf %sub3A_718, %sub3A_718 : vector<16xf32>
        %mul3A_720 = arith.mulf %mul3A_719, %select_n3A_11 : vector<16xf32>
        %add3A_721 = arith.addf %add3A_637, %mul3A_720 : vector<16xf32>
        scf.yield %add3A_721 : vector<16xf32>
      }
      %scan3A_244 = arith.constant 8 : i32
      %add3A_245 = arith.constant 1 : i32
      %add3A_246 = arith.addi %mul3A_186, %add3A_245 : i32
      %add3A_247 = arith.constant 8 : i32
      %add3A_248 = arith.addi %add3A_246, %add3A_247 : i32
      %lt3A_249 = arith.constant 392 : i32
      %lt3A_250 = arith.cmpi slt, %add3A_248, %lt3A_249 : i32
      %convert_element_type3A_251 = arith.extui %lt3A_250 : i1 to i32
      %cond3A_252 = arith.constant 0 : i32
      %cond3A_253 = arith.cmpi ne, %convert_element_type3A_251, %cond3A_252 : i32
      scf.if %cond3A_253 {
        %mul3A_464 = arith.constant 72 : i32
        %mul3A_465 = arith.muli %add3A_248, %mul3A_464 : i32
        %dma_start3A_466 = arith.constant 1 : i32
        %dma_start3A_467 = arith.constant 0 : i32
        %dma_start3A_468 = arith.constant 0 : i32
        %dma_start3A_469 = tpu.memref_slice %arg7[%dma_start3A_466, %dma_start3A_467, %dma_start3A_468] : memref<8x72x32xf32, #tpu.memory_space<vmem>> -> memref<1x72x32xf32, #tpu.memory_space<vmem>>
        %dma_start3A_470 = tpu.memref_squeeze %dma_start3A_469 : memref<1x72x32xf32, #tpu.memory_space<vmem>> -> memref<72x32xf32, #tpu.memory_space<vmem>>
        %dma_start3A_471 = tpu.memref_slice %arg6[%mul3A_465] : memref<28224xi32, #tpu.memory_space<vmem>> -> memref<72xi32, #tpu.memory_space<vmem>>
        %dma_start3A_472 = arith.constant 0 : i32
        %dma_start3A_473 = arith.constant 0 : i32
        %dma_start3A_474 = tpu.memref_slice %arg2[%dma_start3A_472, %dma_start3A_473] : memref<100000x32xf32, #tpu.memory_space<hbm>> -> memref<100000x32xf32, #tpu.memory_space<hbm>>
        tpu.enqueue_indirect_dma source(%dma_start3A_474 : memref<100000x32xf32, #tpu.memory_space<hbm>>) target(%dma_start3A_470 : memref<72x32xf32, #tpu.memory_space<vmem>>) offsets(%dma_start3A_471 : memref<72xi32, #tpu.memory_space<vmem>>) semaphore(%arg11 : memref<!tpu.dma_semaphore, #tpu.memory_space<semaphore_mem>>)
        %dma_start3A_475 = arith.constant 1 : i32
        %dma_start3A_476 = arith.constant 0 : i32
        %dma_start3A_477 = arith.constant 0 : i32
        %dma_start3A_478 = tpu.memref_slice %arg8[%dma_start3A_475, %dma_start3A_476, %dma_start3A_477] : memref<8x72x16xf32, #tpu.memory_space<vmem>> -> memref<1x72x16xf32, #tpu.memory_space<vmem>>
        %dma_start3A_479 = tpu.memref_squeeze %dma_start3A_478 : memref<1x72x16xf32, #tpu.memory_space<vmem>> -> memref<72x16xf32, #tpu.memory_space<vmem>>
        %dma_start3A_480 = tpu.memref_slice %arg6[%mul3A_465] : memref<28224xi32, #tpu.memory_space<vmem>> -> memref<72xi32, #tpu.memory_space<vmem>>
        %dma_start3A_481 = arith.constant 0 : i32
        %dma_start3A_482 = arith.constant 0 : i32
        %dma_start3A_483 = tpu.memref_slice %arg3[%dma_start3A_481, %dma_start3A_482] : memref<100000x16xf32, #tpu.memory_space<hbm>> -> memref<100000x16xf32, #tpu.memory_space<hbm>>
        tpu.enqueue_indirect_dma source(%dma_start3A_483 : memref<100000x16xf32, #tpu.memory_space<hbm>>) target(%dma_start3A_479 : memref<72x16xf32, #tpu.memory_space<vmem>>) offsets(%dma_start3A_480 : memref<72xi32, #tpu.memory_space<vmem>>) semaphore(%arg11 : memref<!tpu.dma_semaphore, #tpu.memory_space<semaphore_mem>>)
      } else {
      }
      %dma_wait3A_254 = arith.constant 2 : i32
      %dma_wait3A_255 = arith.constant 0 : i32
      %dma_wait3A_256 = arith.constant 0 : i32
      %dma_wait3A_257 = tpu.memref_slice %arg7[%dma_wait3A_254, %dma_wait3A_255, %dma_wait3A_256] : memref<8x72x32xf32, #tpu.memory_space<vmem>> -> memref<1x72x32xf32, #tpu.memory_space<vmem>>
      %dma_wait3A_258 = tpu.memref_squeeze %dma_wait3A_257 : memref<1x72x32xf32, #tpu.memory_space<vmem>> -> memref<72x32xf32, #tpu.memory_space<vmem>>
      %dma_wait3A_259 = arith.constant 144 : i32
      %dma_wait3A_260 = tpu.memref_slice %arg6[%dma_wait3A_259] : memref<28224xi32, #tpu.memory_space<vmem>> -> memref<72xi32, #tpu.memory_space<vmem>>
      %dma_wait3A_261 = arith.constant 0 : i32
      %dma_wait3A_262 = arith.constant 0 : i32
      %dma_wait3A_263 = tpu.memref_slice %arg2[%dma_wait3A_261, %dma_wait3A_262] : memref<100000x32xf32, #tpu.memory_space<hbm>> -> memref<100000x32xf32, #tpu.memory_space<hbm>>
      tpu.wait_indirect_dma semaphore(%arg12 : memref<!tpu.dma_semaphore, #tpu.memory_space<semaphore_mem>>) src(%dma_wait3A_263 : memref<100000x32xf32, #tpu.memory_space<hbm>>) dst(%dma_wait3A_258 : memref<72x32xf32, #tpu.memory_space<vmem>>)
      %dma_wait3A_264 = arith.constant 2 : i32
      %dma_wait3A_265 = arith.constant 0 : i32
      %dma_wait3A_266 = arith.constant 0 : i32
      %dma_wait3A_267 = tpu.memref_slice %arg8[%dma_wait3A_264, %dma_wait3A_265, %dma_wait3A_266] : memref<8x72x16xf32, #tpu.memory_space<vmem>> -> memref<1x72x16xf32, #tpu.memory_space<vmem>>
      %dma_wait3A_268 = tpu.memref_squeeze %dma_wait3A_267 : memref<1x72x16xf32, #tpu.memory_space<vmem>> -> memref<72x16xf32, #tpu.memory_space<vmem>>
      %dma_wait3A_269 = arith.constant 144 : i32
      %dma_wait3A_270 = tpu.memref_slice %arg6[%dma_wait3A_269] : memref<28224xi32, #tpu.memory_space<vmem>> -> memref<72xi32, #tpu.memory_space<vmem>>
      %dma_wait3A_271 = arith.constant 0 : i32
      %dma_wait3A_272 = arith.constant 0 : i32
      %dma_wait3A_273 = tpu.memref_slice %arg3[%dma_wait3A_271, %dma_wait3A_272] : memref<100000x16xf32, #tpu.memory_space<hbm>> -> memref<100000x16xf32, #tpu.memory_space<hbm>>
      tpu.wait_indirect_dma semaphore(%arg12 : memref<!tpu.dma_semaphore, #tpu.memory_space<semaphore_mem>>) src(%dma_wait3A_273 : memref<100000x16xf32, #tpu.memory_space<hbm>>) dst(%dma_wait3A_268 : memref<72x16xf32, #tpu.memory_space<vmem>>)
      %scan3A_274 = arith.constant 0 : i32
      %scan3A_275 = arith.constant 8 : i32
      %scan3A_276 = arith.addi %scan3A_274, %scan3A_275 : i32
      %scan3A_277 = arith.constant 1 : i32
      %scan3A_278 = scf.for %scan3A_464 = %scan3A_274 to %scan3A_276 step %scan3A_277 iter_args(%scan3A_465 = %scan3A_243) -> (vector<16xf32>)  : i32 {
        %mul3A_466 = arith.constant 9 : i32
        %mul3A_467 = arith.muli %scan3A_464, %mul3A_466 : i32
        %get3A = arith.constant 2 : i32
        %get3A_468 = arith.index_cast %get3A : i32 to index
        %get3A_469 = arith.index_cast %mul3A_467 : i32 to index
        %get3A_470 = arith.constant 0 : index
        %get3A_471 = tpu.vector_load %arg7[%get3A_468, %get3A_469, %get3A_470] {strides = array<i32>} : memref<8x72x32xf32, #tpu.memory_space<vmem>>, vector<1x1x16xf32>,
        %get3A_472 = vector.shape_cast %get3A_471 : vector<1x1x16xf32> to vector<16xf32>
        %add3A_473 = arith.constant 1 : i32
        %add3A_474 = arith.addi %mul3A_467, %add3A_473 : i32
        %get3A_475 = arith.constant 2 : i32
        %get3A_476 = arith.index_cast %get3A_475 : i32 to index
        %get3A_477 = arith.index_cast %add3A_474 : i32 to index
        %get3A_478 = arith.constant 0 : index
        %get3A_479 = tpu.vector_load %arg7[%get3A_476, %get3A_477, %get3A_478] {strides = array<i32>} : memref<8x72x32xf32, #tpu.memory_space<vmem>>, vector<1x1x16xf32>,
        %get3A_480 = vector.shape_cast %get3A_479 : vector<1x1x16xf32> to vector<16xf32>
        %add3A_481 = arith.constant 2 : i32
        %add3A_482 = arith.addi %mul3A_467, %add3A_481 : i32
        %get3A_483 = arith.constant 2 : i32
        %get3A_484 = arith.index_cast %get3A_483 : i32 to index
        %get3A_485 = arith.index_cast %add3A_482 : i32 to index
        %get3A_486 = arith.constant 0 : index
        %get3A_487 = tpu.vector_load %arg7[%get3A_484, %get3A_485, %get3A_486] {strides = array<i32>} : memref<8x72x32xf32, #tpu.memory_space<vmem>>, vector<1x1x16xf32>,
        %get3A_488 = vector.shape_cast %get3A_487 : vector<1x1x16xf32> to vector<16xf32>
        %add3A_489 = arith.addf %get3A_480, %get3A_488 : vector<16xf32>
        %add3A_490 = arith.constant 3 : i32
        %add3A_491 = arith.addi %mul3A_467, %add3A_490 : i32
        %get3A_492 = arith.constant 2 : i32
        %get3A_493 = arith.index_cast %get3A_492 : i32 to index
        %get3A_494 = arith.index_cast %add3A_491 : i32 to index
        %get3A_495 = arith.constant 0 : index
        %get3A_496 = tpu.vector_load %arg7[%get3A_493, %get3A_494, %get3A_495] {strides = array<i32>} : memref<8x72x32xf32, #tpu.memory_space<vmem>>, vector<1x1x16xf32>,
        %get3A_497 = vector.shape_cast %get3A_496 : vector<1x1x16xf32> to vector<16xf32>
        %add3A_498 = arith.addf %add3A_489, %get3A_497 : vector<16xf32>
        %add3A_499 = arith.constant 4 : i32
        %add3A_500 = arith.addi %mul3A_467, %add3A_499 : i32
        %get3A_501 = arith.constant 2 : i32
        %get3A_502 = arith.index_cast %get3A_501 : i32 to index
        %get3A_503 = arith.index_cast %add3A_500 : i32 to index
        %get3A_504 = arith.constant 0 : index
        %get3A_505 = tpu.vector_load %arg7[%get3A_502, %get3A_503, %get3A_504] {strides = array<i32>} : memref<8x72x32xf32, #tpu.memory_space<vmem>>, vector<1x1x16xf32>,
        %get3A_506 = vector.shape_cast %get3A_505 : vector<1x1x16xf32> to vector<16xf32>
        %add3A_507 = arith.addf %add3A_498, %get3A_506 : vector<16xf32>
        %add3A_508 = arith.constant 5 : i32
        %add3A_509 = arith.addi %mul3A_467, %add3A_508 : i32
        %get3A_510 = arith.constant 2 : i32
        %get3A_511 = arith.index_cast %get3A_510 : i32 to index
        %get3A_512 = arith.index_cast %add3A_509 : i32 to index
        %get3A_513 = arith.constant 0 : index
        %get3A_514 = tpu.vector_load %arg7[%get3A_511, %get3A_512, %get3A_513] {strides = array<i32>} : memref<8x72x32xf32, #tpu.memory_space<vmem>>, vector<1x1x16xf32>,
        %get3A_515 = vector.shape_cast %get3A_514 : vector<1x1x16xf32> to vector<16xf32>
        %add3A_516 = arith.addf %add3A_507, %get3A_515 : vector<16xf32>
        %add3A_517 = arith.constant 6 : i32
        %add3A_518 = arith.addi %mul3A_467, %add3A_517 : i32
        %get3A_519 = arith.constant 2 : i32
        %get3A_520 = arith.index_cast %get3A_519 : i32 to index
        %get3A_521 = arith.index_cast %add3A_518 : i32 to index
        %get3A_522 = arith.constant 0 : index
        %get3A_523 = tpu.vector_load %arg7[%get3A_520, %get3A_521, %get3A_522] {strides = array<i32>} : memref<8x72x32xf32, #tpu.memory_space<vmem>>, vector<1x1x16xf32>,
        %get3A_524 = vector.shape_cast %get3A_523 : vector<1x1x16xf32> to vector<16xf32>
        %add3A_525 = arith.addf %add3A_516, %get3A_524 : vector<16xf32>
        %add3A_526 = arith.constant 7 : i32
        %add3A_527 = arith.addi %mul3A_467, %add3A_526 : i32
        %get3A_528 = arith.constant 2 : i32
        %get3A_529 = arith.index_cast %get3A_528 : i32 to index
        %get3A_530 = arith.index_cast %add3A_527 : i32 to index
        %get3A_531 = arith.constant 0 : index
        %get3A_532 = tpu.vector_load %arg7[%get3A_529, %get3A_530, %get3A_531] {strides = array<i32>} : memref<8x72x32xf32, #tpu.memory_space<vmem>>, vector<1x1x16xf32>,
        %get3A_533 = vector.shape_cast %get3A_532 : vector<1x1x16xf32> to vector<16xf32>
        %add3A_534 = arith.addf %add3A_525, %get3A_533 : vector<16xf32>
        %add3A_535 = arith.constant 8 : i32
        %add3A_536 = arith.addi %mul3A_467, %add3A_535 : i32
        %get3A_537 = arith.constant 2 : i32
        %get3A_538 = arith.index_cast %get3A_537 : i32 to index
        %get3A_539 = arith.index_cast %add3A_536 : i32 to index
        %get3A_540 = arith.constant 0 : index
        %get3A_541 = tpu.vector_load %arg7[%get3A_538, %get3A_539, %get3A_540] {strides = array<i32>} : memref<8x72x32xf32, #tpu.memory_space<vmem>>, vector<1x1x16xf32>,
        %get3A_542 = vector.shape_cast %get3A_541 : vector<1x1x16xf32> to vector<16xf32>
        %add3A_543 = arith.addf %add3A_534, %get3A_542 : vector<16xf32>
        %mul3A_544 = arith.constant 1.250000e-01 : f32
        %mul3A_545 = vector.broadcast %mul3A_544 : f32 to vector<16xf32>
        %mul3A_546 = arith.mulf %mul3A_545, %add3A_543 : vector<16xf32>
        %sub3A = arith.subf %get3A_472, %mul3A_546 : vector<16xf32>
        %mul3A_547 = arith.mulf %sub3A, %sub3A : vector<16xf32>
        %mul3A_548 = arith.constant 3.125000e-07 : f32
        %mul3A_549 = vector.broadcast %mul3A_548 : f32 to vector<16xf32>
        %mul3A_550 = arith.mulf %mul3A_547, %mul3A_549 : vector<16xf32>
        %add3A_551 = arith.addf %scan3A_465, %mul3A_550 : vector<16xf32>
        %get3A_552 = arith.constant 2 : i32
        %get3A_553 = arith.index_cast %get3A_552 : i32 to index
        %get3A_554 = arith.index_cast %mul3A_467 : i32 to index
        %get3A_555 = arith.constant 16 : index
        %get3A_556 = tpu.vector_load %arg7[%get3A_553, %get3A_554, %get3A_555] {strides = array<i32>} : memref<8x72x32xf32, #tpu.memory_space<vmem>>, vector<1x1x16xf32>,
        %get3A_557 = vector.shape_cast %get3A_556 : vector<1x1x16xf32> to vector<16xf32>
        %add3A_558 = arith.constant 1 : i32
        %add3A_559 = arith.addi %mul3A_467, %add3A_558 : i32
        %get3A_560 = arith.constant 2 : i32
        %get3A_561 = arith.index_cast %get3A_560 : i32 to index
        %get3A_562 = arith.index_cast %add3A_559 : i32 to index
        %get3A_563 = arith.constant 16 : index
        %get3A_564 = tpu.vector_load %arg7[%get3A_561, %get3A_562, %get3A_563] {strides = array<i32>} : memref<8x72x32xf32, #tpu.memory_space<vmem>>, vector<1x1x16xf32>,
        %get3A_565 = vector.shape_cast %get3A_564 : vector<1x1x16xf32> to vector<16xf32>
        %add3A_566 = arith.constant 2 : i32
        %add3A_567 = arith.addi %mul3A_467, %add3A_566 : i32
        %get3A_568 = arith.constant 2 : i32
        %get3A_569 = arith.index_cast %get3A_568 : i32 to index
        %get3A_570 = arith.index_cast %add3A_567 : i32 to index
        %get3A_571 = arith.constant 16 : index
        %get3A_572 = tpu.vector_load %arg7[%get3A_569, %get3A_570, %get3A_571] {strides = array<i32>} : memref<8x72x32xf32, #tpu.memory_space<vmem>>, vector<1x1x16xf32>,
        %get3A_573 = vector.shape_cast %get3A_572 : vector<1x1x16xf32> to vector<16xf32>
        %add3A_574 = arith.addf %get3A_565, %get3A_573 : vector<16xf32>
        %add3A_575 = arith.constant 3 : i32
        %add3A_576 = arith.addi %mul3A_467, %add3A_575 : i32
        %get3A_577 = arith.constant 2 : i32
        %get3A_578 = arith.index_cast %get3A_577 : i32 to index
        %get3A_579 = arith.index_cast %add3A_576 : i32 to index
        %get3A_580 = arith.constant 16 : index
        %get3A_581 = tpu.vector_load %arg7[%get3A_578, %get3A_579, %get3A_580] {strides = array<i32>} : memref<8x72x32xf32, #tpu.memory_space<vmem>>, vector<1x1x16xf32>,
        %get3A_582 = vector.shape_cast %get3A_581 : vector<1x1x16xf32> to vector<16xf32>
        %add3A_583 = arith.addf %add3A_574, %get3A_582 : vector<16xf32>
        %add3A_584 = arith.constant 4 : i32
        %add3A_585 = arith.addi %mul3A_467, %add3A_584 : i32
        %get3A_586 = arith.constant 2 : i32
        %get3A_587 = arith.index_cast %get3A_586 : i32 to index
        %get3A_588 = arith.index_cast %add3A_585 : i32 to index
        %get3A_589 = arith.constant 16 : index
        %get3A_590 = tpu.vector_load %arg7[%get3A_587, %get3A_588, %get3A_589] {strides = array<i32>} : memref<8x72x32xf32, #tpu.memory_space<vmem>>, vector<1x1x16xf32>,
        %get3A_591 = vector.shape_cast %get3A_590 : vector<1x1x16xf32> to vector<16xf32>
        %add3A_592 = arith.addf %add3A_583, %get3A_591 : vector<16xf32>
        %add3A_593 = arith.constant 5 : i32
        %add3A_594 = arith.addi %mul3A_467, %add3A_593 : i32
        %get3A_595 = arith.constant 2 : i32
        %get3A_596 = arith.index_cast %get3A_595 : i32 to index
        %get3A_597 = arith.index_cast %add3A_594 : i32 to index
        %get3A_598 = arith.constant 16 : index
        %get3A_599 = tpu.vector_load %arg7[%get3A_596, %get3A_597, %get3A_598] {strides = array<i32>} : memref<8x72x32xf32, #tpu.memory_space<vmem>>, vector<1x1x16xf32>,
        %get3A_600 = vector.shape_cast %get3A_599 : vector<1x1x16xf32> to vector<16xf32>
        %add3A_601 = arith.addf %add3A_592, %get3A_600 : vector<16xf32>
        %add3A_602 = arith.constant 6 : i32
        %add3A_603 = arith.addi %mul3A_467, %add3A_602 : i32
        %get3A_604 = arith.constant 2 : i32
        %get3A_605 = arith.index_cast %get3A_604 : i32 to index
        %get3A_606 = arith.index_cast %add3A_603 : i32 to index
        %get3A_607 = arith.constant 16 : index
        %get3A_608 = tpu.vector_load %arg7[%get3A_605, %get3A_606, %get3A_607] {strides = array<i32>} : memref<8x72x32xf32, #tpu.memory_space<vmem>>, vector<1x1x16xf32>,
        %get3A_609 = vector.shape_cast %get3A_608 : vector<1x1x16xf32> to vector<16xf32>
        %add3A_610 = arith.addf %add3A_601, %get3A_609 : vector<16xf32>
        %add3A_611 = arith.constant 7 : i32
        %add3A_612 = arith.addi %mul3A_467, %add3A_611 : i32
        %get3A_613 = arith.constant 2 : i32
        %get3A_614 = arith.index_cast %get3A_613 : i32 to index
        %get3A_615 = arith.index_cast %add3A_612 : i32 to index
        %get3A_616 = arith.constant 16 : index
        %get3A_617 = tpu.vector_load %arg7[%get3A_614, %get3A_615, %get3A_616] {strides = array<i32>} : memref<8x72x32xf32, #tpu.memory_space<vmem>>, vector<1x1x16xf32>,
        %get3A_618 = vector.shape_cast %get3A_617 : vector<1x1x16xf32> to vector<16xf32>
        %add3A_619 = arith.addf %add3A_610, %get3A_618 : vector<16xf32>
        %add3A_620 = arith.constant 8 : i32
        %add3A_621 = arith.addi %mul3A_467, %add3A_620 : i32
        %get3A_622 = arith.constant 2 : i32
        %get3A_623 = arith.index_cast %get3A_622 : i32 to index
        %get3A_624 = arith.index_cast %add3A_621 : i32 to index
        %get3A_625 = arith.constant 16 : index
        %get3A_626 = tpu.vector_load %arg7[%get3A_623, %get3A_624, %get3A_625] {strides = array<i32>} : memref<8x72x32xf32, #tpu.memory_space<vmem>>, vector<1x1x16xf32>,
        %get3A_627 = vector.shape_cast %get3A_626 : vector<1x1x16xf32> to vector<16xf32>
        %add3A_628 = arith.addf %add3A_619, %get3A_627 : vector<16xf32>
        %mul3A_629 = arith.constant 1.250000e-01 : f32
        %mul3A_630 = vector.broadcast %mul3A_629 : f32 to vector<16xf32>
        %mul3A_631 = arith.mulf %mul3A_630, %add3A_628 : vector<16xf32>
        %sub3A_632 = arith.subf %get3A_557, %mul3A_631 : vector<16xf32>
        %mul3A_633 = arith.mulf %sub3A_632, %sub3A_632 : vector<16xf32>
        %mul3A_634 = arith.constant 3.125000e-07 : f32
        %mul3A_635 = vector.broadcast %mul3A_634 : f32 to vector<16xf32>
        %mul3A_636 = arith.mulf %mul3A_633, %mul3A_635 : vector<16xf32>
        %add3A_637 = arith.addf %add3A_551, %mul3A_636 : vector<16xf32>
        %get3A_638 = arith.constant 2 : i32
        %get3A_639 = arith.index_cast %get3A_638 : i32 to index
        %get3A_640 = arith.index_cast %mul3A_467 : i32 to index
        %get3A_641 = arith.constant 0 : index
        %get3A_642 = tpu.vector_load %arg8[%get3A_639, %get3A_640, %get3A_641] {strides = array<i32>} : memref<8x72x16xf32, #tpu.memory_space<vmem>>, vector<1x1x16xf32>,
        %get3A_643 = vector.shape_cast %get3A_642 : vector<1x1x16xf32> to vector<16xf32>
        %add3A_644 = arith.constant 1 : i32
        %add3A_645 = arith.addi %mul3A_467, %add3A_644 : i32
        %get3A_646 = arith.constant 2 : i32
        %get3A_647 = arith.index_cast %get3A_646 : i32 to index
        %get3A_648 = arith.index_cast %add3A_645 : i32 to index
        %get3A_649 = arith.constant 0 : index
        %get3A_650 = tpu.vector_load %arg8[%get3A_647, %get3A_648, %get3A_649] {strides = array<i32>} : memref<8x72x16xf32, #tpu.memory_space<vmem>>, vector<1x1x16xf32>,
        %get3A_651 = vector.shape_cast %get3A_650 : vector<1x1x16xf32> to vector<16xf32>
        %add3A_652 = arith.constant 2 : i32
        %add3A_653 = arith.addi %mul3A_467, %add3A_652 : i32
        %get3A_654 = arith.constant 2 : i32
        %get3A_655 = arith.index_cast %get3A_654 : i32 to index
        %get3A_656 = arith.index_cast %add3A_653 : i32 to index
        %get3A_657 = arith.constant 0 : index
        %get3A_658 = tpu.vector_load %arg8[%get3A_655, %get3A_656, %get3A_657] {strides = array<i32>} : memref<8x72x16xf32, #tpu.memory_space<vmem>>, vector<1x1x16xf32>,
        %get3A_659 = vector.shape_cast %get3A_658 : vector<1x1x16xf32> to vector<16xf32>
        %add3A_660 = arith.addf %get3A_651, %get3A_659 : vector<16xf32>
        %add3A_661 = arith.constant 3 : i32
        %add3A_662 = arith.addi %mul3A_467, %add3A_661 : i32
        %get3A_663 = arith.constant 2 : i32
        %get3A_664 = arith.index_cast %get3A_663 : i32 to index
        %get3A_665 = arith.index_cast %add3A_662 : i32 to index
        %get3A_666 = arith.constant 0 : index
        %get3A_667 = tpu.vector_load %arg8[%get3A_664, %get3A_665, %get3A_666] {strides = array<i32>} : memref<8x72x16xf32, #tpu.memory_space<vmem>>, vector<1x1x16xf32>,
        %get3A_668 = vector.shape_cast %get3A_667 : vector<1x1x16xf32> to vector<16xf32>
        %add3A_669 = arith.addf %add3A_660, %get3A_668 : vector<16xf32>
        %add3A_670 = arith.constant 4 : i32
        %add3A_671 = arith.addi %mul3A_467, %add3A_670 : i32
        %get3A_672 = arith.constant 2 : i32
        %get3A_673 = arith.index_cast %get3A_672 : i32 to index
        %get3A_674 = arith.index_cast %add3A_671 : i32 to index
        %get3A_675 = arith.constant 0 : index
        %get3A_676 = tpu.vector_load %arg8[%get3A_673, %get3A_674, %get3A_675] {strides = array<i32>} : memref<8x72x16xf32, #tpu.memory_space<vmem>>, vector<1x1x16xf32>,
        %get3A_677 = vector.shape_cast %get3A_676 : vector<1x1x16xf32> to vector<16xf32>
        %add3A_678 = arith.addf %add3A_669, %get3A_677 : vector<16xf32>
        %add3A_679 = arith.constant 5 : i32
        %add3A_680 = arith.addi %mul3A_467, %add3A_679 : i32
        %get3A_681 = arith.constant 2 : i32
        %get3A_682 = arith.index_cast %get3A_681 : i32 to index
        %get3A_683 = arith.index_cast %add3A_680 : i32 to index
        %get3A_684 = arith.constant 0 : index
        %get3A_685 = tpu.vector_load %arg8[%get3A_682, %get3A_683, %get3A_684] {strides = array<i32>} : memref<8x72x16xf32, #tpu.memory_space<vmem>>, vector<1x1x16xf32>,
        %get3A_686 = vector.shape_cast %get3A_685 : vector<1x1x16xf32> to vector<16xf32>
        %add3A_687 = arith.addf %add3A_678, %get3A_686 : vector<16xf32>
        %add3A_688 = arith.constant 6 : i32
        %add3A_689 = arith.addi %mul3A_467, %add3A_688 : i32
        %get3A_690 = arith.constant 2 : i32
        %get3A_691 = arith.index_cast %get3A_690 : i32 to index
        %get3A_692 = arith.index_cast %add3A_689 : i32 to index
        %get3A_693 = arith.constant 0 : index
        %get3A_694 = tpu.vector_load %arg8[%get3A_691, %get3A_692, %get3A_693] {strides = array<i32>} : memref<8x72x16xf32, #tpu.memory_space<vmem>>, vector<1x1x16xf32>,
        %get3A_695 = vector.shape_cast %get3A_694 : vector<1x1x16xf32> to vector<16xf32>
        %add3A_696 = arith.addf %add3A_687, %get3A_695 : vector<16xf32>
        %add3A_697 = arith.constant 7 : i32
        %add3A_698 = arith.addi %mul3A_467, %add3A_697 : i32
        %get3A_699 = arith.constant 2 : i32
        %get3A_700 = arith.index_cast %get3A_699 : i32 to index
        %get3A_701 = arith.index_cast %add3A_698 : i32 to index
        %get3A_702 = arith.constant 0 : index
        %get3A_703 = tpu.vector_load %arg8[%get3A_700, %get3A_701, %get3A_702] {strides = array<i32>} : memref<8x72x16xf32, #tpu.memory_space<vmem>>, vector<1x1x16xf32>,
        %get3A_704 = vector.shape_cast %get3A_703 : vector<1x1x16xf32> to vector<16xf32>
        %add3A_705 = arith.addf %add3A_696, %get3A_704 : vector<16xf32>
        %add3A_706 = arith.constant 8 : i32
        %add3A_707 = arith.addi %mul3A_467, %add3A_706 : i32
        %get3A_708 = arith.constant 2 : i32
        %get3A_709 = arith.index_cast %get3A_708 : i32 to index
        %get3A_710 = arith.index_cast %add3A_707 : i32 to index
        %get3A_711 = arith.constant 0 : index
        %get3A_712 = tpu.vector_load %arg8[%get3A_709, %get3A_710, %get3A_711] {strides = array<i32>} : memref<8x72x16xf32, #tpu.memory_space<vmem>>, vector<1x1x16xf32>,
        %get3A_713 = vector.shape_cast %get3A_712 : vector<1x1x16xf32> to vector<16xf32>
        %add3A_714 = arith.addf %add3A_705, %get3A_713 : vector<16xf32>
        %mul3A_715 = arith.constant 1.250000e-01 : f32
        %mul3A_716 = vector.broadcast %mul3A_715 : f32 to vector<16xf32>
        %mul3A_717 = arith.mulf %mul3A_716, %add3A_714 : vector<16xf32>
        %sub3A_718 = arith.subf %get3A_643, %mul3A_717 : vector<16xf32>
        %mul3A_719 = arith.mulf %sub3A_718, %sub3A_718 : vector<16xf32>
        %mul3A_720 = arith.mulf %mul3A_719, %select_n3A_11 : vector<16xf32>
        %add3A_721 = arith.addf %add3A_637, %mul3A_720 : vector<16xf32>
        scf.yield %add3A_721 : vector<16xf32>
      }
      %scan3A_279 = arith.constant 8 : i32
      %add3A_280 = arith.constant 2 : i32
      %add3A_281 = arith.addi %mul3A_186, %add3A_280 : i32
      %add3A_282 = arith.constant 8 : i32
      %add3A_283 = arith.addi %add3A_281, %add3A_282 : i32
      %lt3A_284 = arith.constant 392 : i32
      %lt3A_285 = arith.cmpi slt, %add3A_283, %lt3A_284 : i32
      %convert_element_type3A_286 = arith.extui %lt3A_285 : i1 to i32
      %cond3A_287 = arith.constant 0 : i32
      %cond3A_288 = arith.cmpi ne, %convert_element_type3A_286, %cond3A_287 : i32
      scf.if %cond3A_288 {
        %mul3A_464 = arith.constant 72 : i32
        %mul3A_465 = arith.muli %add3A_283, %mul3A_464 : i32
        %dma_start3A_466 = arith.constant 2 : i32
        %dma_start3A_467 = arith.constant 0 : i32
        %dma_start3A_468 = arith.constant 0 : i32
        %dma_start3A_469 = tpu.memref_slice %arg7[%dma_start3A_466, %dma_start3A_467, %dma_start3A_468] : memref<8x72x32xf32, #tpu.memory_space<vmem>> -> memref<1x72x32xf32, #tpu.memory_space<vmem>>
        %dma_start3A_470 = tpu.memref_squeeze %dma_start3A_469 : memref<1x72x32xf32, #tpu.memory_space<vmem>> -> memref<72x32xf32, #tpu.memory_space<vmem>>
        %dma_start3A_471 = tpu.memref_slice %arg6[%mul3A_465] : memref<28224xi32, #tpu.memory_space<vmem>> -> memref<72xi32, #tpu.memory_space<vmem>>
        %dma_start3A_472 = arith.constant 0 : i32
        %dma_start3A_473 = arith.constant 0 : i32
        %dma_start3A_474 = tpu.memref_slice %arg2[%dma_start3A_472, %dma_start3A_473] : memref<100000x32xf32, #tpu.memory_space<hbm>> -> memref<100000x32xf32, #tpu.memory_space<hbm>>
        tpu.enqueue_indirect_dma source(%dma_start3A_474 : memref<100000x32xf32, #tpu.memory_space<hbm>>) target(%dma_start3A_470 : memref<72x32xf32, #tpu.memory_space<vmem>>) offsets(%dma_start3A_471 : memref<72xi32, #tpu.memory_space<vmem>>) semaphore(%arg12 : memref<!tpu.dma_semaphore, #tpu.memory_space<semaphore_mem>>)
        %dma_start3A_475 = arith.constant 2 : i32
        %dma_start3A_476 = arith.constant 0 : i32
        %dma_start3A_477 = arith.constant 0 : i32
        %dma_start3A_478 = tpu.memref_slice %arg8[%dma_start3A_475, %dma_start3A_476, %dma_start3A_477] : memref<8x72x16xf32, #tpu.memory_space<vmem>> -> memref<1x72x16xf32, #tpu.memory_space<vmem>>
        %dma_start3A_479 = tpu.memref_squeeze %dma_start3A_478 : memref<1x72x16xf32, #tpu.memory_space<vmem>> -> memref<72x16xf32, #tpu.memory_space<vmem>>
        %dma_start3A_480 = tpu.memref_slice %arg6[%mul3A_465] : memref<28224xi32, #tpu.memory_space<vmem>> -> memref<72xi32, #tpu.memory_space<vmem>>
        %dma_start3A_481 = arith.constant 0 : i32
        %dma_start3A_482 = arith.constant 0 : i32
        %dma_start3A_483 = tpu.memref_slice %arg3[%dma_start3A_481, %dma_start3A_482] : memref<100000x16xf32, #tpu.memory_space<hbm>> -> memref<100000x16xf32, #tpu.memory_space<hbm>>
        tpu.enqueue_indirect_dma source(%dma_start3A_483 : memref<100000x16xf32, #tpu.memory_space<hbm>>) target(%dma_start3A_479 : memref<72x16xf32, #tpu.memory_space<vmem>>) offsets(%dma_start3A_480 : memref<72xi32, #tpu.memory_space<vmem>>) semaphore(%arg12 : memref<!tpu.dma_semaphore, #tpu.memory_space<semaphore_mem>>)
      } else {
      }
      %dma_wait3A_289 = arith.constant 3 : i32
      %dma_wait3A_290 = arith.constant 0 : i32
      %dma_wait3A_291 = arith.constant 0 : i32
      %dma_wait3A_292 = tpu.memref_slice %arg7[%dma_wait3A_289, %dma_wait3A_290, %dma_wait3A_291] : memref<8x72x32xf32, #tpu.memory_space<vmem>> -> memref<1x72x32xf32, #tpu.memory_space<vmem>>
      %dma_wait3A_293 = tpu.memref_squeeze %dma_wait3A_292 : memref<1x72x32xf32, #tpu.memory_space<vmem>> -> memref<72x32xf32, #tpu.memory_space<vmem>>
      %dma_wait3A_294 = arith.constant 216 : i32
      %dma_wait3A_295 = tpu.memref_slice %arg6[%dma_wait3A_294] : memref<28224xi32, #tpu.memory_space<vmem>> -> memref<72xi32, #tpu.memory_space<vmem>>
      %dma_wait3A_296 = arith.constant 0 : i32
      %dma_wait3A_297 = arith.constant 0 : i32
      %dma_wait3A_298 = tpu.memref_slice %arg2[%dma_wait3A_296, %dma_wait3A_297] : memref<100000x32xf32, #tpu.memory_space<hbm>> -> memref<100000x32xf32, #tpu.memory_space<hbm>>
      tpu.wait_indirect_dma semaphore(%arg13 : memref<!tpu.dma_semaphore, #tpu.memory_space<semaphore_mem>>) src(%dma_wait3A_298 : memref<100000x32xf32, #tpu.memory_space<hbm>>) dst(%dma_wait3A_293 : memref<72x32xf32, #tpu.memory_space<vmem>>)
      %dma_wait3A_299 = arith.constant 3 : i32
      %dma_wait3A_300 = arith.constant 0 : i32
      %dma_wait3A_301 = arith.constant 0 : i32
      %dma_wait3A_302 = tpu.memref_slice %arg8[%dma_wait3A_299, %dma_wait3A_300, %dma_wait3A_301] : memref<8x72x16xf32, #tpu.memory_space<vmem>> -> memref<1x72x16xf32, #tpu.memory_space<vmem>>
      %dma_wait3A_303 = tpu.memref_squeeze %dma_wait3A_302 : memref<1x72x16xf32, #tpu.memory_space<vmem>> -> memref<72x16xf32, #tpu.memory_space<vmem>>
      %dma_wait3A_304 = arith.constant 216 : i32
      %dma_wait3A_305 = tpu.memref_slice %arg6[%dma_wait3A_304] : memref<28224xi32, #tpu.memory_space<vmem>> -> memref<72xi32, #tpu.memory_space<vmem>>
      %dma_wait3A_306 = arith.constant 0 : i32
      %dma_wait3A_307 = arith.constant 0 : i32
      %dma_wait3A_308 = tpu.memref_slice %arg3[%dma_wait3A_306, %dma_wait3A_307] : memref<100000x16xf32, #tpu.memory_space<hbm>> -> memref<100000x16xf32, #tpu.memory_space<hbm>>
      tpu.wait_indirect_dma semaphore(%arg13 : memref<!tpu.dma_semaphore, #tpu.memory_space<semaphore_mem>>) src(%dma_wait3A_308 : memref<100000x16xf32, #tpu.memory_space<hbm>>) dst(%dma_wait3A_303 : memref<72x16xf32, #tpu.memory_space<vmem>>)
      %scan3A_309 = arith.constant 0 : i32
      %scan3A_310 = arith.constant 8 : i32
      %scan3A_311 = arith.addi %scan3A_309, %scan3A_310 : i32
      %scan3A_312 = arith.constant 1 : i32
      %scan3A_313 = scf.for %scan3A_464 = %scan3A_309 to %scan3A_311 step %scan3A_312 iter_args(%scan3A_465 = %scan3A_278) -> (vector<16xf32>)  : i32 {
        %mul3A_466 = arith.constant 9 : i32
        %mul3A_467 = arith.muli %scan3A_464, %mul3A_466 : i32
        %get3A = arith.constant 3 : i32
        %get3A_468 = arith.index_cast %get3A : i32 to index
        %get3A_469 = arith.index_cast %mul3A_467 : i32 to index
        %get3A_470 = arith.constant 0 : index
        %get3A_471 = tpu.vector_load %arg7[%get3A_468, %get3A_469, %get3A_470] {strides = array<i32>} : memref<8x72x32xf32, #tpu.memory_space<vmem>>, vector<1x1x16xf32>,
        %get3A_472 = vector.shape_cast %get3A_471 : vector<1x1x16xf32> to vector<16xf32>
        %add3A_473 = arith.constant 1 : i32
        %add3A_474 = arith.addi %mul3A_467, %add3A_473 : i32
        %get3A_475 = arith.constant 3 : i32
        %get3A_476 = arith.index_cast %get3A_475 : i32 to index
        %get3A_477 = arith.index_cast %add3A_474 : i32 to index
        %get3A_478 = arith.constant 0 : index
        %get3A_479 = tpu.vector_load %arg7[%get3A_476, %get3A_477, %get3A_478] {strides = array<i32>} : memref<8x72x32xf32, #tpu.memory_space<vmem>>, vector<1x1x16xf32>,
        %get3A_480 = vector.shape_cast %get3A_479 : vector<1x1x16xf32> to vector<16xf32>
        %add3A_481 = arith.constant 2 : i32
        %add3A_482 = arith.addi %mul3A_467, %add3A_481 : i32
        %get3A_483 = arith.constant 3 : i32
        %get3A_484 = arith.index_cast %get3A_483 : i32 to index
        %get3A_485 = arith.index_cast %add3A_482 : i32 to index
        %get3A_486 = arith.constant 0 : index
        %get3A_487 = tpu.vector_load %arg7[%get3A_484, %get3A_485, %get3A_486] {strides = array<i32>} : memref<8x72x32xf32, #tpu.memory_space<vmem>>, vector<1x1x16xf32>,
        %get3A_488 = vector.shape_cast %get3A_487 : vector<1x1x16xf32> to vector<16xf32>
        %add3A_489 = arith.addf %get3A_480, %get3A_488 : vector<16xf32>
        %add3A_490 = arith.constant 3 : i32
        %add3A_491 = arith.addi %mul3A_467, %add3A_490 : i32
        %get3A_492 = arith.constant 3 : i32
        %get3A_493 = arith.index_cast %get3A_492 : i32 to index
        %get3A_494 = arith.index_cast %add3A_491 : i32 to index
        %get3A_495 = arith.constant 0 : index
        %get3A_496 = tpu.vector_load %arg7[%get3A_493, %get3A_494, %get3A_495] {strides = array<i32>} : memref<8x72x32xf32, #tpu.memory_space<vmem>>, vector<1x1x16xf32>,
        %get3A_497 = vector.shape_cast %get3A_496 : vector<1x1x16xf32> to vector<16xf32>
        %add3A_498 = arith.addf %add3A_489, %get3A_497 : vector<16xf32>
        %add3A_499 = arith.constant 4 : i32
        %add3A_500 = arith.addi %mul3A_467, %add3A_499 : i32
        %get3A_501 = arith.constant 3 : i32
        %get3A_502 = arith.index_cast %get3A_501 : i32 to index
        %get3A_503 = arith.index_cast %add3A_500 : i32 to index
        %get3A_504 = arith.constant 0 : index
        %get3A_505 = tpu.vector_load %arg7[%get3A_502, %get3A_503, %get3A_504] {strides = array<i32>} : memref<8x72x32xf32, #tpu.memory_space<vmem>>, vector<1x1x16xf32>,
        %get3A_506 = vector.shape_cast %get3A_505 : vector<1x1x16xf32> to vector<16xf32>
        %add3A_507 = arith.addf %add3A_498, %get3A_506 : vector<16xf32>
        %add3A_508 = arith.constant 5 : i32
        %add3A_509 = arith.addi %mul3A_467, %add3A_508 : i32
        %get3A_510 = arith.constant 3 : i32
        %get3A_511 = arith.index_cast %get3A_510 : i32 to index
        %get3A_512 = arith.index_cast %add3A_509 : i32 to index
        %get3A_513 = arith.constant 0 : index
        %get3A_514 = tpu.vector_load %arg7[%get3A_511, %get3A_512, %get3A_513] {strides = array<i32>} : memref<8x72x32xf32, #tpu.memory_space<vmem>>, vector<1x1x16xf32>,
        %get3A_515 = vector.shape_cast %get3A_514 : vector<1x1x16xf32> to vector<16xf32>
        %add3A_516 = arith.addf %add3A_507, %get3A_515 : vector<16xf32>
        %add3A_517 = arith.constant 6 : i32
        %add3A_518 = arith.addi %mul3A_467, %add3A_517 : i32
        %get3A_519 = arith.constant 3 : i32
        %get3A_520 = arith.index_cast %get3A_519 : i32 to index
        %get3A_521 = arith.index_cast %add3A_518 : i32 to index
        %get3A_522 = arith.constant 0 : index
        %get3A_523 = tpu.vector_load %arg7[%get3A_520, %get3A_521, %get3A_522] {strides = array<i32>} : memref<8x72x32xf32, #tpu.memory_space<vmem>>, vector<1x1x16xf32>,
        %get3A_524 = vector.shape_cast %get3A_523 : vector<1x1x16xf32> to vector<16xf32>
        %add3A_525 = arith.addf %add3A_516, %get3A_524 : vector<16xf32>
        %add3A_526 = arith.constant 7 : i32
        %add3A_527 = arith.addi %mul3A_467, %add3A_526 : i32
        %get3A_528 = arith.constant 3 : i32
        %get3A_529 = arith.index_cast %get3A_528 : i32 to index
        %get3A_530 = arith.index_cast %add3A_527 : i32 to index
        %get3A_531 = arith.constant 0 : index
        %get3A_532 = tpu.vector_load %arg7[%get3A_529, %get3A_530, %get3A_531] {strides = array<i32>} : memref<8x72x32xf32, #tpu.memory_space<vmem>>, vector<1x1x16xf32>,
        %get3A_533 = vector.shape_cast %get3A_532 : vector<1x1x16xf32> to vector<16xf32>
        %add3A_534 = arith.addf %add3A_525, %get3A_533 : vector<16xf32>
        %add3A_535 = arith.constant 8 : i32
        %add3A_536 = arith.addi %mul3A_467, %add3A_535 : i32
        %get3A_537 = arith.constant 3 : i32
        %get3A_538 = arith.index_cast %get3A_537 : i32 to index
        %get3A_539 = arith.index_cast %add3A_536 : i32 to index
        %get3A_540 = arith.constant 0 : index
        %get3A_541 = tpu.vector_load %arg7[%get3A_538, %get3A_539, %get3A_540] {strides = array<i32>} : memref<8x72x32xf32, #tpu.memory_space<vmem>>, vector<1x1x16xf32>,
        %get3A_542 = vector.shape_cast %get3A_541 : vector<1x1x16xf32> to vector<16xf32>
        %add3A_543 = arith.addf %add3A_534, %get3A_542 : vector<16xf32>
        %mul3A_544 = arith.constant 1.250000e-01 : f32
        %mul3A_545 = vector.broadcast %mul3A_544 : f32 to vector<16xf32>
        %mul3A_546 = arith.mulf %mul3A_545, %add3A_543 : vector<16xf32>
        %sub3A = arith.subf %get3A_472, %mul3A_546 : vector<16xf32>
        %mul3A_547 = arith.mulf %sub3A, %sub3A : vector<16xf32>
        %mul3A_548 = arith.constant 3.125000e-07 : f32
        %mul3A_549 = vector.broadcast %mul3A_548 : f32 to vector<16xf32>
        %mul3A_550 = arith.mulf %mul3A_547, %mul3A_549 : vector<16xf32>
        %add3A_551 = arith.addf %scan3A_465, %mul3A_550 : vector<16xf32>
        %get3A_552 = arith.constant 3 : i32
        %get3A_553 = arith.index_cast %get3A_552 : i32 to index
        %get3A_554 = arith.index_cast %mul3A_467 : i32 to index
        %get3A_555 = arith.constant 16 : index
        %get3A_556 = tpu.vector_load %arg7[%get3A_553, %get3A_554, %get3A_555] {strides = array<i32>} : memref<8x72x32xf32, #tpu.memory_space<vmem>>, vector<1x1x16xf32>,
        %get3A_557 = vector.shape_cast %get3A_556 : vector<1x1x16xf32> to vector<16xf32>
        %add3A_558 = arith.constant 1 : i32
        %add3A_559 = arith.addi %mul3A_467, %add3A_558 : i32
        %get3A_560 = arith.constant 3 : i32
        %get3A_561 = arith.index_cast %get3A_560 : i32 to index
        %get3A_562 = arith.index_cast %add3A_559 : i32 to index
        %get3A_563 = arith.constant 16 : index
        %get3A_564 = tpu.vector_load %arg7[%get3A_561, %get3A_562, %get3A_563] {strides = array<i32>} : memref<8x72x32xf32, #tpu.memory_space<vmem>>, vector<1x1x16xf32>,
        %get3A_565 = vector.shape_cast %get3A_564 : vector<1x1x16xf32> to vector<16xf32>
        %add3A_566 = arith.constant 2 : i32
        %add3A_567 = arith.addi %mul3A_467, %add3A_566 : i32
        %get3A_568 = arith.constant 3 : i32
        %get3A_569 = arith.index_cast %get3A_568 : i32 to index
        %get3A_570 = arith.index_cast %add3A_567 : i32 to index
        %get3A_571 = arith.constant 16 : index
        %get3A_572 = tpu.vector_load %arg7[%get3A_569, %get3A_570, %get3A_571] {strides = array<i32>} : memref<8x72x32xf32, #tpu.memory_space<vmem>>, vector<1x1x16xf32>,
        %get3A_573 = vector.shape_cast %get3A_572 : vector<1x1x16xf32> to vector<16xf32>
        %add3A_574 = arith.addf %get3A_565, %get3A_573 : vector<16xf32>
        %add3A_575 = arith.constant 3 : i32
        %add3A_576 = arith.addi %mul3A_467, %add3A_575 : i32
        %get3A_577 = arith.constant 3 : i32
        %get3A_578 = arith.index_cast %get3A_577 : i32 to index
        %get3A_579 = arith.index_cast %add3A_576 : i32 to index
        %get3A_580 = arith.constant 16 : index
        %get3A_581 = tpu.vector_load %arg7[%get3A_578, %get3A_579, %get3A_580] {strides = array<i32>} : memref<8x72x32xf32, #tpu.memory_space<vmem>>, vector<1x1x16xf32>,
        %get3A_582 = vector.shape_cast %get3A_581 : vector<1x1x16xf32> to vector<16xf32>
        %add3A_583 = arith.addf %add3A_574, %get3A_582 : vector<16xf32>
        %add3A_584 = arith.constant 4 : i32
        %add3A_585 = arith.addi %mul3A_467, %add3A_584 : i32
        %get3A_586 = arith.constant 3 : i32
        %get3A_587 = arith.index_cast %get3A_586 : i32 to index
        %get3A_588 = arith.index_cast %add3A_585 : i32 to index
        %get3A_589 = arith.constant 16 : index
        %get3A_590 = tpu.vector_load %arg7[%get3A_587, %get3A_588, %get3A_589] {strides = array<i32>} : memref<8x72x32xf32, #tpu.memory_space<vmem>>, vector<1x1x16xf32>,
        %get3A_591 = vector.shape_cast %get3A_590 : vector<1x1x16xf32> to vector<16xf32>
        %add3A_592 = arith.addf %add3A_583, %get3A_591 : vector<16xf32>
        %add3A_593 = arith.constant 5 : i32
        %add3A_594 = arith.addi %mul3A_467, %add3A_593 : i32
        %get3A_595 = arith.constant 3 : i32
        %get3A_596 = arith.index_cast %get3A_595 : i32 to index
        %get3A_597 = arith.index_cast %add3A_594 : i32 to index
        %get3A_598 = arith.constant 16 : index
        %get3A_599 = tpu.vector_load %arg7[%get3A_596, %get3A_597, %get3A_598] {strides = array<i32>} : memref<8x72x32xf32, #tpu.memory_space<vmem>>, vector<1x1x16xf32>,
        %get3A_600 = vector.shape_cast %get3A_599 : vector<1x1x16xf32> to vector<16xf32>
        %add3A_601 = arith.addf %add3A_592, %get3A_600 : vector<16xf32>
        %add3A_602 = arith.constant 6 : i32
        %add3A_603 = arith.addi %mul3A_467, %add3A_602 : i32
        %get3A_604 = arith.constant 3 : i32
        %get3A_605 = arith.index_cast %get3A_604 : i32 to index
        %get3A_606 = arith.index_cast %add3A_603 : i32 to index
        %get3A_607 = arith.constant 16 : index
        %get3A_608 = tpu.vector_load %arg7[%get3A_605, %get3A_606, %get3A_607] {strides = array<i32>} : memref<8x72x32xf32, #tpu.memory_space<vmem>>, vector<1x1x16xf32>,
        %get3A_609 = vector.shape_cast %get3A_608 : vector<1x1x16xf32> to vector<16xf32>
        %add3A_610 = arith.addf %add3A_601, %get3A_609 : vector<16xf32>
        %add3A_611 = arith.constant 7 : i32
        %add3A_612 = arith.addi %mul3A_467, %add3A_611 : i32
        %get3A_613 = arith.constant 3 : i32
        %get3A_614 = arith.index_cast %get3A_613 : i32 to index
        %get3A_615 = arith.index_cast %add3A_612 : i32 to index
        %get3A_616 = arith.constant 16 : index
        %get3A_617 = tpu.vector_load %arg7[%get3A_614, %get3A_615, %get3A_616] {strides = array<i32>} : memref<8x72x32xf32, #tpu.memory_space<vmem>>, vector<1x1x16xf32>,
        %get3A_618 = vector.shape_cast %get3A_617 : vector<1x1x16xf32> to vector<16xf32>
        %add3A_619 = arith.addf %add3A_610, %get3A_618 : vector<16xf32>
        %add3A_620 = arith.constant 8 : i32
        %add3A_621 = arith.addi %mul3A_467, %add3A_620 : i32
        %get3A_622 = arith.constant 3 : i32
        %get3A_623 = arith.index_cast %get3A_622 : i32 to index
        %get3A_624 = arith.index_cast %add3A_621 : i32 to index
        %get3A_625 = arith.constant 16 : index
        %get3A_626 = tpu.vector_load %arg7[%get3A_623, %get3A_624, %get3A_625] {strides = array<i32>} : memref<8x72x32xf32, #tpu.memory_space<vmem>>, vector<1x1x16xf32>,
        %get3A_627 = vector.shape_cast %get3A_626 : vector<1x1x16xf32> to vector<16xf32>
        %add3A_628 = arith.addf %add3A_619, %get3A_627 : vector<16xf32>
        %mul3A_629 = arith.constant 1.250000e-01 : f32
        %mul3A_630 = vector.broadcast %mul3A_629 : f32 to vector<16xf32>
        %mul3A_631 = arith.mulf %mul3A_630, %add3A_628 : vector<16xf32>
        %sub3A_632 = arith.subf %get3A_557, %mul3A_631 : vector<16xf32>
        %mul3A_633 = arith.mulf %sub3A_632, %sub3A_632 : vector<16xf32>
        %mul3A_634 = arith.constant 3.125000e-07 : f32
        %mul3A_635 = vector.broadcast %mul3A_634 : f32 to vector<16xf32>
        %mul3A_636 = arith.mulf %mul3A_633, %mul3A_635 : vector<16xf32>
        %add3A_637 = arith.addf %add3A_551, %mul3A_636 : vector<16xf32>
        %get3A_638 = arith.constant 3 : i32
        %get3A_639 = arith.index_cast %get3A_638 : i32 to index
        %get3A_640 = arith.index_cast %mul3A_467 : i32 to index
        %get3A_641 = arith.constant 0 : index
        %get3A_642 = tpu.vector_load %arg8[%get3A_639, %get3A_640, %get3A_641] {strides = array<i32>} : memref<8x72x16xf32, #tpu.memory_space<vmem>>, vector<1x1x16xf32>,
        %get3A_643 = vector.shape_cast %get3A_642 : vector<1x1x16xf32> to vector<16xf32>
        %add3A_644 = arith.constant 1 : i32
        %add3A_645 = arith.addi %mul3A_467, %add3A_644 : i32
        %get3A_646 = arith.constant 3 : i32
        %get3A_647 = arith.index_cast %get3A_646 : i32 to index
        %get3A_648 = arith.index_cast %add3A_645 : i32 to index
        %get3A_649 = arith.constant 0 : index
        %get3A_650 = tpu.vector_load %arg8[%get3A_647, %get3A_648, %get3A_649] {strides = array<i32>} : memref<8x72x16xf32, #tpu.memory_space<vmem>>, vector<1x1x16xf32>,
        %get3A_651 = vector.shape_cast %get3A_650 : vector<1x1x16xf32> to vector<16xf32>
        %add3A_652 = arith.constant 2 : i32
        %add3A_653 = arith.addi %mul3A_467, %add3A_652 : i32
        %get3A_654 = arith.constant 3 : i32
        %get3A_655 = arith.index_cast %get3A_654 : i32 to index
        %get3A_656 = arith.index_cast %add3A_653 : i32 to index
        %get3A_657 = arith.constant 0 : index
        %get3A_658 = tpu.vector_load %arg8[%get3A_655, %get3A_656, %get3A_657] {strides = array<i32>} : memref<8x72x16xf32, #tpu.memory_space<vmem>>, vector<1x1x16xf32>,
        %get3A_659 = vector.shape_cast %get3A_658 : vector<1x1x16xf32> to vector<16xf32>
        %add3A_660 = arith.addf %get3A_651, %get3A_659 : vector<16xf32>
        %add3A_661 = arith.constant 3 : i32
        %add3A_662 = arith.addi %mul3A_467, %add3A_661 : i32
        %get3A_663 = arith.constant 3 : i32
        %get3A_664 = arith.index_cast %get3A_663 : i32 to index
        %get3A_665 = arith.index_cast %add3A_662 : i32 to index
        %get3A_666 = arith.constant 0 : index
        %get3A_667 = tpu.vector_load %arg8[%get3A_664, %get3A_665, %get3A_666] {strides = array<i32>} : memref<8x72x16xf32, #tpu.memory_space<vmem>>, vector<1x1x16xf32>,
        %get3A_668 = vector.shape_cast %get3A_667 : vector<1x1x16xf32> to vector<16xf32>
        %add3A_669 = arith.addf %add3A_660, %get3A_668 : vector<16xf32>
        %add3A_670 = arith.constant 4 : i32
        %add3A_671 = arith.addi %mul3A_467, %add3A_670 : i32
        %get3A_672 = arith.constant 3 : i32
        %get3A_673 = arith.index_cast %get3A_672 : i32 to index
        %get3A_674 = arith.index_cast %add3A_671 : i32 to index
        %get3A_675 = arith.constant 0 : index
        %get3A_676 = tpu.vector_load %arg8[%get3A_673, %get3A_674, %get3A_675] {strides = array<i32>} : memref<8x72x16xf32, #tpu.memory_space<vmem>>, vector<1x1x16xf32>,
        %get3A_677 = vector.shape_cast %get3A_676 : vector<1x1x16xf32> to vector<16xf32>
        %add3A_678 = arith.addf %add3A_669, %get3A_677 : vector<16xf32>
        %add3A_679 = arith.constant 5 : i32
        %add3A_680 = arith.addi %mul3A_467, %add3A_679 : i32
        %get3A_681 = arith.constant 3 : i32
        %get3A_682 = arith.index_cast %get3A_681 : i32 to index
        %get3A_683 = arith.index_cast %add3A_680 : i32 to index
        %get3A_684 = arith.constant 0 : index
        %get3A_685 = tpu.vector_load %arg8[%get3A_682, %get3A_683, %get3A_684] {strides = array<i32>} : memref<8x72x16xf32, #tpu.memory_space<vmem>>, vector<1x1x16xf32>,
        %get3A_686 = vector.shape_cast %get3A_685 : vector<1x1x16xf32> to vector<16xf32>
        %add3A_687 = arith.addf %add3A_678, %get3A_686 : vector<16xf32>
        %add3A_688 = arith.constant 6 : i32
        %add3A_689 = arith.addi %mul3A_467, %add3A_688 : i32
        %get3A_690 = arith.constant 3 : i32
        %get3A_691 = arith.index_cast %get3A_690 : i32 to index
        %get3A_692 = arith.index_cast %add3A_689 : i32 to index
        %get3A_693 = arith.constant 0 : index
        %get3A_694 = tpu.vector_load %arg8[%get3A_691, %get3A_692, %get3A_693] {strides = array<i32>} : memref<8x72x16xf32, #tpu.memory_space<vmem>>, vector<1x1x16xf32>,
        %get3A_695 = vector.shape_cast %get3A_694 : vector<1x1x16xf32> to vector<16xf32>
        %add3A_696 = arith.addf %add3A_687, %get3A_695 : vector<16xf32>
        %add3A_697 = arith.constant 7 : i32
        %add3A_698 = arith.addi %mul3A_467, %add3A_697 : i32
        %get3A_699 = arith.constant 3 : i32
        %get3A_700 = arith.index_cast %get3A_699 : i32 to index
        %get3A_701 = arith.index_cast %add3A_698 : i32 to index
        %get3A_702 = arith.constant 0 : index
        %get3A_703 = tpu.vector_load %arg8[%get3A_700, %get3A_701, %get3A_702] {strides = array<i32>} : memref<8x72x16xf32, #tpu.memory_space<vmem>>, vector<1x1x16xf32>,
        %get3A_704 = vector.shape_cast %get3A_703 : vector<1x1x16xf32> to vector<16xf32>
        %add3A_705 = arith.addf %add3A_696, %get3A_704 : vector<16xf32>
        %add3A_706 = arith.constant 8 : i32
        %add3A_707 = arith.addi %mul3A_467, %add3A_706 : i32
        %get3A_708 = arith.constant 3 : i32
        %get3A_709 = arith.index_cast %get3A_708 : i32 to index
        %get3A_710 = arith.index_cast %add3A_707 : i32 to index
        %get3A_711 = arith.constant 0 : index
        %get3A_712 = tpu.vector_load %arg8[%get3A_709, %get3A_710, %get3A_711] {strides = array<i32>} : memref<8x72x16xf32, #tpu.memory_space<vmem>>, vector<1x1x16xf32>,
        %get3A_713 = vector.shape_cast %get3A_712 : vector<1x1x16xf32> to vector<16xf32>
        %add3A_714 = arith.addf %add3A_705, %get3A_713 : vector<16xf32>
        %mul3A_715 = arith.constant 1.250000e-01 : f32
        %mul3A_716 = vector.broadcast %mul3A_715 : f32 to vector<16xf32>
        %mul3A_717 = arith.mulf %mul3A_716, %add3A_714 : vector<16xf32>
        %sub3A_718 = arith.subf %get3A_643, %mul3A_717 : vector<16xf32>
        %mul3A_719 = arith.mulf %sub3A_718, %sub3A_718 : vector<16xf32>
        %mul3A_720 = arith.mulf %mul3A_719, %select_n3A_11 : vector<16xf32>
        %add3A_721 = arith.addf %add3A_637, %mul3A_720 : vector<16xf32>
        scf.yield %add3A_721 : vector<16xf32>
      }
      %scan3A_314 = arith.constant 8 : i32
      %add3A_315 = arith.constant 3 : i32
      %add3A_316 = arith.addi %mul3A_186, %add3A_315 : i32
      %add3A_317 = arith.constant 8 : i32
      %add3A_318 = arith.addi %add3A_316, %add3A_317 : i32
      %lt3A_319 = arith.constant 392 : i32
      %lt3A_320 = arith.cmpi slt, %add3A_318, %lt3A_319 : i32
      %convert_element_type3A_321 = arith.extui %lt3A_320 : i1 to i32
      %cond3A_322 = arith.constant 0 : i32
      %cond3A_323 = arith.cmpi ne, %convert_element_type3A_321, %cond3A_322 : i32
      scf.if %cond3A_323 {
        %mul3A_464 = arith.constant 72 : i32
        %mul3A_465 = arith.muli %add3A_318, %mul3A_464 : i32
        %dma_start3A_466 = arith.constant 3 : i32
        %dma_start3A_467 = arith.constant 0 : i32
        %dma_start3A_468 = arith.constant 0 : i32
        %dma_start3A_469 = tpu.memref_slice %arg7[%dma_start3A_466, %dma_start3A_467, %dma_start3A_468] : memref<8x72x32xf32, #tpu.memory_space<vmem>> -> memref<1x72x32xf32, #tpu.memory_space<vmem>>
        %dma_start3A_470 = tpu.memref_squeeze %dma_start3A_469 : memref<1x72x32xf32, #tpu.memory_space<vmem>> -> memref<72x32xf32, #tpu.memory_space<vmem>>
        %dma_start3A_471 = tpu.memref_slice %arg6[%mul3A_465] : memref<28224xi32, #tpu.memory_space<vmem>> -> memref<72xi32, #tpu.memory_space<vmem>>
        %dma_start3A_472 = arith.constant 0 : i32
        %dma_start3A_473 = arith.constant 0 : i32
        %dma_start3A_474 = tpu.memref_slice %arg2[%dma_start3A_472, %dma_start3A_473] : memref<100000x32xf32, #tpu.memory_space<hbm>> -> memref<100000x32xf32, #tpu.memory_space<hbm>>
        tpu.enqueue_indirect_dma source(%dma_start3A_474 : memref<100000x32xf32, #tpu.memory_space<hbm>>) target(%dma_start3A_470 : memref<72x32xf32, #tpu.memory_space<vmem>>) offsets(%dma_start3A_471 : memref<72xi32, #tpu.memory_space<vmem>>) semaphore(%arg13 : memref<!tpu.dma_semaphore, #tpu.memory_space<semaphore_mem>>)
        %dma_start3A_475 = arith.constant 3 : i32
        %dma_start3A_476 = arith.constant 0 : i32
        %dma_start3A_477 = arith.constant 0 : i32
        %dma_start3A_478 = tpu.memref_slice %arg8[%dma_start3A_475, %dma_start3A_476, %dma_start3A_477] : memref<8x72x16xf32, #tpu.memory_space<vmem>> -> memref<1x72x16xf32, #tpu.memory_space<vmem>>
        %dma_start3A_479 = tpu.memref_squeeze %dma_start3A_478 : memref<1x72x16xf32, #tpu.memory_space<vmem>> -> memref<72x16xf32, #tpu.memory_space<vmem>>
        %dma_start3A_480 = tpu.memref_slice %arg6[%mul3A_465] : memref<28224xi32, #tpu.memory_space<vmem>> -> memref<72xi32, #tpu.memory_space<vmem>>
        %dma_start3A_481 = arith.constant 0 : i32
        %dma_start3A_482 = arith.constant 0 : i32
        %dma_start3A_483 = tpu.memref_slice %arg3[%dma_start3A_481, %dma_start3A_482] : memref<100000x16xf32, #tpu.memory_space<hbm>> -> memref<100000x16xf32, #tpu.memory_space<hbm>>
        tpu.enqueue_indirect_dma source(%dma_start3A_483 : memref<100000x16xf32, #tpu.memory_space<hbm>>) target(%dma_start3A_479 : memref<72x16xf32, #tpu.memory_space<vmem>>) offsets(%dma_start3A_480 : memref<72xi32, #tpu.memory_space<vmem>>) semaphore(%arg13 : memref<!tpu.dma_semaphore, #tpu.memory_space<semaphore_mem>>)
      } else {
      }
      %dma_wait3A_324 = arith.constant 4 : i32
      %dma_wait3A_325 = arith.constant 0 : i32
      %dma_wait3A_326 = arith.constant 0 : i32
      %dma_wait3A_327 = tpu.memref_slice %arg7[%dma_wait3A_324, %dma_wait3A_325, %dma_wait3A_326] : memref<8x72x32xf32, #tpu.memory_space<vmem>> -> memref<1x72x32xf32, #tpu.memory_space<vmem>>
      %dma_wait3A_328 = tpu.memref_squeeze %dma_wait3A_327 : memref<1x72x32xf32, #tpu.memory_space<vmem>> -> memref<72x32xf32, #tpu.memory_space<vmem>>
      %dma_wait3A_329 = arith.constant 288 : i32
      %dma_wait3A_330 = tpu.memref_slice %arg6[%dma_wait3A_329] : memref<28224xi32, #tpu.memory_space<vmem>> -> memref<72xi32, #tpu.memory_space<vmem>>
      %dma_wait3A_331 = arith.constant 0 : i32
      %dma_wait3A_332 = arith.constant 0 : i32
      %dma_wait3A_333 = tpu.memref_slice %arg2[%dma_wait3A_331, %dma_wait3A_332] : memref<100000x32xf32, #tpu.memory_space<hbm>> -> memref<100000x32xf32, #tpu.memory_space<hbm>>
      tpu.wait_indirect_dma semaphore(%arg14 : memref<!tpu.dma_semaphore, #tpu.memory_space<semaphore_mem>>) src(%dma_wait3A_333 : memref<100000x32xf32, #tpu.memory_space<hbm>>) dst(%dma_wait3A_328 : memref<72x32xf32, #tpu.memory_space<vmem>>)
      %dma_wait3A_334 = arith.constant 4 : i32
      %dma_wait3A_335 = arith.constant 0 : i32
      %dma_wait3A_336 = arith.constant 0 : i32
      %dma_wait3A_337 = tpu.memref_slice %arg8[%dma_wait3A_334, %dma_wait3A_335, %dma_wait3A_336] : memref<8x72x16xf32, #tpu.memory_space<vmem>> -> memref<1x72x16xf32, #tpu.memory_space<vmem>>
      %dma_wait3A_338 = tpu.memref_squeeze %dma_wait3A_337 : memref<1x72x16xf32, #tpu.memory_space<vmem>> -> memref<72x16xf32, #tpu.memory_space<vmem>>
      %dma_wait3A_339 = arith.constant 288 : i32
      %dma_wait3A_340 = tpu.memref_slice %arg6[%dma_wait3A_339] : memref<28224xi32, #tpu.memory_space<vmem>> -> memref<72xi32, #tpu.memory_space<vmem>>
      %dma_wait3A_341 = arith.constant 0 : i32
      %dma_wait3A_342 = arith.constant 0 : i32
      %dma_wait3A_343 = tpu.memref_slice %arg3[%dma_wait3A_341, %dma_wait3A_342] : memref<100000x16xf32, #tpu.memory_space<hbm>> -> memref<100000x16xf32, #tpu.memory_space<hbm>>
      tpu.wait_indirect_dma semaphore(%arg14 : memref<!tpu.dma_semaphore, #tpu.memory_space<semaphore_mem>>) src(%dma_wait3A_343 : memref<100000x16xf32, #tpu.memory_space<hbm>>) dst(%dma_wait3A_338 : memref<72x16xf32, #tpu.memory_space<vmem>>)
      %scan3A_344 = arith.constant 0 : i32
      %scan3A_345 = arith.constant 8 : i32
      %scan3A_346 = arith.addi %scan3A_344, %scan3A_345 : i32
      %scan3A_347 = arith.constant 1 : i32
      %scan3A_348 = scf.for %scan3A_464 = %scan3A_344 to %scan3A_346 step %scan3A_347 iter_args(%scan3A_465 = %scan3A_313) -> (vector<16xf32>)  : i32 {
        %mul3A_466 = arith.constant 9 : i32
        %mul3A_467 = arith.muli %scan3A_464, %mul3A_466 : i32
        %get3A = arith.constant 4 : i32
        %get3A_468 = arith.index_cast %get3A : i32 to index
        %get3A_469 = arith.index_cast %mul3A_467 : i32 to index
        %get3A_470 = arith.constant 0 : index
        %get3A_471 = tpu.vector_load %arg7[%get3A_468, %get3A_469, %get3A_470] {strides = array<i32>} : memref<8x72x32xf32, #tpu.memory_space<vmem>>, vector<1x1x16xf32>,
        %get3A_472 = vector.shape_cast %get3A_471 : vector<1x1x16xf32> to vector<16xf32>
        %add3A_473 = arith.constant 1 : i32
        %add3A_474 = arith.addi %mul3A_467, %add3A_473 : i32
        %get3A_475 = arith.constant 4 : i32
        %get3A_476 = arith.index_cast %get3A_475 : i32 to index
        %get3A_477 = arith.index_cast %add3A_474 : i32 to index
        %get3A_478 = arith.constant 0 : index
        %get3A_479 = tpu.vector_load %arg7[%get3A_476, %get3A_477, %get3A_478] {strides = array<i32>} : memref<8x72x32xf32, #tpu.memory_space<vmem>>, vector<1x1x16xf32>,
        %get3A_480 = vector.shape_cast %get3A_479 : vector<1x1x16xf32> to vector<16xf32>
        %add3A_481 = arith.constant 2 : i32
        %add3A_482 = arith.addi %mul3A_467, %add3A_481 : i32
        %get3A_483 = arith.constant 4 : i32
        %get3A_484 = arith.index_cast %get3A_483 : i32 to index
        %get3A_485 = arith.index_cast %add3A_482 : i32 to index
        %get3A_486 = arith.constant 0 : index
        %get3A_487 = tpu.vector_load %arg7[%get3A_484, %get3A_485, %get3A_486] {strides = array<i32>} : memref<8x72x32xf32, #tpu.memory_space<vmem>>, vector<1x1x16xf32>,
        %get3A_488 = vector.shape_cast %get3A_487 : vector<1x1x16xf32> to vector<16xf32>
        %add3A_489 = arith.addf %get3A_480, %get3A_488 : vector<16xf32>
        %add3A_490 = arith.constant 3 : i32
        %add3A_491 = arith.addi %mul3A_467, %add3A_490 : i32
        %get3A_492 = arith.constant 4 : i32
        %get3A_493 = arith.index_cast %get3A_492 : i32 to index
        %get3A_494 = arith.index_cast %add3A_491 : i32 to index
        %get3A_495 = arith.constant 0 : index
        %get3A_496 = tpu.vector_load %arg7[%get3A_493, %get3A_494, %get3A_495] {strides = array<i32>} : memref<8x72x32xf32, #tpu.memory_space<vmem>>, vector<1x1x16xf32>,
        %get3A_497 = vector.shape_cast %get3A_496 : vector<1x1x16xf32> to vector<16xf32>
        %add3A_498 = arith.addf %add3A_489, %get3A_497 : vector<16xf32>
        %add3A_499 = arith.constant 4 : i32
        %add3A_500 = arith.addi %mul3A_467, %add3A_499 : i32
        %get3A_501 = arith.constant 4 : i32
        %get3A_502 = arith.index_cast %get3A_501 : i32 to index
        %get3A_503 = arith.index_cast %add3A_500 : i32 to index
        %get3A_504 = arith.constant 0 : index
        %get3A_505 = tpu.vector_load %arg7[%get3A_502, %get3A_503, %get3A_504] {strides = array<i32>} : memref<8x72x32xf32, #tpu.memory_space<vmem>>, vector<1x1x16xf32>,
        %get3A_506 = vector.shape_cast %get3A_505 : vector<1x1x16xf32> to vector<16xf32>
        %add3A_507 = arith.addf %add3A_498, %get3A_506 : vector<16xf32>
        %add3A_508 = arith.constant 5 : i32
        %add3A_509 = arith.addi %mul3A_467, %add3A_508 : i32
        %get3A_510 = arith.constant 4 : i32
        %get3A_511 = arith.index_cast %get3A_510 : i32 to index
        %get3A_512 = arith.index_cast %add3A_509 : i32 to index
        %get3A_513 = arith.constant 0 : index
        %get3A_514 = tpu.vector_load %arg7[%get3A_511, %get3A_512, %get3A_513] {strides = array<i32>} : memref<8x72x32xf32, #tpu.memory_space<vmem>>, vector<1x1x16xf32>,
        %get3A_515 = vector.shape_cast %get3A_514 : vector<1x1x16xf32> to vector<16xf32>
        %add3A_516 = arith.addf %add3A_507, %get3A_515 : vector<16xf32>
        %add3A_517 = arith.constant 6 : i32
        %add3A_518 = arith.addi %mul3A_467, %add3A_517 : i32
        %get3A_519 = arith.constant 4 : i32
        %get3A_520 = arith.index_cast %get3A_519 : i32 to index
        %get3A_521 = arith.index_cast %add3A_518 : i32 to index
        %get3A_522 = arith.constant 0 : index
        %get3A_523 = tpu.vector_load %arg7[%get3A_520, %get3A_521, %get3A_522] {strides = array<i32>} : memref<8x72x32xf32, #tpu.memory_space<vmem>>, vector<1x1x16xf32>,
        %get3A_524 = vector.shape_cast %get3A_523 : vector<1x1x16xf32> to vector<16xf32>
        %add3A_525 = arith.addf %add3A_516, %get3A_524 : vector<16xf32>
        %add3A_526 = arith.constant 7 : i32
        %add3A_527 = arith.addi %mul3A_467, %add3A_526 : i32
        %get3A_528 = arith.constant 4 : i32
        %get3A_529 = arith.index_cast %get3A_528 : i32 to index
        %get3A_530 = arith.index_cast %add3A_527 : i32 to index
        %get3A_531 = arith.constant 0 : index
        %get3A_532 = tpu.vector_load %arg7[%get3A_529, %get3A_530, %get3A_531] {strides = array<i32>} : memref<8x72x32xf32, #tpu.memory_space<vmem>>, vector<1x1x16xf32>,
        %get3A_533 = vector.shape_cast %get3A_532 : vector<1x1x16xf32> to vector<16xf32>
        %add3A_534 = arith.addf %add3A_525, %get3A_533 : vector<16xf32>
        %add3A_535 = arith.constant 8 : i32
        %add3A_536 = arith.addi %mul3A_467, %add3A_535 : i32
        %get3A_537 = arith.constant 4 : i32
        %get3A_538 = arith.index_cast %get3A_537 : i32 to index
        %get3A_539 = arith.index_cast %add3A_536 : i32 to index
        %get3A_540 = arith.constant 0 : index
        %get3A_541 = tpu.vector_load %arg7[%get3A_538, %get3A_539, %get3A_540] {strides = array<i32>} : memref<8x72x32xf32, #tpu.memory_space<vmem>>, vector<1x1x16xf32>,
        %get3A_542 = vector.shape_cast %get3A_541 : vector<1x1x16xf32> to vector<16xf32>
        %add3A_543 = arith.addf %add3A_534, %get3A_542 : vector<16xf32>
        %mul3A_544 = arith.constant 1.250000e-01 : f32
        %mul3A_545 = vector.broadcast %mul3A_544 : f32 to vector<16xf32>
        %mul3A_546 = arith.mulf %mul3A_545, %add3A_543 : vector<16xf32>
        %sub3A = arith.subf %get3A_472, %mul3A_546 : vector<16xf32>
        %mul3A_547 = arith.mulf %sub3A, %sub3A : vector<16xf32>
        %mul3A_548 = arith.constant 3.125000e-07 : f32
        %mul3A_549 = vector.broadcast %mul3A_548 : f32 to vector<16xf32>
        %mul3A_550 = arith.mulf %mul3A_547, %mul3A_549 : vector<16xf32>
        %add3A_551 = arith.addf %scan3A_465, %mul3A_550 : vector<16xf32>
        %get3A_552 = arith.constant 4 : i32
        %get3A_553 = arith.index_cast %get3A_552 : i32 to index
        %get3A_554 = arith.index_cast %mul3A_467 : i32 to index
        %get3A_555 = arith.constant 16 : index
        %get3A_556 = tpu.vector_load %arg7[%get3A_553, %get3A_554, %get3A_555] {strides = array<i32>} : memref<8x72x32xf32, #tpu.memory_space<vmem>>, vector<1x1x16xf32>,
        %get3A_557 = vector.shape_cast %get3A_556 : vector<1x1x16xf32> to vector<16xf32>
        %add3A_558 = arith.constant 1 : i32
        %add3A_559 = arith.addi %mul3A_467, %add3A_558 : i32
        %get3A_560 = arith.constant 4 : i32
        %get3A_561 = arith.index_cast %get3A_560 : i32 to index
        %get3A_562 = arith.index_cast %add3A_559 : i32 to index
        %get3A_563 = arith.constant 16 : index
        %get3A_564 = tpu.vector_load %arg7[%get3A_561, %get3A_562, %get3A_563] {strides = array<i32>} : memref<8x72x32xf32, #tpu.memory_space<vmem>>, vector<1x1x16xf32>,
        %get3A_565 = vector.shape_cast %get3A_564 : vector<1x1x16xf32> to vector<16xf32>
        %add3A_566 = arith.constant 2 : i32
        %add3A_567 = arith.addi %mul3A_467, %add3A_566 : i32
        %get3A_568 = arith.constant 4 : i32
        %get3A_569 = arith.index_cast %get3A_568 : i32 to index
        %get3A_570 = arith.index_cast %add3A_567 : i32 to index
        %get3A_571 = arith.constant 16 : index
        %get3A_572 = tpu.vector_load %arg7[%get3A_569, %get3A_570, %get3A_571] {strides = array<i32>} : memref<8x72x32xf32, #tpu.memory_space<vmem>>, vector<1x1x16xf32>,
        %get3A_573 = vector.shape_cast %get3A_572 : vector<1x1x16xf32> to vector<16xf32>
        %add3A_574 = arith.addf %get3A_565, %get3A_573 : vector<16xf32>
        %add3A_575 = arith.constant 3 : i32
        %add3A_576 = arith.addi %mul3A_467, %add3A_575 : i32
        %get3A_577 = arith.constant 4 : i32
        %get3A_578 = arith.index_cast %get3A_577 : i32 to index
        %get3A_579 = arith.index_cast %add3A_576 : i32 to index
        %get3A_580 = arith.constant 16 : index
        %get3A_581 = tpu.vector_load %arg7[%get3A_578, %get3A_579, %get3A_580] {strides = array<i32>} : memref<8x72x32xf32, #tpu.memory_space<vmem>>, vector<1x1x16xf32>,
        %get3A_582 = vector.shape_cast %get3A_581 : vector<1x1x16xf32> to vector<16xf32>
        %add3A_583 = arith.addf %add3A_574, %get3A_582 : vector<16xf32>
        %add3A_584 = arith.constant 4 : i32
        %add3A_585 = arith.addi %mul3A_467, %add3A_584 : i32
        %get3A_586 = arith.constant 4 : i32
        %get3A_587 = arith.index_cast %get3A_586 : i32 to index
        %get3A_588 = arith.index_cast %add3A_585 : i32 to index
        %get3A_589 = arith.constant 16 : index
        %get3A_590 = tpu.vector_load %arg7[%get3A_587, %get3A_588, %get3A_589] {strides = array<i32>} : memref<8x72x32xf32, #tpu.memory_space<vmem>>, vector<1x1x16xf32>,
        %get3A_591 = vector.shape_cast %get3A_590 : vector<1x1x16xf32> to vector<16xf32>
        %add3A_592 = arith.addf %add3A_583, %get3A_591 : vector<16xf32>
        %add3A_593 = arith.constant 5 : i32
        %add3A_594 = arith.addi %mul3A_467, %add3A_593 : i32
        %get3A_595 = arith.constant 4 : i32
        %get3A_596 = arith.index_cast %get3A_595 : i32 to index
        %get3A_597 = arith.index_cast %add3A_594 : i32 to index
        %get3A_598 = arith.constant 16 : index
        %get3A_599 = tpu.vector_load %arg7[%get3A_596, %get3A_597, %get3A_598] {strides = array<i32>} : memref<8x72x32xf32, #tpu.memory_space<vmem>>, vector<1x1x16xf32>,
        %get3A_600 = vector.shape_cast %get3A_599 : vector<1x1x16xf32> to vector<16xf32>
        %add3A_601 = arith.addf %add3A_592, %get3A_600 : vector<16xf32>
        %add3A_602 = arith.constant 6 : i32
        %add3A_603 = arith.addi %mul3A_467, %add3A_602 : i32
        %get3A_604 = arith.constant 4 : i32
        %get3A_605 = arith.index_cast %get3A_604 : i32 to index
        %get3A_606 = arith.index_cast %add3A_603 : i32 to index
        %get3A_607 = arith.constant 16 : index
        %get3A_608 = tpu.vector_load %arg7[%get3A_605, %get3A_606, %get3A_607] {strides = array<i32>} : memref<8x72x32xf32, #tpu.memory_space<vmem>>, vector<1x1x16xf32>,
        %get3A_609 = vector.shape_cast %get3A_608 : vector<1x1x16xf32> to vector<16xf32>
        %add3A_610 = arith.addf %add3A_601, %get3A_609 : vector<16xf32>
        %add3A_611 = arith.constant 7 : i32
        %add3A_612 = arith.addi %mul3A_467, %add3A_611 : i32
        %get3A_613 = arith.constant 4 : i32
        %get3A_614 = arith.index_cast %get3A_613 : i32 to index
        %get3A_615 = arith.index_cast %add3A_612 : i32 to index
        %get3A_616 = arith.constant 16 : index
        %get3A_617 = tpu.vector_load %arg7[%get3A_614, %get3A_615, %get3A_616] {strides = array<i32>} : memref<8x72x32xf32, #tpu.memory_space<vmem>>, vector<1x1x16xf32>,
        %get3A_618 = vector.shape_cast %get3A_617 : vector<1x1x16xf32> to vector<16xf32>
        %add3A_619 = arith.addf %add3A_610, %get3A_618 : vector<16xf32>
        %add3A_620 = arith.constant 8 : i32
        %add3A_621 = arith.addi %mul3A_467, %add3A_620 : i32
        %get3A_622 = arith.constant 4 : i32
        %get3A_623 = arith.index_cast %get3A_622 : i32 to index
        %get3A_624 = arith.index_cast %add3A_621 : i32 to index
        %get3A_625 = arith.constant 16 : index
        %get3A_626 = tpu.vector_load %arg7[%get3A_623, %get3A_624, %get3A_625] {strides = array<i32>} : memref<8x72x32xf32, #tpu.memory_space<vmem>>, vector<1x1x16xf32>,
        %get3A_627 = vector.shape_cast %get3A_626 : vector<1x1x16xf32> to vector<16xf32>
        %add3A_628 = arith.addf %add3A_619, %get3A_627 : vector<16xf32>
        %mul3A_629 = arith.constant 1.250000e-01 : f32
        %mul3A_630 = vector.broadcast %mul3A_629 : f32 to vector<16xf32>
        %mul3A_631 = arith.mulf %mul3A_630, %add3A_628 : vector<16xf32>
        %sub3A_632 = arith.subf %get3A_557, %mul3A_631 : vector<16xf32>
        %mul3A_633 = arith.mulf %sub3A_632, %sub3A_632 : vector<16xf32>
        %mul3A_634 = arith.constant 3.125000e-07 : f32
        %mul3A_635 = vector.broadcast %mul3A_634 : f32 to vector<16xf32>
        %mul3A_636 = arith.mulf %mul3A_633, %mul3A_635 : vector<16xf32>
        %add3A_637 = arith.addf %add3A_551, %mul3A_636 : vector<16xf32>
        %get3A_638 = arith.constant 4 : i32
        %get3A_639 = arith.index_cast %get3A_638 : i32 to index
        %get3A_640 = arith.index_cast %mul3A_467 : i32 to index
        %get3A_641 = arith.constant 0 : index
        %get3A_642 = tpu.vector_load %arg8[%get3A_639, %get3A_640, %get3A_641] {strides = array<i32>} : memref<8x72x16xf32, #tpu.memory_space<vmem>>, vector<1x1x16xf32>,
        %get3A_643 = vector.shape_cast %get3A_642 : vector<1x1x16xf32> to vector<16xf32>
        %add3A_644 = arith.constant 1 : i32
        %add3A_645 = arith.addi %mul3A_467, %add3A_644 : i32
        %get3A_646 = arith.constant 4 : i32
        %get3A_647 = arith.index_cast %get3A_646 : i32 to index
        %get3A_648 = arith.index_cast %add3A_645 : i32 to index
        %get3A_649 = arith.constant 0 : index
        %get3A_650 = tpu.vector_load %arg8[%get3A_647, %get3A_648, %get3A_649] {strides = array<i32>} : memref<8x72x16xf32, #tpu.memory_space<vmem>>, vector<1x1x16xf32>,
        %get3A_651 = vector.shape_cast %get3A_650 : vector<1x1x16xf32> to vector<16xf32>
        %add3A_652 = arith.constant 2 : i32
        %add3A_653 = arith.addi %mul3A_467, %add3A_652 : i32
        %get3A_654 = arith.constant 4 : i32
        %get3A_655 = arith.index_cast %get3A_654 : i32 to index
        %get3A_656 = arith.index_cast %add3A_653 : i32 to index
        %get3A_657 = arith.constant 0 : index
        %get3A_658 = tpu.vector_load %arg8[%get3A_655, %get3A_656, %get3A_657] {strides = array<i32>} : memref<8x72x16xf32, #tpu.memory_space<vmem>>, vector<1x1x16xf32>,
        %get3A_659 = vector.shape_cast %get3A_658 : vector<1x1x16xf32> to vector<16xf32>
        %add3A_660 = arith.addf %get3A_651, %get3A_659 : vector<16xf32>
        %add3A_661 = arith.constant 3 : i32
        %add3A_662 = arith.addi %mul3A_467, %add3A_661 : i32
        %get3A_663 = arith.constant 4 : i32
        %get3A_664 = arith.index_cast %get3A_663 : i32 to index
        %get3A_665 = arith.index_cast %add3A_662 : i32 to index
        %get3A_666 = arith.constant 0 : index
        %get3A_667 = tpu.vector_load %arg8[%get3A_664, %get3A_665, %get3A_666] {strides = array<i32>} : memref<8x72x16xf32, #tpu.memory_space<vmem>>, vector<1x1x16xf32>,
        %get3A_668 = vector.shape_cast %get3A_667 : vector<1x1x16xf32> to vector<16xf32>
        %add3A_669 = arith.addf %add3A_660, %get3A_668 : vector<16xf32>
        %add3A_670 = arith.constant 4 : i32
        %add3A_671 = arith.addi %mul3A_467, %add3A_670 : i32
        %get3A_672 = arith.constant 4 : i32
        %get3A_673 = arith.index_cast %get3A_672 : i32 to index
        %get3A_674 = arith.index_cast %add3A_671 : i32 to index
        %get3A_675 = arith.constant 0 : index
        %get3A_676 = tpu.vector_load %arg8[%get3A_673, %get3A_674, %get3A_675] {strides = array<i32>} : memref<8x72x16xf32, #tpu.memory_space<vmem>>, vector<1x1x16xf32>,
        %get3A_677 = vector.shape_cast %get3A_676 : vector<1x1x16xf32> to vector<16xf32>
        %add3A_678 = arith.addf %add3A_669, %get3A_677 : vector<16xf32>
        %add3A_679 = arith.constant 5 : i32
        %add3A_680 = arith.addi %mul3A_467, %add3A_679 : i32
        %get3A_681 = arith.constant 4 : i32
        %get3A_682 = arith.index_cast %get3A_681 : i32 to index
        %get3A_683 = arith.index_cast %add3A_680 : i32 to index
        %get3A_684 = arith.constant 0 : index
        %get3A_685 = tpu.vector_load %arg8[%get3A_682, %get3A_683, %get3A_684] {strides = array<i32>} : memref<8x72x16xf32, #tpu.memory_space<vmem>>, vector<1x1x16xf32>,
        %get3A_686 = vector.shape_cast %get3A_685 : vector<1x1x16xf32> to vector<16xf32>
        %add3A_687 = arith.addf %add3A_678, %get3A_686 : vector<16xf32>
        %add3A_688 = arith.constant 6 : i32
        %add3A_689 = arith.addi %mul3A_467, %add3A_688 : i32
        %get3A_690 = arith.constant 4 : i32
        %get3A_691 = arith.index_cast %get3A_690 : i32 to index
        %get3A_692 = arith.index_cast %add3A_689 : i32 to index
        %get3A_693 = arith.constant 0 : index
        %get3A_694 = tpu.vector_load %arg8[%get3A_691, %get3A_692, %get3A_693] {strides = array<i32>} : memref<8x72x16xf32, #tpu.memory_space<vmem>>, vector<1x1x16xf32>,
        %get3A_695 = vector.shape_cast %get3A_694 : vector<1x1x16xf32> to vector<16xf32>
        %add3A_696 = arith.addf %add3A_687, %get3A_695 : vector<16xf32>
        %add3A_697 = arith.constant 7 : i32
        %add3A_698 = arith.addi %mul3A_467, %add3A_697 : i32
        %get3A_699 = arith.constant 4 : i32
        %get3A_700 = arith.index_cast %get3A_699 : i32 to index
        %get3A_701 = arith.index_cast %add3A_698 : i32 to index
        %get3A_702 = arith.constant 0 : index
        %get3A_703 = tpu.vector_load %arg8[%get3A_700, %get3A_701, %get3A_702] {strides = array<i32>} : memref<8x72x16xf32, #tpu.memory_space<vmem>>, vector<1x1x16xf32>,
        %get3A_704 = vector.shape_cast %get3A_703 : vector<1x1x16xf32> to vector<16xf32>
        %add3A_705 = arith.addf %add3A_696, %get3A_704 : vector<16xf32>
        %add3A_706 = arith.constant 8 : i32
        %add3A_707 = arith.addi %mul3A_467, %add3A_706 : i32
        %get3A_708 = arith.constant 4 : i32
        %get3A_709 = arith.index_cast %get3A_708 : i32 to index
        %get3A_710 = arith.index_cast %add3A_707 : i32 to index
        %get3A_711 = arith.constant 0 : index
        %get3A_712 = tpu.vector_load %arg8[%get3A_709, %get3A_710, %get3A_711] {strides = array<i32>} : memref<8x72x16xf32, #tpu.memory_space<vmem>>, vector<1x1x16xf32>,
        %get3A_713 = vector.shape_cast %get3A_712 : vector<1x1x16xf32> to vector<16xf32>
        %add3A_714 = arith.addf %add3A_705, %get3A_713 : vector<16xf32>
        %mul3A_715 = arith.constant 1.250000e-01 : f32
        %mul3A_716 = vector.broadcast %mul3A_715 : f32 to vector<16xf32>
        %mul3A_717 = arith.mulf %mul3A_716, %add3A_714 : vector<16xf32>
        %sub3A_718 = arith.subf %get3A_643, %mul3A_717 : vector<16xf32>
        %mul3A_719 = arith.mulf %sub3A_718, %sub3A_718 : vector<16xf32>
        %mul3A_720 = arith.mulf %mul3A_719, %select_n3A_11 : vector<16xf32>
        %add3A_721 = arith.addf %add3A_637, %mul3A_720 : vector<16xf32>
        scf.yield %add3A_721 : vector<16xf32>
      }
      %scan3A_349 = arith.constant 8 : i32
      %add3A_350 = arith.constant 4 : i32
      %add3A_351 = arith.addi %mul3A_186, %add3A_350 : i32
      %add3A_352 = arith.constant 8 : i32
      %add3A_353 = arith.addi %add3A_351, %add3A_352 : i32
      %lt3A_354 = arith.constant 392 : i32
      %lt3A_355 = arith.cmpi slt, %add3A_353, %lt3A_354 : i32
      %convert_element_type3A_356 = arith.extui %lt3A_355 : i1 to i32
      %cond3A_357 = arith.constant 0 : i32
      %cond3A_358 = arith.cmpi ne, %convert_element_type3A_356, %cond3A_357 : i32
      scf.if %cond3A_358 {
        %mul3A_464 = arith.constant 72 : i32
        %mul3A_465 = arith.muli %add3A_353, %mul3A_464 : i32
        %dma_start3A_466 = arith.constant 4 : i32
        %dma_start3A_467 = arith.constant 0 : i32
        %dma_start3A_468 = arith.constant 0 : i32
        %dma_start3A_469 = tpu.memref_slice %arg7[%dma_start3A_466, %dma_start3A_467, %dma_start3A_468] : memref<8x72x32xf32, #tpu.memory_space<vmem>> -> memref<1x72x32xf32, #tpu.memory_space<vmem>>
        %dma_start3A_470 = tpu.memref_squeeze %dma_start3A_469 : memref<1x72x32xf32, #tpu.memory_space<vmem>> -> memref<72x32xf32, #tpu.memory_space<vmem>>
        %dma_start3A_471 = tpu.memref_slice %arg6[%mul3A_465] : memref<28224xi32, #tpu.memory_space<vmem>> -> memref<72xi32, #tpu.memory_space<vmem>>
        %dma_start3A_472 = arith.constant 0 : i32
        %dma_start3A_473 = arith.constant 0 : i32
        %dma_start3A_474 = tpu.memref_slice %arg2[%dma_start3A_472, %dma_start3A_473] : memref<100000x32xf32, #tpu.memory_space<hbm>> -> memref<100000x32xf32, #tpu.memory_space<hbm>>
        tpu.enqueue_indirect_dma source(%dma_start3A_474 : memref<100000x32xf32, #tpu.memory_space<hbm>>) target(%dma_start3A_470 : memref<72x32xf32, #tpu.memory_space<vmem>>) offsets(%dma_start3A_471 : memref<72xi32, #tpu.memory_space<vmem>>) semaphore(%arg14 : memref<!tpu.dma_semaphore, #tpu.memory_space<semaphore_mem>>)
        %dma_start3A_475 = arith.constant 4 : i32
        %dma_start3A_476 = arith.constant 0 : i32
        %dma_start3A_477 = arith.constant 0 : i32
        %dma_start3A_478 = tpu.memref_slice %arg8[%dma_start3A_475, %dma_start3A_476, %dma_start3A_477] : memref<8x72x16xf32, #tpu.memory_space<vmem>> -> memref<1x72x16xf32, #tpu.memory_space<vmem>>
        %dma_start3A_479 = tpu.memref_squeeze %dma_start3A_478 : memref<1x72x16xf32, #tpu.memory_space<vmem>> -> memref<72x16xf32, #tpu.memory_space<vmem>>
        %dma_start3A_480 = tpu.memref_slice %arg6[%mul3A_465] : memref<28224xi32, #tpu.memory_space<vmem>> -> memref<72xi32, #tpu.memory_space<vmem>>
        %dma_start3A_481 = arith.constant 0 : i32
        %dma_start3A_482 = arith.constant 0 : i32
        %dma_start3A_483 = tpu.memref_slice %arg3[%dma_start3A_481, %dma_start3A_482] : memref<100000x16xf32, #tpu.memory_space<hbm>> -> memref<100000x16xf32, #tpu.memory_space<hbm>>
        tpu.enqueue_indirect_dma source(%dma_start3A_483 : memref<100000x16xf32, #tpu.memory_space<hbm>>) target(%dma_start3A_479 : memref<72x16xf32, #tpu.memory_space<vmem>>) offsets(%dma_start3A_480 : memref<72xi32, #tpu.memory_space<vmem>>) semaphore(%arg14 : memref<!tpu.dma_semaphore, #tpu.memory_space<semaphore_mem>>)
      } else {
      }
      %dma_wait3A_359 = arith.constant 5 : i32
      %dma_wait3A_360 = arith.constant 0 : i32
      %dma_wait3A_361 = arith.constant 0 : i32
      %dma_wait3A_362 = tpu.memref_slice %arg7[%dma_wait3A_359, %dma_wait3A_360, %dma_wait3A_361] : memref<8x72x32xf32, #tpu.memory_space<vmem>> -> memref<1x72x32xf32, #tpu.memory_space<vmem>>
      %dma_wait3A_363 = tpu.memref_squeeze %dma_wait3A_362 : memref<1x72x32xf32, #tpu.memory_space<vmem>> -> memref<72x32xf32, #tpu.memory_space<vmem>>
      %dma_wait3A_364 = arith.constant 360 : i32
      %dma_wait3A_365 = tpu.memref_slice %arg6[%dma_wait3A_364] : memref<28224xi32, #tpu.memory_space<vmem>> -> memref<72xi32, #tpu.memory_space<vmem>>
      %dma_wait3A_366 = arith.constant 0 : i32
      %dma_wait3A_367 = arith.constant 0 : i32
      %dma_wait3A_368 = tpu.memref_slice %arg2[%dma_wait3A_366, %dma_wait3A_367] : memref<100000x32xf32, #tpu.memory_space<hbm>> -> memref<100000x32xf32, #tpu.memory_space<hbm>>
      tpu.wait_indirect_dma semaphore(%arg15 : memref<!tpu.dma_semaphore, #tpu.memory_space<semaphore_mem>>) src(%dma_wait3A_368 : memref<100000x32xf32, #tpu.memory_space<hbm>>) dst(%dma_wait3A_363 : memref<72x32xf32, #tpu.memory_space<vmem>>)
      %dma_wait3A_369 = arith.constant 5 : i32
      %dma_wait3A_370 = arith.constant 0 : i32
      %dma_wait3A_371 = arith.constant 0 : i32
      %dma_wait3A_372 = tpu.memref_slice %arg8[%dma_wait3A_369, %dma_wait3A_370, %dma_wait3A_371] : memref<8x72x16xf32, #tpu.memory_space<vmem>> -> memref<1x72x16xf32, #tpu.memory_space<vmem>>
      %dma_wait3A_373 = tpu.memref_squeeze %dma_wait3A_372 : memref<1x72x16xf32, #tpu.memory_space<vmem>> -> memref<72x16xf32, #tpu.memory_space<vmem>>
      %dma_wait3A_374 = arith.constant 360 : i32
      %dma_wait3A_375 = tpu.memref_slice %arg6[%dma_wait3A_374] : memref<28224xi32, #tpu.memory_space<vmem>> -> memref<72xi32, #tpu.memory_space<vmem>>
      %dma_wait3A_376 = arith.constant 0 : i32
      %dma_wait3A_377 = arith.constant 0 : i32
      %dma_wait3A_378 = tpu.memref_slice %arg3[%dma_wait3A_376, %dma_wait3A_377] : memref<100000x16xf32, #tpu.memory_space<hbm>> -> memref<100000x16xf32, #tpu.memory_space<hbm>>
      tpu.wait_indirect_dma semaphore(%arg15 : memref<!tpu.dma_semaphore, #tpu.memory_space<semaphore_mem>>) src(%dma_wait3A_378 : memref<100000x16xf32, #tpu.memory_space<hbm>>) dst(%dma_wait3A_373 : memref<72x16xf32, #tpu.memory_space<vmem>>)
      %scan3A_379 = arith.constant 0 : i32
      %scan3A_380 = arith.constant 8 : i32
      %scan3A_381 = arith.addi %scan3A_379, %scan3A_380 : i32
      %scan3A_382 = arith.constant 1 : i32
      %scan3A_383 = scf.for %scan3A_464 = %scan3A_379 to %scan3A_381 step %scan3A_382 iter_args(%scan3A_465 = %scan3A_348) -> (vector<16xf32>)  : i32 {
        %mul3A_466 = arith.constant 9 : i32
        %mul3A_467 = arith.muli %scan3A_464, %mul3A_466 : i32
        %get3A = arith.constant 5 : i32
        %get3A_468 = arith.index_cast %get3A : i32 to index
        %get3A_469 = arith.index_cast %mul3A_467 : i32 to index
        %get3A_470 = arith.constant 0 : index
        %get3A_471 = tpu.vector_load %arg7[%get3A_468, %get3A_469, %get3A_470] {strides = array<i32>} : memref<8x72x32xf32, #tpu.memory_space<vmem>>, vector<1x1x16xf32>,
        %get3A_472 = vector.shape_cast %get3A_471 : vector<1x1x16xf32> to vector<16xf32>
        %add3A_473 = arith.constant 1 : i32
        %add3A_474 = arith.addi %mul3A_467, %add3A_473 : i32
        %get3A_475 = arith.constant 5 : i32
        %get3A_476 = arith.index_cast %get3A_475 : i32 to index
        %get3A_477 = arith.index_cast %add3A_474 : i32 to index
        %get3A_478 = arith.constant 0 : index
        %get3A_479 = tpu.vector_load %arg7[%get3A_476, %get3A_477, %get3A_478] {strides = array<i32>} : memref<8x72x32xf32, #tpu.memory_space<vmem>>, vector<1x1x16xf32>,
        %get3A_480 = vector.shape_cast %get3A_479 : vector<1x1x16xf32> to vector<16xf32>
        %add3A_481 = arith.constant 2 : i32
        %add3A_482 = arith.addi %mul3A_467, %add3A_481 : i32
        %get3A_483 = arith.constant 5 : i32
        %get3A_484 = arith.index_cast %get3A_483 : i32 to index
        %get3A_485 = arith.index_cast %add3A_482 : i32 to index
        %get3A_486 = arith.constant 0 : index
        %get3A_487 = tpu.vector_load %arg7[%get3A_484, %get3A_485, %get3A_486] {strides = array<i32>} : memref<8x72x32xf32, #tpu.memory_space<vmem>>, vector<1x1x16xf32>,
        %get3A_488 = vector.shape_cast %get3A_487 : vector<1x1x16xf32> to vector<16xf32>
        %add3A_489 = arith.addf %get3A_480, %get3A_488 : vector<16xf32>
        %add3A_490 = arith.constant 3 : i32
        %add3A_491 = arith.addi %mul3A_467, %add3A_490 : i32
        %get3A_492 = arith.constant 5 : i32
        %get3A_493 = arith.index_cast %get3A_492 : i32 to index
        %get3A_494 = arith.index_cast %add3A_491 : i32 to index
        %get3A_495 = arith.constant 0 : index
        %get3A_496 = tpu.vector_load %arg7[%get3A_493, %get3A_494, %get3A_495] {strides = array<i32>} : memref<8x72x32xf32, #tpu.memory_space<vmem>>, vector<1x1x16xf32>,
        %get3A_497 = vector.shape_cast %get3A_496 : vector<1x1x16xf32> to vector<16xf32>
        %add3A_498 = arith.addf %add3A_489, %get3A_497 : vector<16xf32>
        %add3A_499 = arith.constant 4 : i32
        %add3A_500 = arith.addi %mul3A_467, %add3A_499 : i32
        %get3A_501 = arith.constant 5 : i32
        %get3A_502 = arith.index_cast %get3A_501 : i32 to index
        %get3A_503 = arith.index_cast %add3A_500 : i32 to index
        %get3A_504 = arith.constant 0 : index
        %get3A_505 = tpu.vector_load %arg7[%get3A_502, %get3A_503, %get3A_504] {strides = array<i32>} : memref<8x72x32xf32, #tpu.memory_space<vmem>>, vector<1x1x16xf32>,
        %get3A_506 = vector.shape_cast %get3A_505 : vector<1x1x16xf32> to vector<16xf32>
        %add3A_507 = arith.addf %add3A_498, %get3A_506 : vector<16xf32>
        %add3A_508 = arith.constant 5 : i32
        %add3A_509 = arith.addi %mul3A_467, %add3A_508 : i32
        %get3A_510 = arith.constant 5 : i32
        %get3A_511 = arith.index_cast %get3A_510 : i32 to index
        %get3A_512 = arith.index_cast %add3A_509 : i32 to index
        %get3A_513 = arith.constant 0 : index
        %get3A_514 = tpu.vector_load %arg7[%get3A_511, %get3A_512, %get3A_513] {strides = array<i32>} : memref<8x72x32xf32, #tpu.memory_space<vmem>>, vector<1x1x16xf32>,
        %get3A_515 = vector.shape_cast %get3A_514 : vector<1x1x16xf32> to vector<16xf32>
        %add3A_516 = arith.addf %add3A_507, %get3A_515 : vector<16xf32>
        %add3A_517 = arith.constant 6 : i32
        %add3A_518 = arith.addi %mul3A_467, %add3A_517 : i32
        %get3A_519 = arith.constant 5 : i32
        %get3A_520 = arith.index_cast %get3A_519 : i32 to index
        %get3A_521 = arith.index_cast %add3A_518 : i32 to index
        %get3A_522 = arith.constant 0 : index
        %get3A_523 = tpu.vector_load %arg7[%get3A_520, %get3A_521, %get3A_522] {strides = array<i32>} : memref<8x72x32xf32, #tpu.memory_space<vmem>>, vector<1x1x16xf32>,
        %get3A_524 = vector.shape_cast %get3A_523 : vector<1x1x16xf32> to vector<16xf32>
        %add3A_525 = arith.addf %add3A_516, %get3A_524 : vector<16xf32>
        %add3A_526 = arith.constant 7 : i32
        %add3A_527 = arith.addi %mul3A_467, %add3A_526 : i32
        %get3A_528 = arith.constant 5 : i32
        %get3A_529 = arith.index_cast %get3A_528 : i32 to index
        %get3A_530 = arith.index_cast %add3A_527 : i32 to index
        %get3A_531 = arith.constant 0 : index
        %get3A_532 = tpu.vector_load %arg7[%get3A_529, %get3A_530, %get3A_531] {strides = array<i32>} : memref<8x72x32xf32, #tpu.memory_space<vmem>>, vector<1x1x16xf32>,
        %get3A_533 = vector.shape_cast %get3A_532 : vector<1x1x16xf32> to vector<16xf32>
        %add3A_534 = arith.addf %add3A_525, %get3A_533 : vector<16xf32>
        %add3A_535 = arith.constant 8 : i32
        %add3A_536 = arith.addi %mul3A_467, %add3A_535 : i32
        %get3A_537 = arith.constant 5 : i32
        %get3A_538 = arith.index_cast %get3A_537 : i32 to index
        %get3A_539 = arith.index_cast %add3A_536 : i32 to index
        %get3A_540 = arith.constant 0 : index
        %get3A_541 = tpu.vector_load %arg7[%get3A_538, %get3A_539, %get3A_540] {strides = array<i32>} : memref<8x72x32xf32, #tpu.memory_space<vmem>>, vector<1x1x16xf32>,
        %get3A_542 = vector.shape_cast %get3A_541 : vector<1x1x16xf32> to vector<16xf32>
        %add3A_543 = arith.addf %add3A_534, %get3A_542 : vector<16xf32>
        %mul3A_544 = arith.constant 1.250000e-01 : f32
        %mul3A_545 = vector.broadcast %mul3A_544 : f32 to vector<16xf32>
        %mul3A_546 = arith.mulf %mul3A_545, %add3A_543 : vector<16xf32>
        %sub3A = arith.subf %get3A_472, %mul3A_546 : vector<16xf32>
        %mul3A_547 = arith.mulf %sub3A, %sub3A : vector<16xf32>
        %mul3A_548 = arith.constant 3.125000e-07 : f32
        %mul3A_549 = vector.broadcast %mul3A_548 : f32 to vector<16xf32>
        %mul3A_550 = arith.mulf %mul3A_547, %mul3A_549 : vector<16xf32>
        %add3A_551 = arith.addf %scan3A_465, %mul3A_550 : vector<16xf32>
        %get3A_552 = arith.constant 5 : i32
        %get3A_553 = arith.index_cast %get3A_552 : i32 to index
        %get3A_554 = arith.index_cast %mul3A_467 : i32 to index
        %get3A_555 = arith.constant 16 : index
        %get3A_556 = tpu.vector_load %arg7[%get3A_553, %get3A_554, %get3A_555] {strides = array<i32>} : memref<8x72x32xf32, #tpu.memory_space<vmem>>, vector<1x1x16xf32>,
        %get3A_557 = vector.shape_cast %get3A_556 : vector<1x1x16xf32> to vector<16xf32>
        %add3A_558 = arith.constant 1 : i32
        %add3A_559 = arith.addi %mul3A_467, %add3A_558 : i32
        %get3A_560 = arith.constant 5 : i32
        %get3A_561 = arith.index_cast %get3A_560 : i32 to index
        %get3A_562 = arith.index_cast %add3A_559 : i32 to index
        %get3A_563 = arith.constant 16 : index
        %get3A_564 = tpu.vector_load %arg7[%get3A_561, %get3A_562, %get3A_563] {strides = array<i32>} : memref<8x72x32xf32, #tpu.memory_space<vmem>>, vector<1x1x16xf32>,
        %get3A_565 = vector.shape_cast %get3A_564 : vector<1x1x16xf32> to vector<16xf32>
        %add3A_566 = arith.constant 2 : i32
        %add3A_567 = arith.addi %mul3A_467, %add3A_566 : i32
        %get3A_568 = arith.constant 5 : i32
        %get3A_569 = arith.index_cast %get3A_568 : i32 to index
        %get3A_570 = arith.index_cast %add3A_567 : i32 to index
        %get3A_571 = arith.constant 16 : index
        %get3A_572 = tpu.vector_load %arg7[%get3A_569, %get3A_570, %get3A_571] {strides = array<i32>} : memref<8x72x32xf32, #tpu.memory_space<vmem>>, vector<1x1x16xf32>,
        %get3A_573 = vector.shape_cast %get3A_572 : vector<1x1x16xf32> to vector<16xf32>
        %add3A_574 = arith.addf %get3A_565, %get3A_573 : vector<16xf32>
        %add3A_575 = arith.constant 3 : i32
        %add3A_576 = arith.addi %mul3A_467, %add3A_575 : i32
        %get3A_577 = arith.constant 5 : i32
        %get3A_578 = arith.index_cast %get3A_577 : i32 to index
        %get3A_579 = arith.index_cast %add3A_576 : i32 to index
        %get3A_580 = arith.constant 16 : index
        %get3A_581 = tpu.vector_load %arg7[%get3A_578, %get3A_579, %get3A_580] {strides = array<i32>} : memref<8x72x32xf32, #tpu.memory_space<vmem>>, vector<1x1x16xf32>,
        %get3A_582 = vector.shape_cast %get3A_581 : vector<1x1x16xf32> to vector<16xf32>
        %add3A_583 = arith.addf %add3A_574, %get3A_582 : vector<16xf32>
        %add3A_584 = arith.constant 4 : i32
        %add3A_585 = arith.addi %mul3A_467, %add3A_584 : i32
        %get3A_586 = arith.constant 5 : i32
        %get3A_587 = arith.index_cast %get3A_586 : i32 to index
        %get3A_588 = arith.index_cast %add3A_585 : i32 to index
        %get3A_589 = arith.constant 16 : index
        %get3A_590 = tpu.vector_load %arg7[%get3A_587, %get3A_588, %get3A_589] {strides = array<i32>} : memref<8x72x32xf32, #tpu.memory_space<vmem>>, vector<1x1x16xf32>,
        %get3A_591 = vector.shape_cast %get3A_590 : vector<1x1x16xf32> to vector<16xf32>
        %add3A_592 = arith.addf %add3A_583, %get3A_591 : vector<16xf32>
        %add3A_593 = arith.constant 5 : i32
        %add3A_594 = arith.addi %mul3A_467, %add3A_593 : i32
        %get3A_595 = arith.constant 5 : i32
        %get3A_596 = arith.index_cast %get3A_595 : i32 to index
        %get3A_597 = arith.index_cast %add3A_594 : i32 to index
        %get3A_598 = arith.constant 16 : index
        %get3A_599 = tpu.vector_load %arg7[%get3A_596, %get3A_597, %get3A_598] {strides = array<i32>} : memref<8x72x32xf32, #tpu.memory_space<vmem>>, vector<1x1x16xf32>,
        %get3A_600 = vector.shape_cast %get3A_599 : vector<1x1x16xf32> to vector<16xf32>
        %add3A_601 = arith.addf %add3A_592, %get3A_600 : vector<16xf32>
        %add3A_602 = arith.constant 6 : i32
        %add3A_603 = arith.addi %mul3A_467, %add3A_602 : i32
        %get3A_604 = arith.constant 5 : i32
        %get3A_605 = arith.index_cast %get3A_604 : i32 to index
        %get3A_606 = arith.index_cast %add3A_603 : i32 to index
        %get3A_607 = arith.constant 16 : index
        %get3A_608 = tpu.vector_load %arg7[%get3A_605, %get3A_606, %get3A_607] {strides = array<i32>} : memref<8x72x32xf32, #tpu.memory_space<vmem>>, vector<1x1x16xf32>,
        %get3A_609 = vector.shape_cast %get3A_608 : vector<1x1x16xf32> to vector<16xf32>
        %add3A_610 = arith.addf %add3A_601, %get3A_609 : vector<16xf32>
        %add3A_611 = arith.constant 7 : i32
        %add3A_612 = arith.addi %mul3A_467, %add3A_611 : i32
        %get3A_613 = arith.constant 5 : i32
        %get3A_614 = arith.index_cast %get3A_613 : i32 to index
        %get3A_615 = arith.index_cast %add3A_612 : i32 to index
        %get3A_616 = arith.constant 16 : index
        %get3A_617 = tpu.vector_load %arg7[%get3A_614, %get3A_615, %get3A_616] {strides = array<i32>} : memref<8x72x32xf32, #tpu.memory_space<vmem>>, vector<1x1x16xf32>,
        %get3A_618 = vector.shape_cast %get3A_617 : vector<1x1x16xf32> to vector<16xf32>
        %add3A_619 = arith.addf %add3A_610, %get3A_618 : vector<16xf32>
        %add3A_620 = arith.constant 8 : i32
        %add3A_621 = arith.addi %mul3A_467, %add3A_620 : i32
        %get3A_622 = arith.constant 5 : i32
        %get3A_623 = arith.index_cast %get3A_622 : i32 to index
        %get3A_624 = arith.index_cast %add3A_621 : i32 to index
        %get3A_625 = arith.constant 16 : index
        %get3A_626 = tpu.vector_load %arg7[%get3A_623, %get3A_624, %get3A_625] {strides = array<i32>} : memref<8x72x32xf32, #tpu.memory_space<vmem>>, vector<1x1x16xf32>,
        %get3A_627 = vector.shape_cast %get3A_626 : vector<1x1x16xf32> to vector<16xf32>
        %add3A_628 = arith.addf %add3A_619, %get3A_627 : vector<16xf32>
        %mul3A_629 = arith.constant 1.250000e-01 : f32
        %mul3A_630 = vector.broadcast %mul3A_629 : f32 to vector<16xf32>
        %mul3A_631 = arith.mulf %mul3A_630, %add3A_628 : vector<16xf32>
        %sub3A_632 = arith.subf %get3A_557, %mul3A_631 : vector<16xf32>
        %mul3A_633 = arith.mulf %sub3A_632, %sub3A_632 : vector<16xf32>
        %mul3A_634 = arith.constant 3.125000e-07 : f32
        %mul3A_635 = vector.broadcast %mul3A_634 : f32 to vector<16xf32>
        %mul3A_636 = arith.mulf %mul3A_633, %mul3A_635 : vector<16xf32>
        %add3A_637 = arith.addf %add3A_551, %mul3A_636 : vector<16xf32>
        %get3A_638 = arith.constant 5 : i32
        %get3A_639 = arith.index_cast %get3A_638 : i32 to index
        %get3A_640 = arith.index_cast %mul3A_467 : i32 to index
        %get3A_641 = arith.constant 0 : index
        %get3A_642 = tpu.vector_load %arg8[%get3A_639, %get3A_640, %get3A_641] {strides = array<i32>} : memref<8x72x16xf32, #tpu.memory_space<vmem>>, vector<1x1x16xf32>,
        %get3A_643 = vector.shape_cast %get3A_642 : vector<1x1x16xf32> to vector<16xf32>
        %add3A_644 = arith.constant 1 : i32
        %add3A_645 = arith.addi %mul3A_467, %add3A_644 : i32
        %get3A_646 = arith.constant 5 : i32
        %get3A_647 = arith.index_cast %get3A_646 : i32 to index
        %get3A_648 = arith.index_cast %add3A_645 : i32 to index
        %get3A_649 = arith.constant 0 : index
        %get3A_650 = tpu.vector_load %arg8[%get3A_647, %get3A_648, %get3A_649] {strides = array<i32>} : memref<8x72x16xf32, #tpu.memory_space<vmem>>, vector<1x1x16xf32>,
        %get3A_651 = vector.shape_cast %get3A_650 : vector<1x1x16xf32> to vector<16xf32>
        %add3A_652 = arith.constant 2 : i32
        %add3A_653 = arith.addi %mul3A_467, %add3A_652 : i32
        %get3A_654 = arith.constant 5 : i32
        %get3A_655 = arith.index_cast %get3A_654 : i32 to index
        %get3A_656 = arith.index_cast %add3A_653 : i32 to index
        %get3A_657 = arith.constant 0 : index
        %get3A_658 = tpu.vector_load %arg8[%get3A_655, %get3A_656, %get3A_657] {strides = array<i32>} : memref<8x72x16xf32, #tpu.memory_space<vmem>>, vector<1x1x16xf32>,
        %get3A_659 = vector.shape_cast %get3A_658 : vector<1x1x16xf32> to vector<16xf32>
        %add3A_660 = arith.addf %get3A_651, %get3A_659 : vector<16xf32>
        %add3A_661 = arith.constant 3 : i32
        %add3A_662 = arith.addi %mul3A_467, %add3A_661 : i32
        %get3A_663 = arith.constant 5 : i32
        %get3A_664 = arith.index_cast %get3A_663 : i32 to index
        %get3A_665 = arith.index_cast %add3A_662 : i32 to index
        %get3A_666 = arith.constant 0 : index
        %get3A_667 = tpu.vector_load %arg8[%get3A_664, %get3A_665, %get3A_666] {strides = array<i32>} : memref<8x72x16xf32, #tpu.memory_space<vmem>>, vector<1x1x16xf32>,
        %get3A_668 = vector.shape_cast %get3A_667 : vector<1x1x16xf32> to vector<16xf32>
        %add3A_669 = arith.addf %add3A_660, %get3A_668 : vector<16xf32>
        %add3A_670 = arith.constant 4 : i32
        %add3A_671 = arith.addi %mul3A_467, %add3A_670 : i32
        %get3A_672 = arith.constant 5 : i32
        %get3A_673 = arith.index_cast %get3A_672 : i32 to index
        %get3A_674 = arith.index_cast %add3A_671 : i32 to index
        %get3A_675 = arith.constant 0 : index
        %get3A_676 = tpu.vector_load %arg8[%get3A_673, %get3A_674, %get3A_675] {strides = array<i32>} : memref<8x72x16xf32, #tpu.memory_space<vmem>>, vector<1x1x16xf32>,
        %get3A_677 = vector.shape_cast %get3A_676 : vector<1x1x16xf32> to vector<16xf32>
        %add3A_678 = arith.addf %add3A_669, %get3A_677 : vector<16xf32>
        %add3A_679 = arith.constant 5 : i32
        %add3A_680 = arith.addi %mul3A_467, %add3A_679 : i32
        %get3A_681 = arith.constant 5 : i32
        %get3A_682 = arith.index_cast %get3A_681 : i32 to index
        %get3A_683 = arith.index_cast %add3A_680 : i32 to index
        %get3A_684 = arith.constant 0 : index
        %get3A_685 = tpu.vector_load %arg8[%get3A_682, %get3A_683, %get3A_684] {strides = array<i32>} : memref<8x72x16xf32, #tpu.memory_space<vmem>>, vector<1x1x16xf32>,
        %get3A_686 = vector.shape_cast %get3A_685 : vector<1x1x16xf32> to vector<16xf32>
        %add3A_687 = arith.addf %add3A_678, %get3A_686 : vector<16xf32>
        %add3A_688 = arith.constant 6 : i32
        %add3A_689 = arith.addi %mul3A_467, %add3A_688 : i32
        %get3A_690 = arith.constant 5 : i32
        %get3A_691 = arith.index_cast %get3A_690 : i32 to index
        %get3A_692 = arith.index_cast %add3A_689 : i32 to index
        %get3A_693 = arith.constant 0 : index
        %get3A_694 = tpu.vector_load %arg8[%get3A_691, %get3A_692, %get3A_693] {strides = array<i32>} : memref<8x72x16xf32, #tpu.memory_space<vmem>>, vector<1x1x16xf32>,
        %get3A_695 = vector.shape_cast %get3A_694 : vector<1x1x16xf32> to vector<16xf32>
        %add3A_696 = arith.addf %add3A_687, %get3A_695 : vector<16xf32>
        %add3A_697 = arith.constant 7 : i32
        %add3A_698 = arith.addi %mul3A_467, %add3A_697 : i32
        %get3A_699 = arith.constant 5 : i32
        %get3A_700 = arith.index_cast %get3A_699 : i32 to index
        %get3A_701 = arith.index_cast %add3A_698 : i32 to index
        %get3A_702 = arith.constant 0 : index
        %get3A_703 = tpu.vector_load %arg8[%get3A_700, %get3A_701, %get3A_702] {strides = array<i32>} : memref<8x72x16xf32, #tpu.memory_space<vmem>>, vector<1x1x16xf32>,
        %get3A_704 = vector.shape_cast %get3A_703 : vector<1x1x16xf32> to vector<16xf32>
        %add3A_705 = arith.addf %add3A_696, %get3A_704 : vector<16xf32>
        %add3A_706 = arith.constant 8 : i32
        %add3A_707 = arith.addi %mul3A_467, %add3A_706 : i32
        %get3A_708 = arith.constant 5 : i32
        %get3A_709 = arith.index_cast %get3A_708 : i32 to index
        %get3A_710 = arith.index_cast %add3A_707 : i32 to index
        %get3A_711 = arith.constant 0 : index
        %get3A_712 = tpu.vector_load %arg8[%get3A_709, %get3A_710, %get3A_711] {strides = array<i32>} : memref<8x72x16xf32, #tpu.memory_space<vmem>>, vector<1x1x16xf32>,
        %get3A_713 = vector.shape_cast %get3A_712 : vector<1x1x16xf32> to vector<16xf32>
        %add3A_714 = arith.addf %add3A_705, %get3A_713 : vector<16xf32>
        %mul3A_715 = arith.constant 1.250000e-01 : f32
        %mul3A_716 = vector.broadcast %mul3A_715 : f32 to vector<16xf32>
        %mul3A_717 = arith.mulf %mul3A_716, %add3A_714 : vector<16xf32>
        %sub3A_718 = arith.subf %get3A_643, %mul3A_717 : vector<16xf32>
        %mul3A_719 = arith.mulf %sub3A_718, %sub3A_718 : vector<16xf32>
        %mul3A_720 = arith.mulf %mul3A_719, %select_n3A_11 : vector<16xf32>
        %add3A_721 = arith.addf %add3A_637, %mul3A_720 : vector<16xf32>
        scf.yield %add3A_721 : vector<16xf32>
      }
      %scan3A_384 = arith.constant 8 : i32
      %add3A_385 = arith.constant 5 : i32
      %add3A_386 = arith.addi %mul3A_186, %add3A_385 : i32
      %add3A_387 = arith.constant 8 : i32
      %add3A_388 = arith.addi %add3A_386, %add3A_387 : i32
      %lt3A_389 = arith.constant 392 : i32
      %lt3A_390 = arith.cmpi slt, %add3A_388, %lt3A_389 : i32
      %convert_element_type3A_391 = arith.extui %lt3A_390 : i1 to i32
      %cond3A_392 = arith.constant 0 : i32
      %cond3A_393 = arith.cmpi ne, %convert_element_type3A_391, %cond3A_392 : i32
      scf.if %cond3A_393 {
        %mul3A_464 = arith.constant 72 : i32
        %mul3A_465 = arith.muli %add3A_388, %mul3A_464 : i32
        %dma_start3A_466 = arith.constant 5 : i32
        %dma_start3A_467 = arith.constant 0 : i32
        %dma_start3A_468 = arith.constant 0 : i32
        %dma_start3A_469 = tpu.memref_slice %arg7[%dma_start3A_466, %dma_start3A_467, %dma_start3A_468] : memref<8x72x32xf32, #tpu.memory_space<vmem>> -> memref<1x72x32xf32, #tpu.memory_space<vmem>>
        %dma_start3A_470 = tpu.memref_squeeze %dma_start3A_469 : memref<1x72x32xf32, #tpu.memory_space<vmem>> -> memref<72x32xf32, #tpu.memory_space<vmem>>
        %dma_start3A_471 = tpu.memref_slice %arg6[%mul3A_465] : memref<28224xi32, #tpu.memory_space<vmem>> -> memref<72xi32, #tpu.memory_space<vmem>>
        %dma_start3A_472 = arith.constant 0 : i32
        %dma_start3A_473 = arith.constant 0 : i32
        %dma_start3A_474 = tpu.memref_slice %arg2[%dma_start3A_472, %dma_start3A_473] : memref<100000x32xf32, #tpu.memory_space<hbm>> -> memref<100000x32xf32, #tpu.memory_space<hbm>>
        tpu.enqueue_indirect_dma source(%dma_start3A_474 : memref<100000x32xf32, #tpu.memory_space<hbm>>) target(%dma_start3A_470 : memref<72x32xf32, #tpu.memory_space<vmem>>) offsets(%dma_start3A_471 : memref<72xi32, #tpu.memory_space<vmem>>) semaphore(%arg15 : memref<!tpu.dma_semaphore, #tpu.memory_space<semaphore_mem>>)
        %dma_start3A_475 = arith.constant 5 : i32
        %dma_start3A_476 = arith.constant 0 : i32
        %dma_start3A_477 = arith.constant 0 : i32
        %dma_start3A_478 = tpu.memref_slice %arg8[%dma_start3A_475, %dma_start3A_476, %dma_start3A_477] : memref<8x72x16xf32, #tpu.memory_space<vmem>> -> memref<1x72x16xf32, #tpu.memory_space<vmem>>
        %dma_start3A_479 = tpu.memref_squeeze %dma_start3A_478 : memref<1x72x16xf32, #tpu.memory_space<vmem>> -> memref<72x16xf32, #tpu.memory_space<vmem>>
        %dma_start3A_480 = tpu.memref_slice %arg6[%mul3A_465] : memref<28224xi32, #tpu.memory_space<vmem>> -> memref<72xi32, #tpu.memory_space<vmem>>
        %dma_start3A_481 = arith.constant 0 : i32
        %dma_start3A_482 = arith.constant 0 : i32
        %dma_start3A_483 = tpu.memref_slice %arg3[%dma_start3A_481, %dma_start3A_482] : memref<100000x16xf32, #tpu.memory_space<hbm>> -> memref<100000x16xf32, #tpu.memory_space<hbm>>
        tpu.enqueue_indirect_dma source(%dma_start3A_483 : memref<100000x16xf32, #tpu.memory_space<hbm>>) target(%dma_start3A_479 : memref<72x16xf32, #tpu.memory_space<vmem>>) offsets(%dma_start3A_480 : memref<72xi32, #tpu.memory_space<vmem>>) semaphore(%arg15 : memref<!tpu.dma_semaphore, #tpu.memory_space<semaphore_mem>>)
      } else {
      }
      %dma_wait3A_394 = arith.constant 6 : i32
      %dma_wait3A_395 = arith.constant 0 : i32
      %dma_wait3A_396 = arith.constant 0 : i32
      %dma_wait3A_397 = tpu.memref_slice %arg7[%dma_wait3A_394, %dma_wait3A_395, %dma_wait3A_396] : memref<8x72x32xf32, #tpu.memory_space<vmem>> -> memref<1x72x32xf32, #tpu.memory_space<vmem>>
      %dma_wait3A_398 = tpu.memref_squeeze %dma_wait3A_397 : memref<1x72x32xf32, #tpu.memory_space<vmem>> -> memref<72x32xf32, #tpu.memory_space<vmem>>
      %dma_wait3A_399 = arith.constant 432 : i32
      %dma_wait3A_400 = tpu.memref_slice %arg6[%dma_wait3A_399] : memref<28224xi32, #tpu.memory_space<vmem>> -> memref<72xi32, #tpu.memory_space<vmem>>
      %dma_wait3A_401 = arith.constant 0 : i32
      %dma_wait3A_402 = arith.constant 0 : i32
      %dma_wait3A_403 = tpu.memref_slice %arg2[%dma_wait3A_401, %dma_wait3A_402] : memref<100000x32xf32, #tpu.memory_space<hbm>> -> memref<100000x32xf32, #tpu.memory_space<hbm>>
      tpu.wait_indirect_dma semaphore(%arg16 : memref<!tpu.dma_semaphore, #tpu.memory_space<semaphore_mem>>) src(%dma_wait3A_403 : memref<100000x32xf32, #tpu.memory_space<hbm>>) dst(%dma_wait3A_398 : memref<72x32xf32, #tpu.memory_space<vmem>>)
      %dma_wait3A_404 = arith.constant 6 : i32
      %dma_wait3A_405 = arith.constant 0 : i32
      %dma_wait3A_406 = arith.constant 0 : i32
      %dma_wait3A_407 = tpu.memref_slice %arg8[%dma_wait3A_404, %dma_wait3A_405, %dma_wait3A_406] : memref<8x72x16xf32, #tpu.memory_space<vmem>> -> memref<1x72x16xf32, #tpu.memory_space<vmem>>
      %dma_wait3A_408 = tpu.memref_squeeze %dma_wait3A_407 : memref<1x72x16xf32, #tpu.memory_space<vmem>> -> memref<72x16xf32, #tpu.memory_space<vmem>>
      %dma_wait3A_409 = arith.constant 432 : i32
      %dma_wait3A_410 = tpu.memref_slice %arg6[%dma_wait3A_409] : memref<28224xi32, #tpu.memory_space<vmem>> -> memref<72xi32, #tpu.memory_space<vmem>>
      %dma_wait3A_411 = arith.constant 0 : i32
      %dma_wait3A_412 = arith.constant 0 : i32
      %dma_wait3A_413 = tpu.memref_slice %arg3[%dma_wait3A_411, %dma_wait3A_412] : memref<100000x16xf32, #tpu.memory_space<hbm>> -> memref<100000x16xf32, #tpu.memory_space<hbm>>
      tpu.wait_indirect_dma semaphore(%arg16 : memref<!tpu.dma_semaphore, #tpu.memory_space<semaphore_mem>>) src(%dma_wait3A_413 : memref<100000x16xf32, #tpu.memory_space<hbm>>) dst(%dma_wait3A_408 : memref<72x16xf32, #tpu.memory_space<vmem>>)
      %scan3A_414 = arith.constant 0 : i32
      %scan3A_415 = arith.constant 8 : i32
      %scan3A_416 = arith.addi %scan3A_414, %scan3A_415 : i32
      %scan3A_417 = arith.constant 1 : i32
      %scan3A_418 = scf.for %scan3A_464 = %scan3A_414 to %scan3A_416 step %scan3A_417 iter_args(%scan3A_465 = %scan3A_383) -> (vector<16xf32>)  : i32 {
        %mul3A_466 = arith.constant 9 : i32
        %mul3A_467 = arith.muli %scan3A_464, %mul3A_466 : i32
        %get3A = arith.constant 6 : i32
        %get3A_468 = arith.index_cast %get3A : i32 to index
        %get3A_469 = arith.index_cast %mul3A_467 : i32 to index
        %get3A_470 = arith.constant 0 : index
        %get3A_471 = tpu.vector_load %arg7[%get3A_468, %get3A_469, %get3A_470] {strides = array<i32>} : memref<8x72x32xf32, #tpu.memory_space<vmem>>, vector<1x1x16xf32>,
        %get3A_472 = vector.shape_cast %get3A_471 : vector<1x1x16xf32> to vector<16xf32>
        %add3A_473 = arith.constant 1 : i32
        %add3A_474 = arith.addi %mul3A_467, %add3A_473 : i32
        %get3A_475 = arith.constant 6 : i32
        %get3A_476 = arith.index_cast %get3A_475 : i32 to index
        %get3A_477 = arith.index_cast %add3A_474 : i32 to index
        %get3A_478 = arith.constant 0 : index
        %get3A_479 = tpu.vector_load %arg7[%get3A_476, %get3A_477, %get3A_478] {strides = array<i32>} : memref<8x72x32xf32, #tpu.memory_space<vmem>>, vector<1x1x16xf32>,
        %get3A_480 = vector.shape_cast %get3A_479 : vector<1x1x16xf32> to vector<16xf32>
        %add3A_481 = arith.constant 2 : i32
        %add3A_482 = arith.addi %mul3A_467, %add3A_481 : i32
        %get3A_483 = arith.constant 6 : i32
        %get3A_484 = arith.index_cast %get3A_483 : i32 to index
        %get3A_485 = arith.index_cast %add3A_482 : i32 to index
        %get3A_486 = arith.constant 0 : index
        %get3A_487 = tpu.vector_load %arg7[%get3A_484, %get3A_485, %get3A_486] {strides = array<i32>} : memref<8x72x32xf32, #tpu.memory_space<vmem>>, vector<1x1x16xf32>,
        %get3A_488 = vector.shape_cast %get3A_487 : vector<1x1x16xf32> to vector<16xf32>
        %add3A_489 = arith.addf %get3A_480, %get3A_488 : vector<16xf32>
        %add3A_490 = arith.constant 3 : i32
        %add3A_491 = arith.addi %mul3A_467, %add3A_490 : i32
        %get3A_492 = arith.constant 6 : i32
        %get3A_493 = arith.index_cast %get3A_492 : i32 to index
        %get3A_494 = arith.index_cast %add3A_491 : i32 to index
        %get3A_495 = arith.constant 0 : index
        %get3A_496 = tpu.vector_load %arg7[%get3A_493, %get3A_494, %get3A_495] {strides = array<i32>} : memref<8x72x32xf32, #tpu.memory_space<vmem>>, vector<1x1x16xf32>,
        %get3A_497 = vector.shape_cast %get3A_496 : vector<1x1x16xf32> to vector<16xf32>
        %add3A_498 = arith.addf %add3A_489, %get3A_497 : vector<16xf32>
        %add3A_499 = arith.constant 4 : i32
        %add3A_500 = arith.addi %mul3A_467, %add3A_499 : i32
        %get3A_501 = arith.constant 6 : i32
        %get3A_502 = arith.index_cast %get3A_501 : i32 to index
        %get3A_503 = arith.index_cast %add3A_500 : i32 to index
        %get3A_504 = arith.constant 0 : index
        %get3A_505 = tpu.vector_load %arg7[%get3A_502, %get3A_503, %get3A_504] {strides = array<i32>} : memref<8x72x32xf32, #tpu.memory_space<vmem>>, vector<1x1x16xf32>,
        %get3A_506 = vector.shape_cast %get3A_505 : vector<1x1x16xf32> to vector<16xf32>
        %add3A_507 = arith.addf %add3A_498, %get3A_506 : vector<16xf32>
        %add3A_508 = arith.constant 5 : i32
        %add3A_509 = arith.addi %mul3A_467, %add3A_508 : i32
        %get3A_510 = arith.constant 6 : i32
        %get3A_511 = arith.index_cast %get3A_510 : i32 to index
        %get3A_512 = arith.index_cast %add3A_509 : i32 to index
        %get3A_513 = arith.constant 0 : index
        %get3A_514 = tpu.vector_load %arg7[%get3A_511, %get3A_512, %get3A_513] {strides = array<i32>} : memref<8x72x32xf32, #tpu.memory_space<vmem>>, vector<1x1x16xf32>,
        %get3A_515 = vector.shape_cast %get3A_514 : vector<1x1x16xf32> to vector<16xf32>
        %add3A_516 = arith.addf %add3A_507, %get3A_515 : vector<16xf32>
        %add3A_517 = arith.constant 6 : i32
        %add3A_518 = arith.addi %mul3A_467, %add3A_517 : i32
        %get3A_519 = arith.constant 6 : i32
        %get3A_520 = arith.index_cast %get3A_519 : i32 to index
        %get3A_521 = arith.index_cast %add3A_518 : i32 to index
        %get3A_522 = arith.constant 0 : index
        %get3A_523 = tpu.vector_load %arg7[%get3A_520, %get3A_521, %get3A_522] {strides = array<i32>} : memref<8x72x32xf32, #tpu.memory_space<vmem>>, vector<1x1x16xf32>,
        %get3A_524 = vector.shape_cast %get3A_523 : vector<1x1x16xf32> to vector<16xf32>
        %add3A_525 = arith.addf %add3A_516, %get3A_524 : vector<16xf32>
        %add3A_526 = arith.constant 7 : i32
        %add3A_527 = arith.addi %mul3A_467, %add3A_526 : i32
        %get3A_528 = arith.constant 6 : i32
        %get3A_529 = arith.index_cast %get3A_528 : i32 to index
        %get3A_530 = arith.index_cast %add3A_527 : i32 to index
        %get3A_531 = arith.constant 0 : index
        %get3A_532 = tpu.vector_load %arg7[%get3A_529, %get3A_530, %get3A_531] {strides = array<i32>} : memref<8x72x32xf32, #tpu.memory_space<vmem>>, vector<1x1x16xf32>,
        %get3A_533 = vector.shape_cast %get3A_532 : vector<1x1x16xf32> to vector<16xf32>
        %add3A_534 = arith.addf %add3A_525, %get3A_533 : vector<16xf32>
        %add3A_535 = arith.constant 8 : i32
        %add3A_536 = arith.addi %mul3A_467, %add3A_535 : i32
        %get3A_537 = arith.constant 6 : i32
        %get3A_538 = arith.index_cast %get3A_537 : i32 to index
        %get3A_539 = arith.index_cast %add3A_536 : i32 to index
        %get3A_540 = arith.constant 0 : index
        %get3A_541 = tpu.vector_load %arg7[%get3A_538, %get3A_539, %get3A_540] {strides = array<i32>} : memref<8x72x32xf32, #tpu.memory_space<vmem>>, vector<1x1x16xf32>,
        %get3A_542 = vector.shape_cast %get3A_541 : vector<1x1x16xf32> to vector<16xf32>
        %add3A_543 = arith.addf %add3A_534, %get3A_542 : vector<16xf32>
        %mul3A_544 = arith.constant 1.250000e-01 : f32
        %mul3A_545 = vector.broadcast %mul3A_544 : f32 to vector<16xf32>
        %mul3A_546 = arith.mulf %mul3A_545, %add3A_543 : vector<16xf32>
        %sub3A = arith.subf %get3A_472, %mul3A_546 : vector<16xf32>
        %mul3A_547 = arith.mulf %sub3A, %sub3A : vector<16xf32>
        %mul3A_548 = arith.constant 3.125000e-07 : f32
        %mul3A_549 = vector.broadcast %mul3A_548 : f32 to vector<16xf32>
        %mul3A_550 = arith.mulf %mul3A_547, %mul3A_549 : vector<16xf32>
        %add3A_551 = arith.addf %scan3A_465, %mul3A_550 : vector<16xf32>
        %get3A_552 = arith.constant 6 : i32
        %get3A_553 = arith.index_cast %get3A_552 : i32 to index
        %get3A_554 = arith.index_cast %mul3A_467 : i32 to index
        %get3A_555 = arith.constant 16 : index
        %get3A_556 = tpu.vector_load %arg7[%get3A_553, %get3A_554, %get3A_555] {strides = array<i32>} : memref<8x72x32xf32, #tpu.memory_space<vmem>>, vector<1x1x16xf32>,
        %get3A_557 = vector.shape_cast %get3A_556 : vector<1x1x16xf32> to vector<16xf32>
        %add3A_558 = arith.constant 1 : i32
        %add3A_559 = arith.addi %mul3A_467, %add3A_558 : i32
        %get3A_560 = arith.constant 6 : i32
        %get3A_561 = arith.index_cast %get3A_560 : i32 to index
        %get3A_562 = arith.index_cast %add3A_559 : i32 to index
        %get3A_563 = arith.constant 16 : index
        %get3A_564 = tpu.vector_load %arg7[%get3A_561, %get3A_562, %get3A_563] {strides = array<i32>} : memref<8x72x32xf32, #tpu.memory_space<vmem>>, vector<1x1x16xf32>,
        %get3A_565 = vector.shape_cast %get3A_564 : vector<1x1x16xf32> to vector<16xf32>
        %add3A_566 = arith.constant 2 : i32
        %add3A_567 = arith.addi %mul3A_467, %add3A_566 : i32
        %get3A_568 = arith.constant 6 : i32
        %get3A_569 = arith.index_cast %get3A_568 : i32 to index
        %get3A_570 = arith.index_cast %add3A_567 : i32 to index
        %get3A_571 = arith.constant 16 : index
        %get3A_572 = tpu.vector_load %arg7[%get3A_569, %get3A_570, %get3A_571] {strides = array<i32>} : memref<8x72x32xf32, #tpu.memory_space<vmem>>, vector<1x1x16xf32>,
        %get3A_573 = vector.shape_cast %get3A_572 : vector<1x1x16xf32> to vector<16xf32>
        %add3A_574 = arith.addf %get3A_565, %get3A_573 : vector<16xf32>
        %add3A_575 = arith.constant 3 : i32
        %add3A_576 = arith.addi %mul3A_467, %add3A_575 : i32
        %get3A_577 = arith.constant 6 : i32
        %get3A_578 = arith.index_cast %get3A_577 : i32 to index
        %get3A_579 = arith.index_cast %add3A_576 : i32 to index
        %get3A_580 = arith.constant 16 : index
        %get3A_581 = tpu.vector_load %arg7[%get3A_578, %get3A_579, %get3A_580] {strides = array<i32>} : memref<8x72x32xf32, #tpu.memory_space<vmem>>, vector<1x1x16xf32>,
        %get3A_582 = vector.shape_cast %get3A_581 : vector<1x1x16xf32> to vector<16xf32>
        %add3A_583 = arith.addf %add3A_574, %get3A_582 : vector<16xf32>
        %add3A_584 = arith.constant 4 : i32
        %add3A_585 = arith.addi %mul3A_467, %add3A_584 : i32
        %get3A_586 = arith.constant 6 : i32
        %get3A_587 = arith.index_cast %get3A_586 : i32 to index
        %get3A_588 = arith.index_cast %add3A_585 : i32 to index
        %get3A_589 = arith.constant 16 : index
        %get3A_590 = tpu.vector_load %arg7[%get3A_587, %get3A_588, %get3A_589] {strides = array<i32>} : memref<8x72x32xf32, #tpu.memory_space<vmem>>, vector<1x1x16xf32>,
        %get3A_591 = vector.shape_cast %get3A_590 : vector<1x1x16xf32> to vector<16xf32>
        %add3A_592 = arith.addf %add3A_583, %get3A_591 : vector<16xf32>
        %add3A_593 = arith.constant 5 : i32
        %add3A_594 = arith.addi %mul3A_467, %add3A_593 : i32
        %get3A_595 = arith.constant 6 : i32
        %get3A_596 = arith.index_cast %get3A_595 : i32 to index
        %get3A_597 = arith.index_cast %add3A_594 : i32 to index
        %get3A_598 = arith.constant 16 : index
        %get3A_599 = tpu.vector_load %arg7[%get3A_596, %get3A_597, %get3A_598] {strides = array<i32>} : memref<8x72x32xf32, #tpu.memory_space<vmem>>, vector<1x1x16xf32>,
        %get3A_600 = vector.shape_cast %get3A_599 : vector<1x1x16xf32> to vector<16xf32>
        %add3A_601 = arith.addf %add3A_592, %get3A_600 : vector<16xf32>
        %add3A_602 = arith.constant 6 : i32
        %add3A_603 = arith.addi %mul3A_467, %add3A_602 : i32
        %get3A_604 = arith.constant 6 : i32
        %get3A_605 = arith.index_cast %get3A_604 : i32 to index
        %get3A_606 = arith.index_cast %add3A_603 : i32 to index
        %get3A_607 = arith.constant 16 : index
        %get3A_608 = tpu.vector_load %arg7[%get3A_605, %get3A_606, %get3A_607] {strides = array<i32>} : memref<8x72x32xf32, #tpu.memory_space<vmem>>, vector<1x1x16xf32>,
        %get3A_609 = vector.shape_cast %get3A_608 : vector<1x1x16xf32> to vector<16xf32>
        %add3A_610 = arith.addf %add3A_601, %get3A_609 : vector<16xf32>
        %add3A_611 = arith.constant 7 : i32
        %add3A_612 = arith.addi %mul3A_467, %add3A_611 : i32
        %get3A_613 = arith.constant 6 : i32
        %get3A_614 = arith.index_cast %get3A_613 : i32 to index
        %get3A_615 = arith.index_cast %add3A_612 : i32 to index
        %get3A_616 = arith.constant 16 : index
        %get3A_617 = tpu.vector_load %arg7[%get3A_614, %get3A_615, %get3A_616] {strides = array<i32>} : memref<8x72x32xf32, #tpu.memory_space<vmem>>, vector<1x1x16xf32>,
        %get3A_618 = vector.shape_cast %get3A_617 : vector<1x1x16xf32> to vector<16xf32>
        %add3A_619 = arith.addf %add3A_610, %get3A_618 : vector<16xf32>
        %add3A_620 = arith.constant 8 : i32
        %add3A_621 = arith.addi %mul3A_467, %add3A_620 : i32
        %get3A_622 = arith.constant 6 : i32
        %get3A_623 = arith.index_cast %get3A_622 : i32 to index
        %get3A_624 = arith.index_cast %add3A_621 : i32 to index
        %get3A_625 = arith.constant 16 : index
        %get3A_626 = tpu.vector_load %arg7[%get3A_623, %get3A_624, %get3A_625] {strides = array<i32>} : memref<8x72x32xf32, #tpu.memory_space<vmem>>, vector<1x1x16xf32>,
        %get3A_627 = vector.shape_cast %get3A_626 : vector<1x1x16xf32> to vector<16xf32>
        %add3A_628 = arith.addf %add3A_619, %get3A_627 : vector<16xf32>
        %mul3A_629 = arith.constant 1.250000e-01 : f32
        %mul3A_630 = vector.broadcast %mul3A_629 : f32 to vector<16xf32>
        %mul3A_631 = arith.mulf %mul3A_630, %add3A_628 : vector<16xf32>
        %sub3A_632 = arith.subf %get3A_557, %mul3A_631 : vector<16xf32>
        %mul3A_633 = arith.mulf %sub3A_632, %sub3A_632 : vector<16xf32>
        %mul3A_634 = arith.constant 3.125000e-07 : f32
        %mul3A_635 = vector.broadcast %mul3A_634 : f32 to vector<16xf32>
        %mul3A_636 = arith.mulf %mul3A_633, %mul3A_635 : vector<16xf32>
        %add3A_637 = arith.addf %add3A_551, %mul3A_636 : vector<16xf32>
        %get3A_638 = arith.constant 6 : i32
        %get3A_639 = arith.index_cast %get3A_638 : i32 to index
        %get3A_640 = arith.index_cast %mul3A_467 : i32 to index
        %get3A_641 = arith.constant 0 : index
        %get3A_642 = tpu.vector_load %arg8[%get3A_639, %get3A_640, %get3A_641] {strides = array<i32>} : memref<8x72x16xf32, #tpu.memory_space<vmem>>, vector<1x1x16xf32>,
        %get3A_643 = vector.shape_cast %get3A_642 : vector<1x1x16xf32> to vector<16xf32>
        %add3A_644 = arith.constant 1 : i32
        %add3A_645 = arith.addi %mul3A_467, %add3A_644 : i32
        %get3A_646 = arith.constant 6 : i32
        %get3A_647 = arith.index_cast %get3A_646 : i32 to index
        %get3A_648 = arith.index_cast %add3A_645 : i32 to index
        %get3A_649 = arith.constant 0 : index
        %get3A_650 = tpu.vector_load %arg8[%get3A_647, %get3A_648, %get3A_649] {strides = array<i32>} : memref<8x72x16xf32, #tpu.memory_space<vmem>>, vector<1x1x16xf32>,
        %get3A_651 = vector.shape_cast %get3A_650 : vector<1x1x16xf32> to vector<16xf32>
        %add3A_652 = arith.constant 2 : i32
        %add3A_653 = arith.addi %mul3A_467, %add3A_652 : i32
        %get3A_654 = arith.constant 6 : i32
        %get3A_655 = arith.index_cast %get3A_654 : i32 to index
        %get3A_656 = arith.index_cast %add3A_653 : i32 to index
        %get3A_657 = arith.constant 0 : index
        %get3A_658 = tpu.vector_load %arg8[%get3A_655, %get3A_656, %get3A_657] {strides = array<i32>} : memref<8x72x16xf32, #tpu.memory_space<vmem>>, vector<1x1x16xf32>,
        %get3A_659 = vector.shape_cast %get3A_658 : vector<1x1x16xf32> to vector<16xf32>
        %add3A_660 = arith.addf %get3A_651, %get3A_659 : vector<16xf32>
        %add3A_661 = arith.constant 3 : i32
        %add3A_662 = arith.addi %mul3A_467, %add3A_661 : i32
        %get3A_663 = arith.constant 6 : i32
        %get3A_664 = arith.index_cast %get3A_663 : i32 to index
        %get3A_665 = arith.index_cast %add3A_662 : i32 to index
        %get3A_666 = arith.constant 0 : index
        %get3A_667 = tpu.vector_load %arg8[%get3A_664, %get3A_665, %get3A_666] {strides = array<i32>} : memref<8x72x16xf32, #tpu.memory_space<vmem>>, vector<1x1x16xf32>,
        %get3A_668 = vector.shape_cast %get3A_667 : vector<1x1x16xf32> to vector<16xf32>
        %add3A_669 = arith.addf %add3A_660, %get3A_668 : vector<16xf32>
        %add3A_670 = arith.constant 4 : i32
        %add3A_671 = arith.addi %mul3A_467, %add3A_670 : i32
        %get3A_672 = arith.constant 6 : i32
        %get3A_673 = arith.index_cast %get3A_672 : i32 to index
        %get3A_674 = arith.index_cast %add3A_671 : i32 to index
        %get3A_675 = arith.constant 0 : index
        %get3A_676 = tpu.vector_load %arg8[%get3A_673, %get3A_674, %get3A_675] {strides = array<i32>} : memref<8x72x16xf32, #tpu.memory_space<vmem>>, vector<1x1x16xf32>,
        %get3A_677 = vector.shape_cast %get3A_676 : vector<1x1x16xf32> to vector<16xf32>
        %add3A_678 = arith.addf %add3A_669, %get3A_677 : vector<16xf32>
        %add3A_679 = arith.constant 5 : i32
        %add3A_680 = arith.addi %mul3A_467, %add3A_679 : i32
        %get3A_681 = arith.constant 6 : i32
        %get3A_682 = arith.index_cast %get3A_681 : i32 to index
        %get3A_683 = arith.index_cast %add3A_680 : i32 to index
        %get3A_684 = arith.constant 0 : index
        %get3A_685 = tpu.vector_load %arg8[%get3A_682, %get3A_683, %get3A_684] {strides = array<i32>} : memref<8x72x16xf32, #tpu.memory_space<vmem>>, vector<1x1x16xf32>,
        %get3A_686 = vector.shape_cast %get3A_685 : vector<1x1x16xf32> to vector<16xf32>
        %add3A_687 = arith.addf %add3A_678, %get3A_686 : vector<16xf32>
        %add3A_688 = arith.constant 6 : i32
        %add3A_689 = arith.addi %mul3A_467, %add3A_688 : i32
        %get3A_690 = arith.constant 6 : i32
        %get3A_691 = arith.index_cast %get3A_690 : i32 to index
        %get3A_692 = arith.index_cast %add3A_689 : i32 to index
        %get3A_693 = arith.constant 0 : index
        %get3A_694 = tpu.vector_load %arg8[%get3A_691, %get3A_692, %get3A_693] {strides = array<i32>} : memref<8x72x16xf32, #tpu.memory_space<vmem>>, vector<1x1x16xf32>,
        %get3A_695 = vector.shape_cast %get3A_694 : vector<1x1x16xf32> to vector<16xf32>
        %add3A_696 = arith.addf %add3A_687, %get3A_695 : vector<16xf32>
        %add3A_697 = arith.constant 7 : i32
        %add3A_698 = arith.addi %mul3A_467, %add3A_697 : i32
        %get3A_699 = arith.constant 6 : i32
        %get3A_700 = arith.index_cast %get3A_699 : i32 to index
        %get3A_701 = arith.index_cast %add3A_698 : i32 to index
        %get3A_702 = arith.constant 0 : index
        %get3A_703 = tpu.vector_load %arg8[%get3A_700, %get3A_701, %get3A_702] {strides = array<i32>} : memref<8x72x16xf32, #tpu.memory_space<vmem>>, vector<1x1x16xf32>,
        %get3A_704 = vector.shape_cast %get3A_703 : vector<1x1x16xf32> to vector<16xf32>
        %add3A_705 = arith.addf %add3A_696, %get3A_704 : vector<16xf32>
        %add3A_706 = arith.constant 8 : i32
        %add3A_707 = arith.addi %mul3A_467, %add3A_706 : i32
        %get3A_708 = arith.constant 6 : i32
        %get3A_709 = arith.index_cast %get3A_708 : i32 to index
        %get3A_710 = arith.index_cast %add3A_707 : i32 to index
        %get3A_711 = arith.constant 0 : index
        %get3A_712 = tpu.vector_load %arg8[%get3A_709, %get3A_710, %get3A_711] {strides = array<i32>} : memref<8x72x16xf32, #tpu.memory_space<vmem>>, vector<1x1x16xf32>,
        %get3A_713 = vector.shape_cast %get3A_712 : vector<1x1x16xf32> to vector<16xf32>
        %add3A_714 = arith.addf %add3A_705, %get3A_713 : vector<16xf32>
        %mul3A_715 = arith.constant 1.250000e-01 : f32
        %mul3A_716 = vector.broadcast %mul3A_715 : f32 to vector<16xf32>
        %mul3A_717 = arith.mulf %mul3A_716, %add3A_714 : vector<16xf32>
        %sub3A_718 = arith.subf %get3A_643, %mul3A_717 : vector<16xf32>
        %mul3A_719 = arith.mulf %sub3A_718, %sub3A_718 : vector<16xf32>
        %mul3A_720 = arith.mulf %mul3A_719, %select_n3A_11 : vector<16xf32>
        %add3A_721 = arith.addf %add3A_637, %mul3A_720 : vector<16xf32>
        scf.yield %add3A_721 : vector<16xf32>
      }
      %scan3A_419 = arith.constant 8 : i32
      %add3A_420 = arith.constant 6 : i32
      %add3A_421 = arith.addi %mul3A_186, %add3A_420 : i32
      %add3A_422 = arith.constant 8 : i32
      %add3A_423 = arith.addi %add3A_421, %add3A_422 : i32
      %lt3A_424 = arith.constant 392 : i32
      %lt3A_425 = arith.cmpi slt, %add3A_423, %lt3A_424 : i32
      %convert_element_type3A_426 = arith.extui %lt3A_425 : i1 to i32
      %cond3A_427 = arith.constant 0 : i32
      %cond3A_428 = arith.cmpi ne, %convert_element_type3A_426, %cond3A_427 : i32
      scf.if %cond3A_428 {
        %mul3A_464 = arith.constant 72 : i32
        %mul3A_465 = arith.muli %add3A_423, %mul3A_464 : i32
        %dma_start3A_466 = arith.constant 6 : i32
        %dma_start3A_467 = arith.constant 0 : i32
        %dma_start3A_468 = arith.constant 0 : i32
        %dma_start3A_469 = tpu.memref_slice %arg7[%dma_start3A_466, %dma_start3A_467, %dma_start3A_468] : memref<8x72x32xf32, #tpu.memory_space<vmem>> -> memref<1x72x32xf32, #tpu.memory_space<vmem>>
        %dma_start3A_470 = tpu.memref_squeeze %dma_start3A_469 : memref<1x72x32xf32, #tpu.memory_space<vmem>> -> memref<72x32xf32, #tpu.memory_space<vmem>>
        %dma_start3A_471 = tpu.memref_slice %arg6[%mul3A_465] : memref<28224xi32, #tpu.memory_space<vmem>> -> memref<72xi32, #tpu.memory_space<vmem>>
        %dma_start3A_472 = arith.constant 0 : i32
        %dma_start3A_473 = arith.constant 0 : i32
        %dma_start3A_474 = tpu.memref_slice %arg2[%dma_start3A_472, %dma_start3A_473] : memref<100000x32xf32, #tpu.memory_space<hbm>> -> memref<100000x32xf32, #tpu.memory_space<hbm>>
        tpu.enqueue_indirect_dma source(%dma_start3A_474 : memref<100000x32xf32, #tpu.memory_space<hbm>>) target(%dma_start3A_470 : memref<72x32xf32, #tpu.memory_space<vmem>>) offsets(%dma_start3A_471 : memref<72xi32, #tpu.memory_space<vmem>>) semaphore(%arg16 : memref<!tpu.dma_semaphore, #tpu.memory_space<semaphore_mem>>)
        %dma_start3A_475 = arith.constant 6 : i32
        %dma_start3A_476 = arith.constant 0 : i32
        %dma_start3A_477 = arith.constant 0 : i32
        %dma_start3A_478 = tpu.memref_slice %arg8[%dma_start3A_475, %dma_start3A_476, %dma_start3A_477] : memref<8x72x16xf32, #tpu.memory_space<vmem>> -> memref<1x72x16xf32, #tpu.memory_space<vmem>>
        %dma_start3A_479 = tpu.memref_squeeze %dma_start3A_478 : memref<1x72x16xf32, #tpu.memory_space<vmem>> -> memref<72x16xf32, #tpu.memory_space<vmem>>
        %dma_start3A_480 = tpu.memref_slice %arg6[%mul3A_465] : memref<28224xi32, #tpu.memory_space<vmem>> -> memref<72xi32, #tpu.memory_space<vmem>>
        %dma_start3A_481 = arith.constant 0 : i32
        %dma_start3A_482 = arith.constant 0 : i32
        %dma_start3A_483 = tpu.memref_slice %arg3[%dma_start3A_481, %dma_start3A_482] : memref<100000x16xf32, #tpu.memory_space<hbm>> -> memref<100000x16xf32, #tpu.memory_space<hbm>>
        tpu.enqueue_indirect_dma source(%dma_start3A_483 : memref<100000x16xf32, #tpu.memory_space<hbm>>) target(%dma_start3A_479 : memref<72x16xf32, #tpu.memory_space<vmem>>) offsets(%dma_start3A_480 : memref<72xi32, #tpu.memory_space<vmem>>) semaphore(%arg16 : memref<!tpu.dma_semaphore, #tpu.memory_space<semaphore_mem>>)
      } else {
      }
      %dma_wait3A_429 = arith.constant 7 : i32
      %dma_wait3A_430 = arith.constant 0 : i32
      %dma_wait3A_431 = arith.constant 0 : i32
      %dma_wait3A_432 = tpu.memref_slice %arg7[%dma_wait3A_429, %dma_wait3A_430, %dma_wait3A_431] : memref<8x72x32xf32, #tpu.memory_space<vmem>> -> memref<1x72x32xf32, #tpu.memory_space<vmem>>
      %dma_wait3A_433 = tpu.memref_squeeze %dma_wait3A_432 : memref<1x72x32xf32, #tpu.memory_space<vmem>> -> memref<72x32xf32, #tpu.memory_space<vmem>>
      %dma_wait3A_434 = arith.constant 504 : i32
      %dma_wait3A_435 = tpu.memref_slice %arg6[%dma_wait3A_434] : memref<28224xi32, #tpu.memory_space<vmem>> -> memref<72xi32, #tpu.memory_space<vmem>>
      %dma_wait3A_436 = arith.constant 0 : i32
      %dma_wait3A_437 = arith.constant 0 : i32
      %dma_wait3A_438 = tpu.memref_slice %arg2[%dma_wait3A_436, %dma_wait3A_437] : memref<100000x32xf32, #tpu.memory_space<hbm>> -> memref<100000x32xf32, #tpu.memory_space<hbm>>
      tpu.wait_indirect_dma semaphore(%arg17 : memref<!tpu.dma_semaphore, #tpu.memory_space<semaphore_mem>>) src(%dma_wait3A_438 : memref<100000x32xf32, #tpu.memory_space<hbm>>) dst(%dma_wait3A_433 : memref<72x32xf32, #tpu.memory_space<vmem>>)
      %dma_wait3A_439 = arith.constant 7 : i32
      %dma_wait3A_440 = arith.constant 0 : i32
      %dma_wait3A_441 = arith.constant 0 : i32
      %dma_wait3A_442 = tpu.memref_slice %arg8[%dma_wait3A_439, %dma_wait3A_440, %dma_wait3A_441] : memref<8x72x16xf32, #tpu.memory_space<vmem>> -> memref<1x72x16xf32, #tpu.memory_space<vmem>>
      %dma_wait3A_443 = tpu.memref_squeeze %dma_wait3A_442 : memref<1x72x16xf32, #tpu.memory_space<vmem>> -> memref<72x16xf32, #tpu.memory_space<vmem>>
      %dma_wait3A_444 = arith.constant 504 : i32
      %dma_wait3A_445 = tpu.memref_slice %arg6[%dma_wait3A_444] : memref<28224xi32, #tpu.memory_space<vmem>> -> memref<72xi32, #tpu.memory_space<vmem>>
      %dma_wait3A_446 = arith.constant 0 : i32
      %dma_wait3A_447 = arith.constant 0 : i32
      %dma_wait3A_448 = tpu.memref_slice %arg3[%dma_wait3A_446, %dma_wait3A_447] : memref<100000x16xf32, #tpu.memory_space<hbm>> -> memref<100000x16xf32, #tpu.memory_space<hbm>>
      tpu.wait_indirect_dma semaphore(%arg17 : memref<!tpu.dma_semaphore, #tpu.memory_space<semaphore_mem>>) src(%dma_wait3A_448 : memref<100000x16xf32, #tpu.memory_space<hbm>>) dst(%dma_wait3A_443 : memref<72x16xf32, #tpu.memory_space<vmem>>)
      %scan3A_449 = arith.constant 0 : i32
      %scan3A_450 = arith.constant 8 : i32
      %scan3A_451 = arith.addi %scan3A_449, %scan3A_450 : i32
      %scan3A_452 = arith.constant 1 : i32
      %scan3A_453 = scf.for %scan3A_464 = %scan3A_449 to %scan3A_451 step %scan3A_452 iter_args(%scan3A_465 = %scan3A_418) -> (vector<16xf32>)  : i32 {
        %mul3A_466 = arith.constant 9 : i32
        %mul3A_467 = arith.muli %scan3A_464, %mul3A_466 : i32
        %get3A = arith.constant 7 : i32
        %get3A_468 = arith.index_cast %get3A : i32 to index
        %get3A_469 = arith.index_cast %mul3A_467 : i32 to index
        %get3A_470 = arith.constant 0 : index
        %get3A_471 = tpu.vector_load %arg7[%get3A_468, %get3A_469, %get3A_470] {strides = array<i32>} : memref<8x72x32xf32, #tpu.memory_space<vmem>>, vector<1x1x16xf32>,
        %get3A_472 = vector.shape_cast %get3A_471 : vector<1x1x16xf32> to vector<16xf32>
        %add3A_473 = arith.constant 1 : i32
        %add3A_474 = arith.addi %mul3A_467, %add3A_473 : i32
        %get3A_475 = arith.constant 7 : i32
        %get3A_476 = arith.index_cast %get3A_475 : i32 to index
        %get3A_477 = arith.index_cast %add3A_474 : i32 to index
        %get3A_478 = arith.constant 0 : index
        %get3A_479 = tpu.vector_load %arg7[%get3A_476, %get3A_477, %get3A_478] {strides = array<i32>} : memref<8x72x32xf32, #tpu.memory_space<vmem>>, vector<1x1x16xf32>,
        %get3A_480 = vector.shape_cast %get3A_479 : vector<1x1x16xf32> to vector<16xf32>
        %add3A_481 = arith.constant 2 : i32
        %add3A_482 = arith.addi %mul3A_467, %add3A_481 : i32
        %get3A_483 = arith.constant 7 : i32
        %get3A_484 = arith.index_cast %get3A_483 : i32 to index
        %get3A_485 = arith.index_cast %add3A_482 : i32 to index
        %get3A_486 = arith.constant 0 : index
        %get3A_487 = tpu.vector_load %arg7[%get3A_484, %get3A_485, %get3A_486] {strides = array<i32>} : memref<8x72x32xf32, #tpu.memory_space<vmem>>, vector<1x1x16xf32>,
        %get3A_488 = vector.shape_cast %get3A_487 : vector<1x1x16xf32> to vector<16xf32>
        %add3A_489 = arith.addf %get3A_480, %get3A_488 : vector<16xf32>
        %add3A_490 = arith.constant 3 : i32
        %add3A_491 = arith.addi %mul3A_467, %add3A_490 : i32
        %get3A_492 = arith.constant 7 : i32
        %get3A_493 = arith.index_cast %get3A_492 : i32 to index
        %get3A_494 = arith.index_cast %add3A_491 : i32 to index
        %get3A_495 = arith.constant 0 : index
        %get3A_496 = tpu.vector_load %arg7[%get3A_493, %get3A_494, %get3A_495] {strides = array<i32>} : memref<8x72x32xf32, #tpu.memory_space<vmem>>, vector<1x1x16xf32>,
        %get3A_497 = vector.shape_cast %get3A_496 : vector<1x1x16xf32> to vector<16xf32>
        %add3A_498 = arith.addf %add3A_489, %get3A_497 : vector<16xf32>
        %add3A_499 = arith.constant 4 : i32
        %add3A_500 = arith.addi %mul3A_467, %add3A_499 : i32
        %get3A_501 = arith.constant 7 : i32
        %get3A_502 = arith.index_cast %get3A_501 : i32 to index
        %get3A_503 = arith.index_cast %add3A_500 : i32 to index
        %get3A_504 = arith.constant 0 : index
        %get3A_505 = tpu.vector_load %arg7[%get3A_502, %get3A_503, %get3A_504] {strides = array<i32>} : memref<8x72x32xf32, #tpu.memory_space<vmem>>, vector<1x1x16xf32>,
        %get3A_506 = vector.shape_cast %get3A_505 : vector<1x1x16xf32> to vector<16xf32>
        %add3A_507 = arith.addf %add3A_498, %get3A_506 : vector<16xf32>
        %add3A_508 = arith.constant 5 : i32
        %add3A_509 = arith.addi %mul3A_467, %add3A_508 : i32
        %get3A_510 = arith.constant 7 : i32
        %get3A_511 = arith.index_cast %get3A_510 : i32 to index
        %get3A_512 = arith.index_cast %add3A_509 : i32 to index
        %get3A_513 = arith.constant 0 : index
        %get3A_514 = tpu.vector_load %arg7[%get3A_511, %get3A_512, %get3A_513] {strides = array<i32>} : memref<8x72x32xf32, #tpu.memory_space<vmem>>, vector<1x1x16xf32>,
        %get3A_515 = vector.shape_cast %get3A_514 : vector<1x1x16xf32> to vector<16xf32>
        %add3A_516 = arith.addf %add3A_507, %get3A_515 : vector<16xf32>
        %add3A_517 = arith.constant 6 : i32
        %add3A_518 = arith.addi %mul3A_467, %add3A_517 : i32
        %get3A_519 = arith.constant 7 : i32
        %get3A_520 = arith.index_cast %get3A_519 : i32 to index
        %get3A_521 = arith.index_cast %add3A_518 : i32 to index
        %get3A_522 = arith.constant 0 : index
        %get3A_523 = tpu.vector_load %arg7[%get3A_520, %get3A_521, %get3A_522] {strides = array<i32>} : memref<8x72x32xf32, #tpu.memory_space<vmem>>, vector<1x1x16xf32>,
        %get3A_524 = vector.shape_cast %get3A_523 : vector<1x1x16xf32> to vector<16xf32>
        %add3A_525 = arith.addf %add3A_516, %get3A_524 : vector<16xf32>
        %add3A_526 = arith.constant 7 : i32
        %add3A_527 = arith.addi %mul3A_467, %add3A_526 : i32
        %get3A_528 = arith.constant 7 : i32
        %get3A_529 = arith.index_cast %get3A_528 : i32 to index
        %get3A_530 = arith.index_cast %add3A_527 : i32 to index
        %get3A_531 = arith.constant 0 : index
        %get3A_532 = tpu.vector_load %arg7[%get3A_529, %get3A_530, %get3A_531] {strides = array<i32>} : memref<8x72x32xf32, #tpu.memory_space<vmem>>, vector<1x1x16xf32>,
        %get3A_533 = vector.shape_cast %get3A_532 : vector<1x1x16xf32> to vector<16xf32>
        %add3A_534 = arith.addf %add3A_525, %get3A_533 : vector<16xf32>
        %add3A_535 = arith.constant 8 : i32
        %add3A_536 = arith.addi %mul3A_467, %add3A_535 : i32
        %get3A_537 = arith.constant 7 : i32
        %get3A_538 = arith.index_cast %get3A_537 : i32 to index
        %get3A_539 = arith.index_cast %add3A_536 : i32 to index
        %get3A_540 = arith.constant 0 : index
        %get3A_541 = tpu.vector_load %arg7[%get3A_538, %get3A_539, %get3A_540] {strides = array<i32>} : memref<8x72x32xf32, #tpu.memory_space<vmem>>, vector<1x1x16xf32>,
        %get3A_542 = vector.shape_cast %get3A_541 : vector<1x1x16xf32> to vector<16xf32>
        %add3A_543 = arith.addf %add3A_534, %get3A_542 : vector<16xf32>
        %mul3A_544 = arith.constant 1.250000e-01 : f32
        %mul3A_545 = vector.broadcast %mul3A_544 : f32 to vector<16xf32>
        %mul3A_546 = arith.mulf %mul3A_545, %add3A_543 : vector<16xf32>
        %sub3A = arith.subf %get3A_472, %mul3A_546 : vector<16xf32>
        %mul3A_547 = arith.mulf %sub3A, %sub3A : vector<16xf32>
        %mul3A_548 = arith.constant 3.125000e-07 : f32
        %mul3A_549 = vector.broadcast %mul3A_548 : f32 to vector<16xf32>
        %mul3A_550 = arith.mulf %mul3A_547, %mul3A_549 : vector<16xf32>
        %add3A_551 = arith.addf %scan3A_465, %mul3A_550 : vector<16xf32>
        %get3A_552 = arith.constant 7 : i32
        %get3A_553 = arith.index_cast %get3A_552 : i32 to index
        %get3A_554 = arith.index_cast %mul3A_467 : i32 to index
        %get3A_555 = arith.constant 16 : index
        %get3A_556 = tpu.vector_load %arg7[%get3A_553, %get3A_554, %get3A_555] {strides = array<i32>} : memref<8x72x32xf32, #tpu.memory_space<vmem>>, vector<1x1x16xf32>,
        %get3A_557 = vector.shape_cast %get3A_556 : vector<1x1x16xf32> to vector<16xf32>
        %add3A_558 = arith.constant 1 : i32
        %add3A_559 = arith.addi %mul3A_467, %add3A_558 : i32
        %get3A_560 = arith.constant 7 : i32
        %get3A_561 = arith.index_cast %get3A_560 : i32 to index
        %get3A_562 = arith.index_cast %add3A_559 : i32 to index
        %get3A_563 = arith.constant 16 : index
        %get3A_564 = tpu.vector_load %arg7[%get3A_561, %get3A_562, %get3A_563] {strides = array<i32>} : memref<8x72x32xf32, #tpu.memory_space<vmem>>, vector<1x1x16xf32>,
        %get3A_565 = vector.shape_cast %get3A_564 : vector<1x1x16xf32> to vector<16xf32>
        %add3A_566 = arith.constant 2 : i32
        %add3A_567 = arith.addi %mul3A_467, %add3A_566 : i32
        %get3A_568 = arith.constant 7 : i32
        %get3A_569 = arith.index_cast %get3A_568 : i32 to index
        %get3A_570 = arith.index_cast %add3A_567 : i32 to index
        %get3A_571 = arith.constant 16 : index
        %get3A_572 = tpu.vector_load %arg7[%get3A_569, %get3A_570, %get3A_571] {strides = array<i32>} : memref<8x72x32xf32, #tpu.memory_space<vmem>>, vector<1x1x16xf32>,
        %get3A_573 = vector.shape_cast %get3A_572 : vector<1x1x16xf32> to vector<16xf32>
        %add3A_574 = arith.addf %get3A_565, %get3A_573 : vector<16xf32>
        %add3A_575 = arith.constant 3 : i32
        %add3A_576 = arith.addi %mul3A_467, %add3A_575 : i32
        %get3A_577 = arith.constant 7 : i32
        %get3A_578 = arith.index_cast %get3A_577 : i32 to index
        %get3A_579 = arith.index_cast %add3A_576 : i32 to index
        %get3A_580 = arith.constant 16 : index
        %get3A_581 = tpu.vector_load %arg7[%get3A_578, %get3A_579, %get3A_580] {strides = array<i32>} : memref<8x72x32xf32, #tpu.memory_space<vmem>>, vector<1x1x16xf32>,
        %get3A_582 = vector.shape_cast %get3A_581 : vector<1x1x16xf32> to vector<16xf32>
        %add3A_583 = arith.addf %add3A_574, %get3A_582 : vector<16xf32>
        %add3A_584 = arith.constant 4 : i32
        %add3A_585 = arith.addi %mul3A_467, %add3A_584 : i32
        %get3A_586 = arith.constant 7 : i32
        %get3A_587 = arith.index_cast %get3A_586 : i32 to index
        %get3A_588 = arith.index_cast %add3A_585 : i32 to index
        %get3A_589 = arith.constant 16 : index
        %get3A_590 = tpu.vector_load %arg7[%get3A_587, %get3A_588, %get3A_589] {strides = array<i32>} : memref<8x72x32xf32, #tpu.memory_space<vmem>>, vector<1x1x16xf32>,
        %get3A_591 = vector.shape_cast %get3A_590 : vector<1x1x16xf32> to vector<16xf32>
        %add3A_592 = arith.addf %add3A_583, %get3A_591 : vector<16xf32>
        %add3A_593 = arith.constant 5 : i32
        %add3A_594 = arith.addi %mul3A_467, %add3A_593 : i32
        %get3A_595 = arith.constant 7 : i32
        %get3A_596 = arith.index_cast %get3A_595 : i32 to index
        %get3A_597 = arith.index_cast %add3A_594 : i32 to index
        %get3A_598 = arith.constant 16 : index
        %get3A_599 = tpu.vector_load %arg7[%get3A_596, %get3A_597, %get3A_598] {strides = array<i32>} : memref<8x72x32xf32, #tpu.memory_space<vmem>>, vector<1x1x16xf32>,
        %get3A_600 = vector.shape_cast %get3A_599 : vector<1x1x16xf32> to vector<16xf32>
        %add3A_601 = arith.addf %add3A_592, %get3A_600 : vector<16xf32>
        %add3A_602 = arith.constant 6 : i32
        %add3A_603 = arith.addi %mul3A_467, %add3A_602 : i32
        %get3A_604 = arith.constant 7 : i32
        %get3A_605 = arith.index_cast %get3A_604 : i32 to index
        %get3A_606 = arith.index_cast %add3A_603 : i32 to index
        %get3A_607 = arith.constant 16 : index
        %get3A_608 = tpu.vector_load %arg7[%get3A_605, %get3A_606, %get3A_607] {strides = array<i32>} : memref<8x72x32xf32, #tpu.memory_space<vmem>>, vector<1x1x16xf32>,
        %get3A_609 = vector.shape_cast %get3A_608 : vector<1x1x16xf32> to vector<16xf32>
        %add3A_610 = arith.addf %add3A_601, %get3A_609 : vector<16xf32>
        %add3A_611 = arith.constant 7 : i32
        %add3A_612 = arith.addi %mul3A_467, %add3A_611 : i32
        %get3A_613 = arith.constant 7 : i32
        %get3A_614 = arith.index_cast %get3A_613 : i32 to index
        %get3A_615 = arith.index_cast %add3A_612 : i32 to index
        %get3A_616 = arith.constant 16 : index
        %get3A_617 = tpu.vector_load %arg7[%get3A_614, %get3A_615, %get3A_616] {strides = array<i32>} : memref<8x72x32xf32, #tpu.memory_space<vmem>>, vector<1x1x16xf32>,
        %get3A_618 = vector.shape_cast %get3A_617 : vector<1x1x16xf32> to vector<16xf32>
        %add3A_619 = arith.addf %add3A_610, %get3A_618 : vector<16xf32>
        %add3A_620 = arith.constant 8 : i32
        %add3A_621 = arith.addi %mul3A_467, %add3A_620 : i32
        %get3A_622 = arith.constant 7 : i32
        %get3A_623 = arith.index_cast %get3A_622 : i32 to index
        %get3A_624 = arith.index_cast %add3A_621 : i32 to index
        %get3A_625 = arith.constant 16 : index
        %get3A_626 = tpu.vector_load %arg7[%get3A_623, %get3A_624, %get3A_625] {strides = array<i32>} : memref<8x72x32xf32, #tpu.memory_space<vmem>>, vector<1x1x16xf32>,
        %get3A_627 = vector.shape_cast %get3A_626 : vector<1x1x16xf32> to vector<16xf32>
        %add3A_628 = arith.addf %add3A_619, %get3A_627 : vector<16xf32>
        %mul3A_629 = arith.constant 1.250000e-01 : f32
        %mul3A_630 = vector.broadcast %mul3A_629 : f32 to vector<16xf32>
        %mul3A_631 = arith.mulf %mul3A_630, %add3A_628 : vector<16xf32>
        %sub3A_632 = arith.subf %get3A_557, %mul3A_631 : vector<16xf32>
        %mul3A_633 = arith.mulf %sub3A_632, %sub3A_632 : vector<16xf32>
        %mul3A_634 = arith.constant 3.125000e-07 : f32
        %mul3A_635 = vector.broadcast %mul3A_634 : f32 to vector<16xf32>
        %mul3A_636 = arith.mulf %mul3A_633, %mul3A_635 : vector<16xf32>
        %add3A_637 = arith.addf %add3A_551, %mul3A_636 : vector<16xf32>
        %get3A_638 = arith.constant 7 : i32
        %get3A_639 = arith.index_cast %get3A_638 : i32 to index
        %get3A_640 = arith.index_cast %mul3A_467 : i32 to index
        %get3A_641 = arith.constant 0 : index
        %get3A_642 = tpu.vector_load %arg8[%get3A_639, %get3A_640, %get3A_641] {strides = array<i32>} : memref<8x72x16xf32, #tpu.memory_space<vmem>>, vector<1x1x16xf32>,
        %get3A_643 = vector.shape_cast %get3A_642 : vector<1x1x16xf32> to vector<16xf32>
        %add3A_644 = arith.constant 1 : i32
        %add3A_645 = arith.addi %mul3A_467, %add3A_644 : i32
        %get3A_646 = arith.constant 7 : i32
        %get3A_647 = arith.index_cast %get3A_646 : i32 to index
        %get3A_648 = arith.index_cast %add3A_645 : i32 to index
        %get3A_649 = arith.constant 0 : index
        %get3A_650 = tpu.vector_load %arg8[%get3A_647, %get3A_648, %get3A_649] {strides = array<i32>} : memref<8x72x16xf32, #tpu.memory_space<vmem>>, vector<1x1x16xf32>,
        %get3A_651 = vector.shape_cast %get3A_650 : vector<1x1x16xf32> to vector<16xf32>
        %add3A_652 = arith.constant 2 : i32
        %add3A_653 = arith.addi %mul3A_467, %add3A_652 : i32
        %get3A_654 = arith.constant 7 : i32
        %get3A_655 = arith.index_cast %get3A_654 : i32 to index
        %get3A_656 = arith.index_cast %add3A_653 : i32 to index
        %get3A_657 = arith.constant 0 : index
        %get3A_658 = tpu.vector_load %arg8[%get3A_655, %get3A_656, %get3A_657] {strides = array<i32>} : memref<8x72x16xf32, #tpu.memory_space<vmem>>, vector<1x1x16xf32>,
        %get3A_659 = vector.shape_cast %get3A_658 : vector<1x1x16xf32> to vector<16xf32>
        %add3A_660 = arith.addf %get3A_651, %get3A_659 : vector<16xf32>
        %add3A_661 = arith.constant 3 : i32
        %add3A_662 = arith.addi %mul3A_467, %add3A_661 : i32
        %get3A_663 = arith.constant 7 : i32
        %get3A_664 = arith.index_cast %get3A_663 : i32 to index
        %get3A_665 = arith.index_cast %add3A_662 : i32 to index
        %get3A_666 = arith.constant 0 : index
        %get3A_667 = tpu.vector_load %arg8[%get3A_664, %get3A_665, %get3A_666] {strides = array<i32>} : memref<8x72x16xf32, #tpu.memory_space<vmem>>, vector<1x1x16xf32>,
        %get3A_668 = vector.shape_cast %get3A_667 : vector<1x1x16xf32> to vector<16xf32>
        %add3A_669 = arith.addf %add3A_660, %get3A_668 : vector<16xf32>
        %add3A_670 = arith.constant 4 : i32
        %add3A_671 = arith.addi %mul3A_467, %add3A_670 : i32
        %get3A_672 = arith.constant 7 : i32
        %get3A_673 = arith.index_cast %get3A_672 : i32 to index
        %get3A_674 = arith.index_cast %add3A_671 : i32 to index
        %get3A_675 = arith.constant 0 : index
        %get3A_676 = tpu.vector_load %arg8[%get3A_673, %get3A_674, %get3A_675] {strides = array<i32>} : memref<8x72x16xf32, #tpu.memory_space<vmem>>, vector<1x1x16xf32>,
        %get3A_677 = vector.shape_cast %get3A_676 : vector<1x1x16xf32> to vector<16xf32>
        %add3A_678 = arith.addf %add3A_669, %get3A_677 : vector<16xf32>
        %add3A_679 = arith.constant 5 : i32
        %add3A_680 = arith.addi %mul3A_467, %add3A_679 : i32
        %get3A_681 = arith.constant 7 : i32
        %get3A_682 = arith.index_cast %get3A_681 : i32 to index
        %get3A_683 = arith.index_cast %add3A_680 : i32 to index
        %get3A_684 = arith.constant 0 : index
        %get3A_685 = tpu.vector_load %arg8[%get3A_682, %get3A_683, %get3A_684] {strides = array<i32>} : memref<8x72x16xf32, #tpu.memory_space<vmem>>, vector<1x1x16xf32>,
        %get3A_686 = vector.shape_cast %get3A_685 : vector<1x1x16xf32> to vector<16xf32>
        %add3A_687 = arith.addf %add3A_678, %get3A_686 : vector<16xf32>
        %add3A_688 = arith.constant 6 : i32
        %add3A_689 = arith.addi %mul3A_467, %add3A_688 : i32
        %get3A_690 = arith.constant 7 : i32
        %get3A_691 = arith.index_cast %get3A_690 : i32 to index
        %get3A_692 = arith.index_cast %add3A_689 : i32 to index
        %get3A_693 = arith.constant 0 : index
        %get3A_694 = tpu.vector_load %arg8[%get3A_691, %get3A_692, %get3A_693] {strides = array<i32>} : memref<8x72x16xf32, #tpu.memory_space<vmem>>, vector<1x1x16xf32>,
        %get3A_695 = vector.shape_cast %get3A_694 : vector<1x1x16xf32> to vector<16xf32>
        %add3A_696 = arith.addf %add3A_687, %get3A_695 : vector<16xf32>
        %add3A_697 = arith.constant 7 : i32
        %add3A_698 = arith.addi %mul3A_467, %add3A_697 : i32
        %get3A_699 = arith.constant 7 : i32
        %get3A_700 = arith.index_cast %get3A_699 : i32 to index
        %get3A_701 = arith.index_cast %add3A_698 : i32 to index
        %get3A_702 = arith.constant 0 : index
        %get3A_703 = tpu.vector_load %arg8[%get3A_700, %get3A_701, %get3A_702] {strides = array<i32>} : memref<8x72x16xf32, #tpu.memory_space<vmem>>, vector<1x1x16xf32>,
        %get3A_704 = vector.shape_cast %get3A_703 : vector<1x1x16xf32> to vector<16xf32>
        %add3A_705 = arith.addf %add3A_696, %get3A_704 : vector<16xf32>
        %add3A_706 = arith.constant 8 : i32
        %add3A_707 = arith.addi %mul3A_467, %add3A_706 : i32
        %get3A_708 = arith.constant 7 : i32
        %get3A_709 = arith.index_cast %get3A_708 : i32 to index
        %get3A_710 = arith.index_cast %add3A_707 : i32 to index
        %get3A_711 = arith.constant 0 : index
        %get3A_712 = tpu.vector_load %arg8[%get3A_709, %get3A_710, %get3A_711] {strides = array<i32>} : memref<8x72x16xf32, #tpu.memory_space<vmem>>, vector<1x1x16xf32>,
        %get3A_713 = vector.shape_cast %get3A_712 : vector<1x1x16xf32> to vector<16xf32>
        %add3A_714 = arith.addf %add3A_705, %get3A_713 : vector<16xf32>
        %mul3A_715 = arith.constant 1.250000e-01 : f32
        %mul3A_716 = vector.broadcast %mul3A_715 : f32 to vector<16xf32>
        %mul3A_717 = arith.mulf %mul3A_716, %add3A_714 : vector<16xf32>
        %sub3A_718 = arith.subf %get3A_643, %mul3A_717 : vector<16xf32>
        %mul3A_719 = arith.mulf %sub3A_718, %sub3A_718 : vector<16xf32>
        %mul3A_720 = arith.mulf %mul3A_719, %select_n3A_11 : vector<16xf32>
        %add3A_721 = arith.addf %add3A_637, %mul3A_720 : vector<16xf32>
        scf.yield %add3A_721 : vector<16xf32>
      }
      %scan3A_454 = arith.constant 8 : i32
      %add3A_455 = arith.constant 7 : i32
      %add3A_456 = arith.addi %mul3A_186, %add3A_455 : i32
      %add3A_457 = arith.constant 8 : i32
      %add3A_458 = arith.addi %add3A_456, %add3A_457 : i32
      %lt3A_459 = arith.constant 392 : i32
      %lt3A_460 = arith.cmpi slt, %add3A_458, %lt3A_459 : i32
      %convert_element_type3A_461 = arith.extui %lt3A_460 : i1 to i32
      %cond3A_462 = arith.constant 0 : i32
      %cond3A_463 = arith.cmpi ne, %convert_element_type3A_461, %cond3A_462 : i32
      scf.if %cond3A_463 {
        %mul3A_464 = arith.constant 72 : i32
        %mul3A_465 = arith.muli %add3A_458, %mul3A_464 : i32
        %dma_start3A_466 = arith.constant 7 : i32
        %dma_start3A_467 = arith.constant 0 : i32
        %dma_start3A_468 = arith.constant 0 : i32
        %dma_start3A_469 = tpu.memref_slice %arg7[%dma_start3A_466, %dma_start3A_467, %dma_start3A_468] : memref<8x72x32xf32, #tpu.memory_space<vmem>> -> memref<1x72x32xf32, #tpu.memory_space<vmem>>
        %dma_start3A_470 = tpu.memref_squeeze %dma_start3A_469 : memref<1x72x32xf32, #tpu.memory_space<vmem>> -> memref<72x32xf32, #tpu.memory_space<vmem>>
        %dma_start3A_471 = tpu.memref_slice %arg6[%mul3A_465] : memref<28224xi32, #tpu.memory_space<vmem>> -> memref<72xi32, #tpu.memory_space<vmem>>
        %dma_start3A_472 = arith.constant 0 : i32
        %dma_start3A_473 = arith.constant 0 : i32
        %dma_start3A_474 = tpu.memref_slice %arg2[%dma_start3A_472, %dma_start3A_473] : memref<100000x32xf32, #tpu.memory_space<hbm>> -> memref<100000x32xf32, #tpu.memory_space<hbm>>
        tpu.enqueue_indirect_dma source(%dma_start3A_474 : memref<100000x32xf32, #tpu.memory_space<hbm>>) target(%dma_start3A_470 : memref<72x32xf32, #tpu.memory_space<vmem>>) offsets(%dma_start3A_471 : memref<72xi32, #tpu.memory_space<vmem>>) semaphore(%arg17 : memref<!tpu.dma_semaphore, #tpu.memory_space<semaphore_mem>>)
        %dma_start3A_475 = arith.constant 7 : i32
        %dma_start3A_476 = arith.constant 0 : i32
        %dma_start3A_477 = arith.constant 0 : i32
        %dma_start3A_478 = tpu.memref_slice %arg8[%dma_start3A_475, %dma_start3A_476, %dma_start3A_477] : memref<8x72x16xf32, #tpu.memory_space<vmem>> -> memref<1x72x16xf32, #tpu.memory_space<vmem>>
        %dma_start3A_479 = tpu.memref_squeeze %dma_start3A_478 : memref<1x72x16xf32, #tpu.memory_space<vmem>> -> memref<72x16xf32, #tpu.memory_space<vmem>>
        %dma_start3A_480 = tpu.memref_slice %arg6[%mul3A_465] : memref<28224xi32, #tpu.memory_space<vmem>> -> memref<72xi32, #tpu.memory_space<vmem>>
        %dma_start3A_481 = arith.constant 0 : i32
        %dma_start3A_482 = arith.constant 0 : i32
        %dma_start3A_483 = tpu.memref_slice %arg3[%dma_start3A_481, %dma_start3A_482] : memref<100000x16xf32, #tpu.memory_space<hbm>> -> memref<100000x16xf32, #tpu.memory_space<hbm>>
        tpu.enqueue_indirect_dma source(%dma_start3A_483 : memref<100000x16xf32, #tpu.memory_space<hbm>>) target(%dma_start3A_479 : memref<72x16xf32, #tpu.memory_space<vmem>>) offsets(%dma_start3A_480 : memref<72xi32, #tpu.memory_space<vmem>>) semaphore(%arg17 : memref<!tpu.dma_semaphore, #tpu.memory_space<semaphore_mem>>)
      } else {
      }
      scf.yield %scan3A_453 : vector<16xf32>
    }
    %scan3A_177 = arith.constant 49 : i32
    %swap3A = arith.constant 0 : index
    %swap3A_178 = tpu.vector_load %arg9[%swap3A] {strides = array<i32>} : memref<16xf32, #tpu.memory_space<vmem>>, vector<16xf32>,
    %swap3A_179 = vector.shape_cast %swap3A_178 : vector<16xf32> to vector<16xf32>
    %swap3A_180 = vector.shape_cast %scan3A_176 : vector<16xf32> to vector<16xf32>
    tpu.vector_store %arg9[%swap3A], %swap3A_180 {strides = array<i32>} : memref<16xf32, #tpu.memory_space<vmem>>, vector<16xf32>,
    %mul3A_181 = arith.constant 16 : i32
    %mul3A_182 = arith.muli %add3A, %mul3A_181 : i32
    "tpu.region"() ({
      %run_scoped3A = tpu.sem_alloc : memref<!tpu.dma_semaphore, #tpu.memory_space<semaphore_mem>>
      %dma_start3A_183 = tpu.memref_slice %arg5[%mul3A_182] : memref<512xf32, #tpu.memory_space<hbm>> -> memref<16xf32, #tpu.memory_space<hbm>>
      %dma_start3A_184 = tpu.memref_slice %arg5[%mul3A_182] : memref<512xf32, #tpu.memory_space<hbm>> -> memref<16xf32, #tpu.memory_space<hbm>>
      tpu.enqueue_dma source(%arg9 : memref<16xf32, #tpu.memory_space<vmem>>) target(%dma_start3A_184 : memref<16xf32, #tpu.memory_space<hbm>>) target_semaphore(%run_scoped3A : memref<!tpu.dma_semaphore, #tpu.memory_space<semaphore_mem>>)
      %dma_wait3A = tpu.memref_slice %arg5[%mul3A_182] : memref<512xf32, #tpu.memory_space<hbm>> -> memref<16xf32, #tpu.memory_space<hbm>>
      %dma_wait3A_185 = tpu.memref_slice %arg5[%mul3A_182] : memref<512xf32, #tpu.memory_space<hbm>> -> memref<16xf32, #tpu.memory_space<hbm>>
      tpu.wait_dma2 semaphore(%run_scoped3A : memref<!tpu.dma_semaphore, #tpu.memory_space<semaphore_mem>>) src(%arg9 : memref<16xf32, #tpu.memory_space<vmem>>) dst(%dma_wait3A_185 : memref<16xf32, #tpu.memory_space<hbm>>)
      tpu.yield
    }) : () -> ()
    return
  }
}

</mosaic_0001>

<sc_bundles>
// kernel: kernel.3.cloned.1.call-start
scs
__scs_entry_jumppad:
0x0: {  	(pc) =	sbr.rel $0x88, $3  }
0x1: {  	(tag) =	ssettag $0x0;
	lr =	simm.s32 $0x1  }
0x2: {  	[smem:$0x3F9C] =	sst lr;
	_ =	strace $0xD0000000  }
0x3: {  	_ = 	snop  }
0x4: {  	_ = 	snop  }
0x5: {  	_ = 	snop  }
0x6: {  	_ = 	snop  }
0x7: {  	_ = 	snop  }
__scs_overlays_trampoline_lowered:
0x8: {  	[smem:$0x3FAB] =	sst s0  }
0x9: {  	[smem:$0x3FAC] =	sst s1  }
0xa: {  	[smem:$0x3FAD] =	sst s2  }
0xb: {  	[smem:$0x3FAE] =	sst s3  }
0xc: {  	[smem:$0x3FAF] =	sst s4  }
0xd: {  	[smem:$0x3FB0] =	sst s5  }
0xe: {  	[smem:$0x3FB1] =	sst s6  }
0xf: {  	[smem:$0x3FB2] =	sst s7  }
0x10: {  	[smem:$0x3FB3] =	sst s8  }
0x11: {  	[smem:$0x3FB4] =	sst s9;
	s0 =	simm.s32 @!p0 $0x0  }
0x12: {  	s1 =	sld [smem:$0x3F9A];
	s0 =	simm.s32 @p0 $0x1  }
0x13: {  	[smem:$0x3FB5] =	sst s0;
	s0 =	simm.s32 @!p1 $0x0  }
0x14: {  	s2 =	sld [smem:$0x3F99];
	s0 =	simm.s32 @p1 $0x1  }
0x15: {  	[smem:$0x3FB6] =	sst s0;
	s0 =	simm.s32 @!p2 $0x0  }
0x16: {  	s3 =	sld [smem:$0x3FDB];
	s0 =	simm.s32 @p2 $0x1  }
0x17: {  	s4 =	simm.s32 $0x1BF5;
	[smem:$0x3FB8] =	sst s0  }
0x18: {  	s0 =	sld [smem:$0x3F9B];
	_ =	swait.ge [sflag:s4], $0x0  }
0x19: {  	s7 =	sld [smem:$0x3F9C]  }
0x1a: {  	s8 =	sadd.s32 $0xFFFFE003, lr  }
0x1b: {  	s9 =	sadd.s32 $0xFFFFFEF7, lr;
	s5 =	simm.s32 $0xFFFFFFFF;
	p2 =	slt.u32 s8, $0xFFFFF086  }
0x1c: {  	p1 =	slt.u32 s9, $0xF7A;
	s5 =	simm.s32 @!p2 $0x0  }
0x1d: {  	s5 =	simm.s32 @p1 $0x1;
	p0 =	seq.s32 s7, s2  }
0x1e: {  	s7 =	smul.u32 @!p0 $0xF7A, s2;
	p2 =	seq.s32 @!p0 s5, $0x0  }
0x1f: {  	s9 =	smul.u32 $0xF7A, s1;
	s8 =	simm.s32 @!p0 $0x1BF5;
	p2 =	por !p2, p0  }
0x20: {  	[sflag:s8] =	ssyncset.s32 @!p0 $0xFFFFF086;
	s6 =	sadd.s32 @!p0 s3, s7;
	s7 =	simm.s32 @!p0 $0x108  }
0x21: {  	s3 =	sadd.s32 s3, s9;
	s6 =	sadd.s32 @!p0 $0x88, s6;
	s7 =	simm.s32 @p2 $0x1082  }
0x22: {  	[simem:s7], [sflag:s8] =	dma.local @!p0 [hbm:s6], $0xF7A  }
0x23: {  	s9 =	sor.u32 $0xD0000000, s2;
	s6 =	simm.s32 $0x108;
	_ =	swait.ge @!p0 [sflag:s8], $0x0  }
0x24: {  	s3 =	sadd.s32 $0x88, s3;
	s6 =	simm.s32 @!p1 $0x1082;
	[sflag:s4] =	ssyncset.s32 $0xFFFFF086  }
0x25: {  	[simem:s6], [sflag:s4] =	dma.local [hbm:s3], $0xF7A  }
0x26: {  	[smem:$0x3F9C] =	sst s1;
	(tag) =	ssettag s2;
	_ =	strace s9  }
0x27: {  	s1 =	sld [smem:$0x3FAC]  }
0x28: {  	s2 =	sld [smem:$0x3FAD]  }
0x29: {  	s4 =	sld [smem:$0x3FAF]  }
0x2a: {  	p0 =	seq.s32 s5, $0x0;
	s5 =	sld [smem:$0x3FB0]  }
0x2b: {  	s6 =	sld [smem:$0x3FB1]  }
0x2c: {  	s7 =	sld [smem:$0x3FB2]  }
0x2d: {  	s3 =	simm.s32 $0x108;
	s8 =	sld [smem:$0x3FB3]  }
0x2e: {  	s3 =	simm.s32 @!p0 $0x1082;
	s9 =	sld [smem:$0x3FB4]  }
0x2f: {  	lr =	sadd.s32 s0, s3;
	s0 =	sld [smem:$0x3FAB]  }
0x30: {  	s3 =	sld [smem:$0x3FAE]  }
0x31: {  	[smem:$0x3FB7] =	sst s10  }
0x32: {  	s10 =	sld [smem:$0x3FB5];
	_ =	sdelay $0x3  }
0x33: {  	p0 =	seq.s32 s10, $0x1;
	s10 =	sld [smem:$0x3FB7];
	_ =	sdelay $0x3  }
0x34: {  	[smem:$0x3FB7] =	sst s10  }
0x35: {  	s10 =	sld [smem:$0x3FB6];
	_ =	sdelay $0x3  }
0x36: {  	p1 =	seq.s32 s10, $0x1;
	s10 =	sld [smem:$0x3FB7];
	_ =	sdelay $0x3  }
0x37: {  	[smem:$0x3FB7] =	sst s10  }
0x38: {  	s10 =	sld [smem:$0x3FB8]  }
0x39: {  	_ = 	snop;
	(pc) =	sbr.ind lr, $3  }
0x3a: {  	_ = 	snop  }
0x3b: {  	_ = 	snop  }
0x3c: {  	p2 =	seq.s32 s10, $0x1;
	s10 =	sld [smem:$0x3FB7]  }
0x3d: {  	_ =	shalt  }
0x3e: {  	_ =	shalt  }
0x3f: {  	_ =	shalt  }
0x40: {  	_ =	shalt  }
0x41: {  	_ =	shalt  }
0x42: {  	_ =	shalt  }
0x43: {  	_ =	shalt  }
0x44: {  	_ =	shalt  }
0x45: {  	_ =	shalt  }
0x46: {  	_ =	shalt  }
0x47: {  	_ =	shalt  }
0x48: {  	_ =	shalt  }
0x49: {  	_ =	shalt  }
0x4a: {  	_ =	shalt  }
0x4b: {  	_ =	shalt  }
0x4c: {  	_ =	shalt  }
0x4d: {  	_ =	shalt  }
0x4e: {  	_ =	shalt  }
0x4f: {  	_ =	shalt  }
0x50: {  	_ =	shalt  }
0x51: {  	_ =	shalt  }
0x52: {  	_ =	shalt  }
0x53: {  	_ =	shalt  }
0x54: {  	_ =	shalt  }
0x55: {  	_ =	shalt  }
0x56: {  	_ =	shalt  }
0x57: {  	_ =	shalt  }
0x58: {  	_ =	shalt  }
0x59: {  	_ =	shalt  }
0x5a: {  	_ =	shalt  }
0x5b: {  	_ =	shalt  }
0x5c: {  	_ =	shalt  }
0x5d: {  	_ =	shalt  }
0x5e: {  	_ =	shalt  }
0x5f: {  	_ =	shalt  }
0x60: {  	_ =	shalt  }
0x61: {  	_ =	shalt  }
0x62: {  	_ =	shalt  }
0x63: {  	_ =	shalt  }
0x64: {  	_ =	shalt  }
0x65: {  	_ =	shalt  }
0x66: {  	_ =	shalt  }
0x67: {  	_ =	shalt  }
0x68: {  	_ =	shalt  }
0x69: {  	_ =	shalt  }
0x6a: {  	_ =	shalt  }
0x6b: {  	_ =	shalt  }
0x6c: {  	_ =	shalt  }
0x6d: {  	_ =	shalt  }
0x6e: {  	_ =	shalt  }
0x6f: {  	_ =	shalt  }
0x70: {  	_ =	shalt  }
0x71: {  	_ =	shalt  }
0x72: {  	_ =	shalt  }
0x73: {  	_ =	shalt  }
0x74: {  	_ =	shalt  }
0x75: {  	_ =	shalt  }
0x76: {  	_ =	shalt  }
0x77: {  	_ =	shalt  }
0x78: {  	_ =	shalt  }
0x79: {  	_ =	shalt  }
0x7a: {  	_ =	shalt  }
0x7b: {  	_ =	shalt  }
0x7c: {  	_ =	shalt  }
0x7d: {  	_ =	shalt  }
0x7e: {  	_ =	shalt  }
0x7f: {  	_ =	shalt  }
0x80: {  	_ =	shalt  }
0x81: {  	_ =	shalt  }
0x82: {  	_ =	shalt  }
0x83: {  	_ =	shalt  }
0x84: {  	_ =	shalt  }
0x85: {  	_ =	shalt  }
0x86: {  	_ =	shalt  }
0x87: {  	_ =	shalt  }
.Lfunc_end0:
.L_simem_size_0:
called_computation_lowered:
.L_overlay_start_0:
0x88: {  	s2 =	sld [smem:$0x3FD9]  }
0x89: {  	s3 =	sld [smem:$0x3FFE];
	_ =	sdelay $0x1  }
0x8a: {  	s1 =	srdreg.scid  }
0x8b: {  	s0 =	sand.u32 $0x1, s1  }
0x8c: {  	s16 =	sshll.u32 s0, $0xA;
	s2 =	sadd.s32 s3, s2  }
0x8d: {  	s2 =	sadd.s32 s2, s16  }
0x8e: {  	[smem:$0x3FC3] =	sst s2  }
0x8f: {  	_ = 	snop  }
0x90: {  	(tm) =	ssettm $0x1  }
0x91: {  	s17 =	sld [smem:$0x3FFB];
	_ =	sdelay $0x3  }
0x92: {  	_ =	strace s17  }
0x93: {  	s2 =	sld [smem:$0x3FFC];
	_ =	sdelay $0x3  }
0x94: {  	_ =	strace s2  }
0x95: {  	s2 =	sld [smem:$0x3FFD];
	_ =	sdelay $0x3  }
0x96: {  	_ =	strace s2  }
0x97: {  	_ =	strace $0x8FFFFFFF  }
0x98: {  	s18 =	sld [smem:$0x3FDB];
	_ =	sdelay $0x1  }
0x99: {  	s19 =	simm.s32 $_scs_section_size  }
0x9a: {  	s4 =	simm.s32 $_size__tile_overlayer_lowered;
	s5 =	simm.s32 $_tile_overlayer_lowered  }
0x9b: {  	s22 =	simm.s32 $0x1BFF;
	s21 =	sshll.u32 s5, $0x1;
	s2 =	sadd.s32 s19, s18  }
0x9c: {  	s6 =	simm.s32 $0x0;
	s20 =	sshll.u32 s4, $0x1;
	s4 =	sadd.s32 s21, s2  }
0x9d: {  	[timem:s6], [sflag:s22] =	dma.local [hbm:s4], s20  }
0x9e: {  	_ =	swait.ge [sflag:s22], s20  }
0x9f: {  	s3 =	ssub.s32 $0x0, s20;
	[sflag:s22] =	ssyncset.done $0x0  }
0xa0: {  	[sflag:s22] =	ssyncadd.s32 s3;
	_ =	sdelay $0x1  }
0xa1: {  	s23 =	simm.s32 $0x1B8B  }
0xa2: {  	_ =	swait.ge [sflag:s23], $0x1  }
0xa3: {  	[sflag:s23] =	ssyncset.done $0x0  }
0xa4: {  	s25 =	simm.s32 $0x1B8E;
	s24 =	sld [smem:$0x3FFE];
	[sflag:s23] =	ssyncadd.s32 $0xFFFFFFFF  }
0xa5: {  	s26 =	simm.s32 $execute0_lowered;
	[smem:$0x3FD2] =	sst s25  }
0xa6: {  	s4 =	sshll.u32 s26, $0x1;
	_ =	strace $0x80000046;
	[dreg:$0x1] =	wrdreg $0xFFFFFFFF  }
0xa7: {  	s28 =	simm.s32 $_size_execute0_lowered;
	s2 =	sadd.s32 s2, s4;
	[dreg:$0x0] =	wrdreg $0x0  }
0xa8: {  	s4 =	sshll.u32 s28, $0x1;
	[dreg:$0x2] =	wrdreg s2  }
0xa9: {  	[dreg:$0x3] =	wrdreg s4  }
0xaa: {  	[dreg:$0x4] =	wrdreg $0xC0  }
0xab: {  	_ =	task [dreg:s6], $0x5FFFF  }
0xac: {  	[dreg:$0x1] =	wrdreg $0xFFFFFFFF  }
0xad: {  	[dreg:$0x0] =	wrdreg $0x60  }
0xae: {  	[dreg:$0x2] =	wrdreg s24  }
0xaf: {  	[dreg:$0x3] =	wrdreg $0x9  }
0xb0: {  	_ =	task.clear_ibuf [dreg:s6], $0x4FFFF;
	_ =	strace $0x90000046  }
0xb1: {  	s29 =	simm.s32 $0x9;
	_ =	strace $0x80000048  }
0xb2: {  	_ =	swait.ge [sflag:s29], $0x1  }
0xb3: {  	[sflag:s29] =	ssyncadd.s32 $0xFFFFFFFF  }
0xb4: {  	_ =	strace $0x90000048  }
0xb5: {  	_ =	sfence  }
0xb6: {  	s30 =	sld [smem:$0x0];
	_ =	sdelay $0x2  }
0xb7: {  	s31 =	sshll.u32 s1, $0xD;
	s1 =	sshrl.u32 s1, $0x2  }
0xb8: {  	s3 =	sand.u32 $0x4000, s31;
	s1 =	sadd.s32 s1, s30  }
0xb9: {  	s0 =	sor.u32 s3, s0;
	s1 =	sshll.u32 s1, $0x11  }
0xba: {  	s0 =	sor.u32 s1, s0  }
0xbb: {  	s0 =	sadd.s32 $0x8F2B, s0  }
0xbc: {  	[sflag:s0] =	ssyncadd.remote.s32 $0x1  }
0xbd: {  	_ =	sfence.sel $0xFFFF  }
0xbe: {  	[dreg:$0x0] =	wrdreg $0xFFFFFFFF;
	(pc) =	sbr.abs _section_cstart, $3  }
0xbf: {  	[dreg:$0x1] =	wrdreg $0xFFFFFFFF  }
0xc0: {  	_ =	task.clear_ibuf [dreg:s6], $0x2FFFF;
	_ =	strace $0x9FFFFFFF  }
0xc1: {  	(tm) =	ssettm $0x7FFFFFFF  }
tec
execute0_lowered:
.L_overlay_start_1:
0x0: {  	(tag) =	ssettag $0x1  }
0x1: {  	s0 =	rddreg [dreg:$0x0]  }
0x2: {  	s1 =	srdreg.scid;
	s3 =	stileid.u32  }
0x3: {  	s2 =	simm.s32 $0x0;
	s8 =	simm.s32 $0x9;
	s9 =	simm.s32 $0x48  }
0x4: {  	s14 =	simm.s32 $0x90;
	s17 =	simm.s32 $0xD8;
	s20 =	simm.s32 $0x120  }
0x5: {  	s23 =	simm.s32 $0x168;
	s26 =	simm.s32 $0x1B0;
	s30 =	simm.s32 $0x1F8  }
0x6: {  	s31 =	simm.s32 $0xAD40;
	s10 =	simm.s32 $0x2;
	s11 =	simm.s32 $0x3  }
0x7: {  	s12 =	simm.s32 $0x4;
	s13 =	simm.s32 $0x5;
	s15 =	simm.s32 $0x6  }
0x8: {  	s16 =	simm.s32 $0x7;
	s1 =	sand.u32 $0x1, s1;
	s3 =	sshll.u32 s3, $0x1  }
0x9: {  	s18 =	simm.s32 $0x8;
	s19 =	simm.s32 $0xDA40;
	s5 =	sor.u32 s1, s3  }
0xa: {  	s21 =	simm.s32 $0x0;
	[smem:$0x7FF] =	sst s2;
	s6 =	smul.u32 $0xDC8, s5  }
.Ltmp0:
0xb: {  	s4 =	sadd.s32 $0x188200, s0;
	s1 =	ssub.s32 $0x2, s1;
	(pc) =	sbr.rel .LBB2_1-.Ltmp0, $4  }
0xc: {  	_ =	strace $0x80000047;
	s3 =	sadd.s32 $0x1B9000, s0;
	s7 =	sshrl.u32 s1, $0x1  }
0xd: {  	v0 =	vimm.f32 $0.0e+00;
	vm0 =	vcmask $0x1700;
	s5 =	sshll.u32 s5, $0x1;
	s1 =	ssub.s32 s1, s7;
	s6 =	sadd.s32 s6, s0  }
0xe: {  	vm15 =	vcmask $0x1B18;
	v0 =	vsel vm0, $0x365FB23B, v0;
	s0 =	sadd.s32 s5, s0;
	s7 =	smax.u32 s1, $0x1;
	s1 =	simm.s32 $0x1  }
0xf: {  	v0 =	vsel vm15, $0x3727C5AC, v0;
	s5 =	sadd.s32 $0x1800, s6;
	s6 =	sadd.s32 $0x1D200, s0;
	s0 =	simm.s32 $0xD5C0  }
.LBB2_20:
0x10: {  	s21 =	sadd.s32 $0x1, s21  }
0x11: {  	p0 =	sne.s32 s21, s7  }
.Ltmp1:
0x12: {  	[tilespmem:$0xDA40] =	vst v7;
	(pc) =	sbr.rel @!p0 .LBB2_21-.Ltmp1, $4  }
0x13: {  	[hbm4b:s6+s2] =	stream.linear.scatter [tilespmem:s19], [sflag:$0x9], $0x10, $0x38;
	[tilespmem:$0xDA50] =	vst v63  }
0x14: {  	_ =	swait.ge [sflag:s8], $0x10  }
0x15: {  	[sflag:s8] =	ssyncset.done $0x0  }
0x16: {  	[sflag:s8] =	ssyncadd.s32 $0xFFFFFFF0  }
.LBB2_1:
0x17: {  	[tilespmem:s2], [sflag:$0x9] =	stream.linear.gather [hbm4b:s5+s2], $0x6E40, $0x38;
	[tilespmem:$0xDA50] =	vst v63  }
0x18: {  	_ =	swait.ge [sflag:s8], $0x6E40  }
0x19: {  	[sflag:s8] =	ssyncset.done $0x0  }
0x1a: {  	s22 =	simm.s32 $0x6E40;
	[sflag:s8] =	ssyncadd.s32 $0xFFFF91C0  }
0x1b: {  	[tilespmem:s22], [sflag:$0x1] =	stream.indirect.gather [hbm4b:s3+s9], $0x20, s2, s9, $0xb8;
	[tilespmem:$0xDA50] =	vst v63  }
0x1c: {  	s29 =	simm.s32 $0xB640  }
0x1d: {  	[tilespmem:s29], [sflag:$0x1] =	stream.indirect.gather [hbm4b:s4+s9], $0x10, s2, s9, $0xb8;
	[tilespmem:$0xDA50] =	vst v63  }
0x1e: {  	s24 =	simm.s32 $0x7740  }
0x1f: {  	[tilespmem:s24], [sflag:$0x2] =	stream.indirect.gather [hbm4b:s3+s9], $0x20, s9, s9, $0xb8;
	[tilespmem:$0xDA50] =	vst v63  }
0x20: {  	s25 =	simm.s32 $0xBAC0  }
0x21: {  	[tilespmem:s25], [sflag:$0x2] =	stream.indirect.gather [hbm4b:s4+s9], $0x10, s9, s9, $0xb8;
	[tilespmem:$0xDA50] =	vst v63  }
0x22: {  	s28 =	simm.s32 $0x8040  }
0x23: {  	[tilespmem:s28], [sflag:$0x3] =	stream.indirect.gather [hbm4b:s3+s9], $0x20, s14, s9, $0xb8;
	[tilespmem:$0xDA50] =	vst v63  }
0x24: {  	s29 =	simm.s32 $0xBF40  }
0x25: {  	[tilespmem:s29], [sflag:$0x3] =	stream.indirect.gather [hbm4b:s4+s9], $0x10, s14, s9, $0xb8;
	[tilespmem:$0xDA50] =	vst v63  }
0x26: {  	s24 =	simm.s32 $0x8940  }
0x27: {  	[tilespmem:s24], [sflag:$0x4] =	stream.indirect.gather [hbm4b:s3+s9], $0x20, s17, s9, $0xb8;
	[tilespmem:$0xDA50] =	vst v63  }
0x28: {  	s25 =	simm.s32 $0xC3C0  }
0x29: {  	[tilespmem:s25], [sflag:$0x4] =	stream.indirect.gather [hbm4b:s4+s9], $0x10, s17, s9, $0xb8;
	[tilespmem:$0xDA50] =	vst v63  }
0x2a: {  	s28 =	simm.s32 $0x9240  }
0x2b: {  	[tilespmem:s28], [sflag:$0x5] =	stream.indirect.gather [hbm4b:s3+s9], $0x20, s20, s9, $0xb8;
	[tilespmem:$0xDA50] =	vst v63  }
0x2c: {  	s29 =	simm.s32 $0xC840  }
0x2d: {  	[tilespmem:s29], [sflag:$0x5] =	stream.indirect.gather [hbm4b:s4+s9], $0x10, s20, s9, $0xb8;
	[tilespmem:$0xDA50] =	vst v63  }
0x2e: {  	s24 =	simm.s32 $0x9B40  }
0x2f: {  	[tilespmem:s24], [sflag:$0x6] =	stream.indirect.gather [hbm4b:s3+s9], $0x20, s23, s9, $0xb8;
	[tilespmem:$0xDA50] =	vst v63  }
0x30: {  	s25 =	simm.s32 $0xCCC0  }
0x31: {  	[tilespmem:s25], [sflag:$0x6] =	stream.indirect.gather [hbm4b:s4+s9], $0x10, s23, s9, $0xb8;
	[tilespmem:$0xDA50] =	vst v63  }
0x32: {  	s28 =	simm.s32 $0xA440  }
0x33: {  	[tilespmem:s28], [sflag:$0x7] =	stream.indirect.gather [hbm4b:s3+s9], $0x20, s26, s9, $0xb8;
	[tilespmem:$0xDA50] =	vst v63  }
0x34: {  	s29 =	simm.s32 $0xD140  }
0x35: {  	[tilespmem:s29], [sflag:$0x7] =	stream.indirect.gather [hbm4b:s4+s9], $0x10, s26, s9, $0xb8;
	[tilespmem:$0xDA50] =	vst v63  }
0x36: {  	_ = 	snop  }
0x37: {  	[tilespmem:s31], [sflag:$0x8] =	stream.indirect.gather [hbm4b:s3+s9], $0x20, s30, s9, $0xb8;
	[tilespmem:$0xDA50] =	vst v63  }
0x38: {  	s22 =	simm.s32 $0x0  }
0x39: {  	v7 =	vimm.f32 $0.0e+00;
	[tilespmem:s0], [sflag:$0x8] =	stream.indirect.gather [hbm4b:s4+s9], $0x10, s30, s9, $0xb8;
	[tilespmem:$0xDA50] =	vst v63  }
.LBB2_2:
0x3a: {  	_ =	swait.ge [sflag:s1], $0x900  }
0x3b: {  	[sflag:s1] =	ssyncset.done $0x0  }
0x3c: {  	[sflag:s1] =	ssyncadd.s32 $0xFFFFF700  }
0x3d: {  	_ =	swait.ge [sflag:s1], $0x480  }
0x3e: {  	[sflag:s1] =	ssyncset.done $0x0  }
0x3f: {  	s24 =	simm.s32 $0x6ED0;
	[sflag:s1] =	ssyncadd.s32 $0xFFFFFB80  }
0x40: {  	v1 =	vld [tilespmem:s24+$0x70]  }
0x41: {  	v2 =	vld [tilespmem:s24+$0x50]  }
0x42: {  	v3 =	vld [tilespmem:s24+$0x30]  }
0x43: {  	v4 =	vld [tilespmem:s24+$0x10]  }
0x44: {  	s25 =	simm.s32 $0x80;
	v5 =	vld [tilespmem:s24+$0xFFFFFFF0]  }
0x45: {  	v6 =	vld [tilespmem:s25+$0xB5D0]  }
0x46: {  	v8 =	vld [tilespmem:s24+$0xFFFFFFD0]  }
0x47: {  	v9 =	vld [tilespmem:s24+$0xFFFFFF90]  }
0x48: {  	v10 =	vld [tilespmem:s24+$0xFFFFFFB0]  }
0x49: {  	v11 =	vld [tilespmem:s24+$0xFFFFFFA0]  }
0x4a: {  	v12 =	vld [tilespmem:s24+$0xFFFFFFC0]  }
0x4b: {  	v13 =	vld [tilespmem:s25+$0xB5E0]  }
0x4c: {  	v14 =	vld [tilespmem:s24+$0xFFFFFFE0]  }
0x4d: {  	v9 =	vadd.f32 v10, v9;
	v10 =	vld [tilespmem:s25+$0xB5F0]  }
0x4e: {  	v15 =	vld [tilespmem:s24+$0x0]  }
0x4f: {  	v8 =	vadd.f32 v8, v9;
	v9 =	vadd.f32 v12, v11;
	v11 =	vld [tilespmem:s25+$0xB600]  }
0x50: {  	v6 =	vadd.f32 v13, v6;
	v12 =	vld [tilespmem:s24+$0x20]  }
0x51: {  	v5 =	vadd.f32 v5, v8;
	v8 =	vadd.f32 v14, v9;
	v9 =	vld [tilespmem:s25+$0xB610]  }
0x52: {  	v13 =	vld [tilespmem:s24+$0x40];
	v6 =	vadd.f32 v10, v6  }
0x53: {  	v4 =	vadd.f32 v4, v5;
	v5 =	vadd.f32 v15, v8;
	v8 =	vld [tilespmem:s25+$0xB620]  }
0x54: {  	v10 =	vld [tilespmem:s24+$0x60];
	v6 =	vadd.f32 v11, v6  }
0x55: {  	v3 =	vadd.f32 v3, v4;
	v4 =	vadd.f32 v12, v5;
	v5 =	vld [tilespmem:s24+$0x80]  }
0x56: {  	v6 =	vadd.f32 v9, v6;
	v9 =	vld [tilespmem:s25+$0xB630]  }
0x57: {  	v11 =	vld [tilespmem:s24+$0xFFFFFF70];
	v2 =	vadd.f32 v2, v3;
	v3 =	vadd.f32 v13, v4  }
0x58: {  	v4 =	vadd.f32 v8, v6;
	v6 =	vld [tilespmem:s25+$0xB640]  }
0x59: {  	v8 =	vld [tilespmem:s24+$0xFFFFFF80];
	v2 =	vadd.f32 v1, v2;
	v3 =	vadd.f32 v10, v3  }
0x5a: {  	v10 =	vld [tilespmem:s25+$0xB5C0];
	s25 =	simm.s32 $0x6FF0  }
0x5b: {  	v1 =	vld [tilespmem:s25+$0x70];
	v12 =	vmul.f32 $1.250000000e-01, v2;
	v5 =	vadd.f32 v5, v3;
	v4 =	vadd.f32 v9, v4  }
0x5c: {  	v2 =	vld [tilespmem:s25+$0x50]  }
0x5d: {  	v3 =	vld [tilespmem:s25+$0x30];
	v9 =	vsub.f32 v11, v12;
	v11 =	vmul.f32 $1.250000000e-01, v5;
	v6 =	vadd.f32 v6, v4  }
0x5e: {  	v4 =	vld [tilespmem:s25+$0x10]  }
0x5f: {  	s24 =	simm.s32 $0x110;
	v5 =	vld [tilespmem:s25+$0xFFFFFFF0];
	v9 =	vmul.f32 v9, v9;
	v11 =	vsub.f32 v8, v11;
	v12 =	vmul.f32 $1.250000000e-01, v6  }
0x60: {  	v6 =	vld [tilespmem:s24+$0xB5D0]  }
0x61: {  	v8 =	vld [tilespmem:s25+$0xFFFFFFD0];
	v9 =	vmul.f32 $3.124999920e-07, v9;
	v13 =	vmul.f32 v11, v11;
	v10 =	vsub.f32 v10, v12  }
0x62: {  	v11 =	vld [tilespmem:s25+$0xFFFFFF90]  }
0x63: {  	s28 =	simm.s32 $0x680;
	v12 =	vld [tilespmem:s25+$0xFFFFFFB0];
	v7 =	vadd.f32 v9, v7;
	v9 =	vmul.f32 $3.124999920e-07, v13;
	v10 =	vmul.f32 v10, v10  }
.LBB2_3:
0x64: {  	p0 =	sne.s32 s28, $0x11C0;
	v13 =	vld [tilespmem:s25+$0xFFFFFFA0]  }
0x65: {  	v14 =	vld [tilespmem:s25+$0xFFFFFFC0];
	v7 =	vadd.f32 v9, v7;
	v9 =	vmul.f32 v0, v10  }
0x66: {  	v10 =	vld [tilespmem:s24+$0xB5E0]  }
0x67: {  	v15 =	vld [tilespmem:s25+$0xFFFFFFE0];
	v7 =	vadd.f32 v9, v7  }
0x68: {  	v9 =	vadd.f32 v12, v11;
	v11 =	vld [tilespmem:s24+$0xB5F0]  }
0x69: {  	v12 =	vld [tilespmem:s25+$0x0]  }
0x6a: {  	v8 =	vadd.f32 v8, v9;
	v9 =	vadd.f32 v14, v13;
	v13 =	vld [tilespmem:s24+$0xB600]  }
0x6b: {  	v14 =	vld [tilespmem:s25+$0x20];
	v6 =	vadd.f32 v10, v6  }
0x6c: {  	v5 =	vadd.f32 v5, v8;
	v8 =	vadd.f32 v15, v9;
	v9 =	vld [tilespmem:s24+$0xB610]  }
0x6d: {  	v10 =	vld [tilespmem:s25+$0x40];
	v6 =	vadd.f32 v11, v6  }
0x6e: {  	v4 =	vadd.f32 v4, v5;
	v5 =	vadd.f32 v12, v8;
	v8 =	vld [tilespmem:s24+$0xB620]  }
0x6f: {  	v11 =	vld [tilespmem:s25+$0x60];
	v6 =	vadd.f32 v13, v6  }
0x70: {  	v3 =	vadd.f32 v3, v4;
	v4 =	vadd.f32 v14, v5;
	v5 =	vld [tilespmem:s25+$0x80]  }
0x71: {  	v6 =	vadd.f32 v9, v6;
	v9 =	vld [tilespmem:s24+$0xB630]  }
0x72: {  	v12 =	vld [tilespmem:s25+$0xFFFFFF70];
	v2 =	vadd.f32 v2, v3;
	v3 =	vadd.f32 v10, v4  }
0x73: {  	v4 =	vadd.f32 v8, v6;
	v6 =	vld [tilespmem:s24+$0xB640]  }
0x74: {  	v2 =	vadd.f32 v1, v2;
	v3 =	vadd.f32 v11, v3;
	v10 =	vld [tilespmem:s24+$0xB5C0]  }
0x75: {  	v8 =	vld [tilespmem:s25+$0xFFFFFF80];
	s25 =	sadd.s32 $0x120, s25  }
0x76: {  	v1 =	vld [tilespmem:s25+$0x70];
	v11 =	vmul.f32 $1.250000000e-01, v2;
	v5 =	vadd.f32 v5, v3;
	v4 =	vadd.f32 v9, v4  }
0x77: {  	v2 =	vld [tilespmem:s25+$0x50]  }
0x78: {  	v3 =	vld [tilespmem:s25+$0x30];
	v9 =	vsub.f32 v12, v11;
	v11 =	vmul.f32 $1.250000000e-01, v5;
	v6 =	vadd.f32 v6, v4  }
0x79: {  	v4 =	vld [tilespmem:s25+$0x10]  }
.Ltmp2:
0x7a: {  	s24 =	sshra.s32 s28, $0x2;
	v5 =	vld [tilespmem:s25+$0xFFFFFFF0];
	v9 =	vmul.f32 v9, v9;
	v11 =	vsub.f32 v8, v11;
	v12 =	vmul.f32 $1.250000000e-01, v6;
	(pc) =	sbr.rel @p0 .LBB2_3-.Ltmp2, $4  }
0x7b: {  	v6 =	vld [tilespmem:s24+$0xB5D0]  }
0x7c: {  	v8 =	vld [tilespmem:s25+$0xFFFFFFD0];
	v9 =	vmul.f32 $3.124999920e-07, v9;
	v13 =	vmul.f32 v11, v11;
	v10 =	vsub.f32 v10, v12  }
0x7d: {  	v11 =	vld [tilespmem:s25+$0xFFFFFF90]  }
0x7e: {  	s28 =	sadd.s32 $0x240, s28;
	v12 =	vld [tilespmem:s25+$0xFFFFFFB0];
	v7 =	vadd.f32 v9, v7;
	v9 =	vmul.f32 $3.124999920e-07, v13;
	v10 =	vmul.f32 v10, v10  }
0x7f: {  	v13 =	vld [tilespmem:s25+$0xFFFFFFA0]  }
0x80: {  	v14 =	vld [tilespmem:s25+$0xFFFFFFC0]  }
0x81: {  	v15 =	vld [tilespmem:s24+$0xB5E0]  }
0x82: {  	v16 =	vld [tilespmem:s25+$0xFFFFFFE0]  }
0x83: {  	v17 =	vld [tilespmem:s24+$0xB5F0]  }
0x84: {  	v18 =	vld [tilespmem:s25+$0x0]  }
0x85: {  	v19 =	vld [tilespmem:s24+$0xB600]  }
0x86: {  	v20 =	vld [tilespmem:s25+$0x20]  }
0x87: {  	v21 =	vld [tilespmem:s24+$0xB610]  }
0x88: {  	v22 =	vld [tilespmem:s25+$0x40]  }
0x89: {  	v23 =	vld [tilespmem:s24+$0xB620]  }
0x8a: {  	v24 =	vld [tilespmem:s25+$0x60]  }
0x8b: {  	v25 =	vld [tilespmem:s25+$0x80]  }
0x8c: {  	v26 =	vld [tilespmem:s24+$0xB630];
	p0 =	seq.s32 s22, $0x30  }
0x8d: {  	v27 =	vld [tilespmem:s25+$0xFFFFFF70];
	s28 =	smul.u32 @!p0 $0x900, s22  }
0x8e: {  	v28 =	vld [tilespmem:s24+$0xB640]  }
0x8f: {  	v29 =	vld [tilespmem:s24+$0xB5C0];
	s24 =	sshra.s32 @!p0 s28, $0x2  }
0x90: {  	v30 =	vld [tilespmem:s25+$0xFFFFFF80];
	s29 =	simm.s32 @!p0 $0x6E40;
	s28 =	simm.s32 @!p0 $0x48;
	s25 =	sadd.s32 @!p0 $0x240, s24  }
0x91: {  	[tilespmem:s29], [sflag:$0x1] =	stream.indirect.gather @!p0 [hbm4b:s3+s28], $0x20, s25, s28, $0xb8;
	[tilespmem:$0xDA50] =	vst v63  }
0x92: {  	s29 =	simm.s32 @!p0 $0xB640  }
0x93: {  	[tilespmem:s29], [sflag:$0x1] =	stream.indirect.gather @!p0 [hbm4b:s4+s28], $0x10, s25, s28, $0xb8;
	[tilespmem:$0xDA50] =	vst v63  }
0x94: {  	_ =	swait.ge [sflag:s10], $0x900  }
0x95: {  	[sflag:s10] =	ssyncset.done $0x0  }
0x96: {  	[sflag:s10] =	ssyncadd.s32 $0xFFFFF700  }
0x97: {  	_ =	swait.ge [sflag:s10], $0x480  }
0x98: {  	[sflag:s10] =	ssyncset.done $0x0  }
0x99: {  	s25 =	simm.s32 $0x7850;
	[sflag:s10] =	ssyncadd.s32 $0xFFFFFB80  }
0x9a: {  	v31 =	vld [tilespmem:s25+$0xFFFFFFF0]  }
0x9b: {  	v32 =	vld [tilespmem:s25+$0xFFFFFFD0]  }
0x9c: {  	v11 =	vadd.f32 v12, v11;
	v12 =	vld [tilespmem:s25+$0xFFFFFFB0]  }
0x9d: {  	v33 =	vld [tilespmem:s25+$0xFFFFFF90]  }
0x9e: {  	v8 =	vadd.f32 v8, v11;
	v11 =	vadd.f32 v14, v13;
	s28 =	simm.s32 $0x0;
	v13 =	vld [tilespmem:s25+$0xFFFFFF70]  }
0x9f: {  	v6 =	vadd.f32 v15, v6;
	v14 =	vld [tilespmem:s28+$0xBAD0]  }
0xa0: {  	v5 =	vadd.f32 v5, v8;
	v8 =	vadd.f32 v16, v11;
	v11 =	vld [tilespmem:s25+$0xFFFFFF50]  }
0xa1: {  	v6 =	vadd.f32 v17, v6;
	v15 =	vld [tilespmem:s25+$0xFFFFFF10]  }
0xa2: {  	v4 =	vadd.f32 v4, v5;
	v5 =	vadd.f32 v18, v8;
	v8 =	vld [tilespmem:s25+$0xFFFFFF30]  }
0xa3: {  	v7 =	vadd.f32 v9, v7;
	v9 =	vmul.f32 v0, v10;
	v6 =	vadd.f32 v19, v6;
	v10 =	vld [tilespmem:s25+$0xFFFFFF20]  }
0xa4: {  	v3 =	vadd.f32 v3, v4;
	v4 =	vadd.f32 v20, v5;
	v5 =	vld [tilespmem:s25+$0xFFFFFF40]  }
0xa5: {  	v7 =	vadd.f32 v9, v7;
	v6 =	vadd.f32 v21, v6;
	v9 =	vld [tilespmem:s28+$0xBAE0]  }
0xa6: {  	v2 =	vadd.f32 v2, v3;
	v3 =	vadd.f32 v22, v4;
	v4 =	vld [tilespmem:s25+$0xFFFFFF60]  }
0xa7: {  	v6 =	vadd.f32 v23, v6;
	v8 =	vadd.f32 v8, v15;
	v15 =	vld [tilespmem:s28+$0xBAF0]  }
0xa8: {  	v1 =	vadd.f32 v1, v2;
	v2 =	vadd.f32 v24, v3;
	v3 =	vld [tilespmem:s25+$0xFFFFFF80]  }
0xa9: {  	v5 =	vadd.f32 v5, v10;
	v10 =	vld [tilespmem:s28+$0xBB00];
	v8 =	vadd.f32 v11, v8  }
0xaa: {  	v6 =	vadd.f32 v26, v6;
	v9 =	vadd.f32 v9, v14;
	v11 =	vld [tilespmem:s25+$0xFFFFFFA0]  }
0xab: {  	v4 =	vadd.f32 v4, v5;
	v5 =	vld [tilespmem:s28+$0xBB10];
	v8 =	vadd.f32 v13, v8  }
0xac: {  	v6 =	vadd.f32 v28, v6;
	v13 =	vld [tilespmem:s25+$0xFFFFFFC0];
	v9 =	vadd.f32 v15, v9  }
0xad: {  	v3 =	vadd.f32 v3, v4;
	v4 =	vld [tilespmem:s28+$0xBB20];
	v8 =	vadd.f32 v33, v8  }
0xae: {  	v2 =	vadd.f32 v25, v2;
	v1 =	vmul.f32 $1.250000000e-01, v1;
	v9 =	vadd.f32 v10, v9;
	v10 =	vld [tilespmem:s25+$0xFFFFFFE0]  }
0xaf: {  	v3 =	vadd.f32 v11, v3;
	v11 =	vld [tilespmem:s25+$0x0];
	v8 =	vadd.f32 v12, v8  }
0xb0: {  	v1 =	vsub.f32 v27, v1;
	v2 =	vmul.f32 $1.250000000e-01, v2;
	v5 =	vadd.f32 v5, v9;
	v9 =	vld [tilespmem:s28+$0xBB30]  }
0xb1: {  	v6 =	vmul.f32 $1.250000000e-01, v6;
	v12 =	vld [tilespmem:s25+$0xFFFFFEF0];
	v3 =	vadd.f32 v13, v3;
	v8 =	vadd.f32 v32, v8  }
0xb2: {  	v1 =	vmul.f32 v1, v1;
	v2 =	vsub.f32 v30, v2;
	v4 =	vadd.f32 v4, v5;
	v5 =	vld [tilespmem:s28+$0xBB40]  }
0xb3: {  	v14 =	vld [tilespmem:s25+$0xFFFFFF00];
	s25 =	simm.s32 $0x7970;
	v8 =	vadd.f32 v31, v8;
	v3 =	vadd.f32 v10, v3  }
0xb4: {  	v6 =	vsub.f32 v29, v6;
	v2 =	vmul.f32 v2, v2;
	v13 =	vmul.f32 $3.124999920e-07, v1;
	v1 =	vld [tilespmem:s25+$0xFFFFFFF0]  }
0xb5: {  	v10 =	vld [tilespmem:s28+$0xBAC0];
	v8 =	vmul.f32 $1.250000000e-01, v8;
	v11 =	vadd.f32 v11, v3;
	v4 =	vadd.f32 v9, v4  }
0xb6: {  	v6 =	vmul.f32 v6, v6;
	v7 =	vadd.f32 v13, v7;
	v9 =	vmul.f32 $3.124999920e-07, v2;
	v2 =	vld [tilespmem:s25+$0xFFFFFFD0]  }
0xb7: {  	v3 =	vld [tilespmem:s25+$0xFFFFFFB0];
	v8 =	vsub.f32 v12, v8;
	v11 =	vmul.f32 $1.250000000e-01, v11;
	v12 =	vadd.f32 v5, v4  }
0xb8: {  	v6 =	vmul.f32 v0, v6;
	v7 =	vadd.f32 v9, v7;
	v4 =	vld [tilespmem:s25+$0xFFFFFF90]  }
0xb9: {  	s28 =	simm.s32 $0x90;
	v5 =	vld [tilespmem:s25+$0xFFFFFF70];
	v8 =	vmul.f32 v8, v8;
	v9 =	vsub.f32 v14, v11;
	v11 =	vmul.f32 $1.250000000e-01, v12  }
0xba: {  	v13 =	vadd.f32 v6, v7;
	v6 =	vld [tilespmem:s28+$0xBAD0]  }
0xbb: {  	v7 =	vld [tilespmem:s25+$0xFFFFFF50];
	v8 =	vmul.f32 $3.124999920e-07, v8;
	v9 =	vmul.f32 v9, v9;
	v10 =	vsub.f32 v10, v11  }
0xbc: {  	v12 =	vld [tilespmem:s25+$0xFFFFFF30]  }
0xbd: {  	s29 =	simm.s32 $0x480;
	v11 =	vld [tilespmem:s25+$0xFFFFFF10];
	v8 =	vadd.f32 v8, v13;
	v9 =	vmul.f32 $3.124999920e-07, v9;
	v10 =	vmul.f32 v10, v10  }
.LBB2_5:
0xbe: {  	p1 =	sne.s32 s29, $0xFC0;
	v13 =	vld [tilespmem:s25+$0xFFFFFF20]  }
0xbf: {  	v14 =	vld [tilespmem:s25+$0xFFFFFF40];
	v8 =	vadd.f32 v9, v8;
	v9 =	vmul.f32 v0, v10  }
0xc0: {  	v10 =	vld [tilespmem:s28+$0xBAE0]  }
0xc1: {  	v15 =	vld [tilespmem:s25+$0xFFFFFF60];
	v8 =	vadd.f32 v9, v8  }
0xc2: {  	v9 =	vadd.f32 v12, v11;
	v11 =	vld [tilespmem:s28+$0xBAF0]  }
0xc3: {  	v12 =	vld [tilespmem:s25+$0xFFFFFF80]  }
0xc4: {  	v7 =	vadd.f32 v7, v9;
	v9 =	vadd.f32 v14, v13;
	v13 =	vld [tilespmem:s28+$0xBB00]  }
0xc5: {  	v14 =	vld [tilespmem:s25+$0xFFFFFFA0];
	v6 =	vadd.f32 v10, v6  }
0xc6: {  	v5 =	vadd.f32 v5, v7;
	v7 =	vadd.f32 v15, v9;
	v9 =	vld [tilespmem:s28+$0xBB10]  }
0xc7: {  	v10 =	vld [tilespmem:s25+$0xFFFFFFC0];
	v6 =	vadd.f32 v11, v6  }
0xc8: {  	v4 =	vadd.f32 v4, v5;
	v5 =	vadd.f32 v12, v7;
	v7 =	vld [tilespmem:s28+$0xBB20]  }
0xc9: {  	v11 =	vld [tilespmem:s25+$0xFFFFFFE0];
	v6 =	vadd.f32 v13, v6  }
0xca: {  	v3 =	vadd.f32 v3, v4;
	v4 =	vadd.f32 v14, v5;
	v5 =	vld [tilespmem:s25+$0x0]  }
0xcb: {  	v6 =	vadd.f32 v9, v6;
	v9 =	vld [tilespmem:s28+$0xBB30]  }
0xcc: {  	v12 =	vld [tilespmem:s25+$0xFFFFFEF0];
	v2 =	vadd.f32 v2, v3;
	v3 =	vadd.f32 v10, v4  }
0xcd: {  	v4 =	vadd.f32 v7, v6;
	v6 =	vld [tilespmem:s28+$0xBB40]  }
0xce: {  	v2 =	vadd.f32 v1, v2;
	v3 =	vadd.f32 v11, v3;
	v10 =	vld [tilespmem:s28+$0xBAC0]  }
0xcf: {  	v7 =	vld [tilespmem:s25+$0xFFFFFF00];
	s25 =	sadd.s32 $0x120, s25  }
0xd0: {  	v1 =	vld [tilespmem:s25+$0xFFFFFFF0];
	v11 =	vmul.f32 $1.250000000e-01, v2;
	v5 =	vadd.f32 v5, v3;
	v4 =	vadd.f32 v9, v4  }
0xd1: {  	v2 =	vld [tilespmem:s25+$0xFFFFFFD0]  }
0xd2: {  	v3 =	vld [tilespmem:s25+$0xFFFFFFB0];
	v9 =	vsub.f32 v12, v11;
	v11 =	vmul.f32 $1.250000000e-01, v5;
	v6 =	vadd.f32 v6, v4  }
0xd3: {  	v4 =	vld [tilespmem:s25+$0xFFFFFF90]  }
.Ltmp3:
0xd4: {  	s28 =	sshra.s32 s29, $0x2;
	v5 =	vld [tilespmem:s25+$0xFFFFFF70];
	v9 =	vmul.f32 v9, v9;
	v11 =	vsub.f32 v7, v11;
	v12 =	vmul.f32 $1.250000000e-01, v6;
	(pc) =	sbr.rel @p1 .LBB2_5-.Ltmp3, $4  }
0xd5: {  	v6 =	vld [tilespmem:s28+$0xBAD0]  }
0xd6: {  	v7 =	vld [tilespmem:s25+$0xFFFFFF50];
	v9 =	vmul.f32 $3.124999920e-07, v9;
	v13 =	vmul.f32 v11, v11;
	v10 =	vsub.f32 v10, v12  }
0xd7: {  	v11 =	vld [tilespmem:s25+$0xFFFFFF10]  }
0xd8: {  	s29 =	sadd.s32 $0x240, s29;
	v12 =	vld [tilespmem:s25+$0xFFFFFF30];
	v8 =	vadd.f32 v9, v8;
	v9 =	vmul.f32 $3.124999920e-07, v13;
	v10 =	vmul.f32 v10, v10  }
0xd9: {  	v13 =	vld [tilespmem:s25+$0xFFFFFF20]  }
0xda: {  	v14 =	vld [tilespmem:s25+$0xFFFFFF40]  }
0xdb: {  	v15 =	vld [tilespmem:s28+$0xBAE0]  }
0xdc: {  	v16 =	vld [tilespmem:s25+$0xFFFFFF60]  }
0xdd: {  	v17 =	vld [tilespmem:s28+$0xBAF0]  }
0xde: {  	v18 =	vld [tilespmem:s25+$0xFFFFFF80]  }
0xdf: {  	v19 =	vld [tilespmem:s28+$0xBB00]  }
0xe0: {  	v20 =	vld [tilespmem:s25+$0xFFFFFFA0]  }
0xe1: {  	v21 =	vld [tilespmem:s28+$0xBB10]  }
0xe2: {  	v22 =	vld [tilespmem:s25+$0xFFFFFFC0]  }
0xe3: {  	v23 =	vld [tilespmem:s28+$0xBB20]  }
0xe4: {  	v24 =	vld [tilespmem:s25+$0xFFFFFFE0]  }
0xe5: {  	v25 =	vld [tilespmem:s25+$0x0]  }
0xe6: {  	v26 =	vld [tilespmem:s28+$0xBB30]  }
0xe7: {  	v27 =	vld [tilespmem:s25+$0xFFFFFEF0]  }
0xe8: {  	v28 =	vld [tilespmem:s28+$0xBB40]  }
0xe9: {  	v29 =	vld [tilespmem:s28+$0xBAC0]  }
0xea: {  	v30 =	vld [tilespmem:s25+$0xFFFFFF00];
	s25 =	sadd.s32 @!p0 $0x288, s24;
	s28 =	simm.s32 @!p0 $0x48;
	s29 =	simm.s32 @!p0 $0x7740  }
0xeb: {  	[tilespmem:s29], [sflag:$0x2] =	stream.indirect.gather @!p0 [hbm4b:s3+s28], $0x20, s25, s28, $0xb8;
	[tilespmem:$0xDA50] =	vst v63  }
0xec: {  	s29 =	simm.s32 @!p0 $0xBAC0  }
0xed: {  	[tilespmem:s29], [sflag:$0x2] =	stream.indirect.gather @!p0 [hbm4b:s4+s28], $0x10, s25, s28, $0xb8;
	[tilespmem:$0xDA50] =	vst v63  }
0xee: {  	_ =	swait.ge [sflag:s11], $0x900  }
0xef: {  	[sflag:s11] =	ssyncset.done $0x0  }
0xf0: {  	[sflag:s11] =	ssyncadd.s32 $0xFFFFF700  }
0xf1: {  	_ =	swait.ge [sflag:s11], $0x480  }
0xf2: {  	[sflag:s11] =	ssyncset.done $0x0  }
0xf3: {  	s25 =	simm.s32 $0x8150;
	[sflag:s11] =	ssyncadd.s32 $0xFFFFFB80  }
0xf4: {  	v31 =	vld [tilespmem:s25+$0xFFFFFFF0]  }
0xf5: {  	v32 =	vld [tilespmem:s25+$0xFFFFFFD0]  }
0xf6: {  	v11 =	vadd.f32 v12, v11;
	v12 =	vld [tilespmem:s25+$0xFFFFFFB0]  }
0xf7: {  	v33 =	vld [tilespmem:s25+$0xFFFFFF90]  }
0xf8: {  	s28 =	simm.s32 $0x0;
	v7 =	vadd.f32 v7, v11;
	v11 =	vadd.f32 v14, v13;
	v13 =	vld [tilespmem:s25+$0xFFFFFF70]  }
0xf9: {  	v6 =	vadd.f32 v15, v6;
	v14 =	vld [tilespmem:s28+$0xBF50]  }
0xfa: {  	v5 =	vadd.f32 v5, v7;
	v7 =	vadd.f32 v16, v11;
	v11 =	vld [tilespmem:s25+$0xFFFFFF50]  }
0xfb: {  	v6 =	vadd.f32 v17, v6;
	v15 =	vld [tilespmem:s25+$0xFFFFFF10]  }
0xfc: {  	v4 =	vadd.f32 v4, v5;
	v5 =	vadd.f32 v18, v7;
	v7 =	vld [tilespmem:s25+$0xFFFFFF30]  }
0xfd: {  	v8 =	vadd.f32 v9, v8;
	v9 =	vmul.f32 v0, v10;
	v6 =	vadd.f32 v19, v6;
	v10 =	vld [tilespmem:s25+$0xFFFFFF20]  }
0xfe: {  	v3 =	vadd.f32 v3, v4;
	v4 =	vadd.f32 v20, v5;
	v5 =	vld [tilespmem:s25+$0xFFFFFF40]  }
0xff: {  	v8 =	vadd.f32 v9, v8;
	v9 =	vld [tilespmem:s28+$0xBF60];
	v6 =	vadd.f32 v21, v6  }
0x100: {  	v2 =	vadd.f32 v2, v3;
	v3 =	vadd.f32 v22, v4;
	v4 =	vld [tilespmem:s25+$0xFFFFFF60]  }
0x101: {  	v6 =	vadd.f32 v23, v6;
	v7 =	vadd.f32 v7, v15;
	v15 =	vld [tilespmem:s28+$0xBF70]  }
0x102: {  	v1 =	vadd.f32 v1, v2;
	v2 =	vadd.f32 v24, v3;
	v3 =	vld [tilespmem:s25+$0xFFFFFF80]  }
0x103: {  	v7 =	vadd.f32 v11, v7;
	v5 =	vadd.f32 v5, v10;
	v10 =	vld [tilespmem:s28+$0xBF80]  }
0x104: {  	v9 =	vadd.f32 v9, v14;
	v6 =	vadd.f32 v26, v6;
	v11 =	vld [tilespmem:s25+$0xFFFFFFA0]  }
0x105: {  	v7 =	vadd.f32 v13, v7;
	v4 =	vadd.f32 v4, v5;
	v5 =	vld [tilespmem:s28+$0xBF90]  }
0x106: {  	v6 =	vadd.f32 v28, v6;
	v13 =	vld [tilespmem:s25+$0xFFFFFFC0];
	v9 =	vadd.f32 v15, v9  }
0x107: {  	v7 =	vadd.f32 v33, v7;
	v3 =	vadd.f32 v3, v4;
	v4 =	vld [tilespmem:s28+$0xBFA0]  }
0x108: {  	v2 =	vadd.f32 v25, v2;
	v1 =	vmul.f32 $1.250000000e-01, v1;
	v9 =	vadd.f32 v10, v9;
	v10 =	vld [tilespmem:s25+$0xFFFFFFE0]  }
0x109: {  	v7 =	vadd.f32 v12, v7;
	v3 =	vadd.f32 v11, v3;
	v11 =	vld [tilespmem:s25+$0x0]  }
0x10a: {  	v1 =	vsub.f32 v27, v1;
	v2 =	vmul.f32 $1.250000000e-01, v2;
	v5 =	vadd.f32 v5, v9;
	v9 =	vld [tilespmem:s28+$0xBFB0]  }
0x10b: {  	v6 =	vmul.f32 $1.250000000e-01, v6;
	v12 =	vld [tilespmem:s25+$0xFFFFFEF0];
	v7 =	vadd.f32 v32, v7;
	v3 =	vadd.f32 v13, v3  }
0x10c: {  	v1 =	vmul.f32 v1, v1;
	v2 =	vsub.f32 v30, v2;
	v4 =	vadd.f32 v4, v5;
	v5 =	vld [tilespmem:s28+$0xBFC0]  }
0x10d: {  	v14 =	vld [tilespmem:s25+$0xFFFFFF00];
	s25 =	simm.s32 $0x8270;
	v7 =	vadd.f32 v31, v7;
	v3 =	vadd.f32 v10, v3  }
0x10e: {  	v6 =	vsub.f32 v29, v6;
	v2 =	vmul.f32 v2, v2;
	v13 =	vmul.f32 $3.124999920e-07, v1;
	v1 =	vld [tilespmem:s25+$0xFFFFFFF0]  }
0x10f: {  	v10 =	vld [tilespmem:s28+$0xBF40];
	v7 =	vmul.f32 $1.250000000e-01, v7;
	v11 =	vadd.f32 v11, v3;
	v4 =	vadd.f32 v9, v4  }
0x110: {  	v6 =	vmul.f32 v6, v6;
	v8 =	vadd.f32 v13, v8;
	v9 =	vmul.f32 $3.124999920e-07, v2;
	v2 =	vld [tilespmem:s25+$0xFFFFFFD0]  }
0x111: {  	v3 =	vld [tilespmem:s25+$0xFFFFFFB0];
	v7 =	vsub.f32 v12, v7;
	v11 =	vmul.f32 $1.250000000e-01, v11;
	v12 =	vadd.f32 v5, v4  }
0x112: {  	v6 =	vmul.f32 v0, v6;
	v8 =	vadd.f32 v9, v8;
	v4 =	vld [tilespmem:s25+$0xFFFFFF90]  }
0x113: {  	s28 =	simm.s32 $0x90;
	v5 =	vld [tilespmem:s25+$0xFFFFFF70];
	v9 =	vmul.f32 v7, v7;
	v11 =	vsub.f32 v14, v11;
	v12 =	vmul.f32 $1.250000000e-01, v12  }
0x114: {  	v8 =	vadd.f32 v6, v8;
	v6 =	vld [tilespmem:s28+$0xBF50]  }
0x115: {  	v7 =	vld [tilespmem:s25+$0xFFFFFF50];
	v9 =	vmul.f32 $3.124999920e-07, v9;
	v13 =	vmul.f32 v11, v11;
	v10 =	vsub.f32 v10, v12  }
0x116: {  	v11 =	vld [tilespmem:s25+$0xFFFFFF10]  }
0x117: {  	s29 =	simm.s32 $0x480;
	v12 =	vld [tilespmem:s25+$0xFFFFFF30];
	v8 =	vadd.f32 v9, v8;
	v9 =	vmul.f32 $3.124999920e-07, v13;
	v10 =	vmul.f32 v10, v10  }
.LBB2_7:
0x118: {  	p1 =	sne.s32 s29, $0xFC0;
	v13 =	vld [tilespmem:s25+$0xFFFFFF20]  }
0x119: {  	v14 =	vld [tilespmem:s25+$0xFFFFFF40];
	v8 =	vadd.f32 v9, v8;
	v9 =	vmul.f32 v0, v10  }
0x11a: {  	v10 =	vld [tilespmem:s28+$0xBF60]  }
0x11b: {  	v15 =	vld [tilespmem:s25+$0xFFFFFF60];
	v8 =	vadd.f32 v9, v8  }
0x11c: {  	v9 =	vadd.f32 v12, v11;
	v11 =	vld [tilespmem:s28+$0xBF70]  }
0x11d: {  	v12 =	vld [tilespmem:s25+$0xFFFFFF80]  }
0x11e: {  	v7 =	vadd.f32 v7, v9;
	v9 =	vadd.f32 v14, v13;
	v13 =	vld [tilespmem:s28+$0xBF80]  }
0x11f: {  	v14 =	vld [tilespmem:s25+$0xFFFFFFA0];
	v6 =	vadd.f32 v10, v6  }
0x120: {  	v5 =	vadd.f32 v5, v7;
	v7 =	vadd.f32 v15, v9;
	v9 =	vld [tilespmem:s28+$0xBF90]  }
0x121: {  	v10 =	vld [tilespmem:s25+$0xFFFFFFC0];
	v6 =	vadd.f32 v11, v6  }
0x122: {  	v4 =	vadd.f32 v4, v5;
	v5 =	vadd.f32 v12, v7;
	v7 =	vld [tilespmem:s28+$0xBFA0]  }
0x123: {  	v11 =	vld [tilespmem:s25+$0xFFFFFFE0];
	v6 =	vadd.f32 v13, v6  }
0x124: {  	v3 =	vadd.f32 v3, v4;
	v4 =	vadd.f32 v14, v5;
	v5 =	vld [tilespmem:s25+$0x0]  }
0x125: {  	v6 =	vadd.f32 v9, v6;
	v9 =	vld [tilespmem:s28+$0xBFB0]  }
0x126: {  	v12 =	vld [tilespmem:s25+$0xFFFFFEF0];
	v2 =	vadd.f32 v2, v3;
	v3 =	vadd.f32 v10, v4  }
0x127: {  	v4 =	vadd.f32 v7, v6;
	v6 =	vld [tilespmem:s28+$0xBFC0]  }
0x128: {  	v2 =	vadd.f32 v1, v2;
	v3 =	vadd.f32 v11, v3;
	v10 =	vld [tilespmem:s28+$0xBF40]  }
0x129: {  	v7 =	vld [tilespmem:s25+$0xFFFFFF00];
	s25 =	sadd.s32 $0x120, s25  }
0x12a: {  	v1 =	vld [tilespmem:s25+$0xFFFFFFF0];
	v11 =	vmul.f32 $1.250000000e-01, v2;
	v5 =	vadd.f32 v5, v3;
	v4 =	vadd.f32 v9, v4  }
0x12b: {  	v2 =	vld [tilespmem:s25+$0xFFFFFFD0]  }
0x12c: {  	v3 =	vld [tilespmem:s25+$0xFFFFFFB0];
	v9 =	vsub.f32 v12, v11;
	v11 =	vmul.f32 $1.250000000e-01, v5;
	v6 =	vadd.f32 v6, v4  }
0x12d: {  	v4 =	vld [tilespmem:s25+$0xFFFFFF90]  }
.Ltmp4:
0x12e: {  	s28 =	sshra.s32 s29, $0x2;
	v5 =	vld [tilespmem:s25+$0xFFFFFF70];
	v9 =	vmul.f32 v9, v9;
	v11 =	vsub.f32 v7, v11;
	v12 =	vmul.f32 $1.250000000e-01, v6;
	(pc) =	sbr.rel @p1 .LBB2_7-.Ltmp4, $4  }
0x12f: {  	v6 =	vld [tilespmem:s28+$0xBF50]  }
0x130: {  	v7 =	vld [tilespmem:s25+$0xFFFFFF50];
	v9 =	vmul.f32 $3.124999920e-07, v9;
	v13 =	vmul.f32 v11, v11;
	v10 =	vsub.f32 v10, v12  }
0x131: {  	v11 =	vld [tilespmem:s25+$0xFFFFFF10]  }
0x132: {  	s29 =	sadd.s32 $0x240, s29;
	v12 =	vld [tilespmem:s25+$0xFFFFFF30];
	v8 =	vadd.f32 v9, v8;
	v9 =	vmul.f32 $3.124999920e-07, v13;
	v10 =	vmul.f32 v10, v10  }
0x133: {  	v13 =	vld [tilespmem:s25+$0xFFFFFF20]  }
0x134: {  	v14 =	vld [tilespmem:s25+$0xFFFFFF40]  }
0x135: {  	v15 =	vld [tilespmem:s28+$0xBF60]  }
0x136: {  	v16 =	vld [tilespmem:s25+$0xFFFFFF60]  }
0x137: {  	v17 =	vld [tilespmem:s28+$0xBF70]  }
0x138: {  	v18 =	vld [tilespmem:s25+$0xFFFFFF80]  }
0x139: {  	v19 =	vld [tilespmem:s28+$0xBF80]  }
0x13a: {  	v20 =	vld [tilespmem:s25+$0xFFFFFFA0]  }
0x13b: {  	v21 =	vld [tilespmem:s28+$0xBF90]  }
0x13c: {  	v22 =	vld [tilespmem:s25+$0xFFFFFFC0]  }
0x13d: {  	v23 =	vld [tilespmem:s28+$0xBFA0]  }
0x13e: {  	v24 =	vld [tilespmem:s25+$0xFFFFFFE0]  }
0x13f: {  	v25 =	vld [tilespmem:s25+$0x0]  }
0x140: {  	v26 =	vld [tilespmem:s28+$0xBFB0]  }
0x141: {  	v27 =	vld [tilespmem:s25+$0xFFFFFEF0]  }
0x142: {  	v28 =	vld [tilespmem:s28+$0xBFC0]  }
0x143: {  	v29 =	vld [tilespmem:s28+$0xBF40]  }
0x144: {  	v30 =	vld [tilespmem:s25+$0xFFFFFF00];
	s25 =	sadd.s32 @!p0 $0x2D0, s24;
	s28 =	simm.s32 @!p0 $0x48;
	s29 =	simm.s32 @!p0 $0x8040  }
0x145: {  	[tilespmem:s29], [sflag:$0x3] =	stream.indirect.gather @!p0 [hbm4b:s3+s28], $0x20, s25, s28, $0xb8;
	[tilespmem:$0xDA50] =	vst v63  }
0x146: {  	s29 =	simm.s32 @!p0 $0xBF40  }
0x147: {  	[tilespmem:s29], [sflag:$0x3] =	stream.indirect.gather @!p0 [hbm4b:s4+s28], $0x10, s25, s28, $0xb8;
	[tilespmem:$0xDA50] =	vst v63  }
0x148: {  	_ =	swait.ge [sflag:s12], $0x900  }
0x149: {  	[sflag:s12] =	ssyncset.done $0x0  }
0x14a: {  	[sflag:s12] =	ssyncadd.s32 $0xFFFFF700  }
0x14b: {  	_ =	swait.ge [sflag:s12], $0x480  }
0x14c: {  	[sflag:s12] =	ssyncset.done $0x0  }
0x14d: {  	s25 =	simm.s32 $0x8A50;
	[sflag:s12] =	ssyncadd.s32 $0xFFFFFB80  }
0x14e: {  	v31 =	vld [tilespmem:s25+$0xFFFFFFF0]  }
0x14f: {  	v32 =	vld [tilespmem:s25+$0xFFFFFFD0]  }
0x150: {  	v11 =	vadd.f32 v12, v11;
	v12 =	vld [tilespmem:s25+$0xFFFFFFB0]  }
0x151: {  	v33 =	vld [tilespmem:s25+$0xFFFFFF90]  }
0x152: {  	s28 =	simm.s32 $0x0;
	v7 =	vadd.f32 v7, v11;
	v11 =	vadd.f32 v14, v13;
	v13 =	vld [tilespmem:s25+$0xFFFFFF70]  }
0x153: {  	v6 =	vadd.f32 v15, v6;
	v14 =	vld [tilespmem:s28+$0xC3D0]  }
0x154: {  	v5 =	vadd.f32 v5, v7;
	v7 =	vadd.f32 v16, v11;
	v11 =	vld [tilespmem:s25+$0xFFFFFF50]  }
0x155: {  	v6 =	vadd.f32 v17, v6;
	v15 =	vld [tilespmem:s25+$0xFFFFFF10]  }
0x156: {  	v4 =	vadd.f32 v4, v5;
	v5 =	vadd.f32 v18, v7;
	v7 =	vld [tilespmem:s25+$0xFFFFFF30]  }
0x157: {  	v8 =	vadd.f32 v9, v8;
	v9 =	vmul.f32 v0, v10;
	v6 =	vadd.f32 v19, v6;
	v10 =	vld [tilespmem:s25+$0xFFFFFF20]  }
0x158: {  	v3 =	vadd.f32 v3, v4;
	v4 =	vadd.f32 v20, v5;
	v5 =	vld [tilespmem:s25+$0xFFFFFF40]  }
0x159: {  	v8 =	vadd.f32 v9, v8;
	v9 =	vld [tilespmem:s28+$0xC3E0];
	v6 =	vadd.f32 v21, v6  }
0x15a: {  	v2 =	vadd.f32 v2, v3;
	v3 =	vadd.f32 v22, v4;
	v4 =	vld [tilespmem:s25+$0xFFFFFF60]  }
0x15b: {  	v6 =	vadd.f32 v23, v6;
	v7 =	vadd.f32 v7, v15;
	v15 =	vld [tilespmem:s28+$0xC3F0]  }
0x15c: {  	v1 =	vadd.f32 v1, v2;
	v2 =	vadd.f32 v24, v3;
	v3 =	vld [tilespmem:s25+$0xFFFFFF80]  }
0x15d: {  	v7 =	vadd.f32 v11, v7;
	v5 =	vadd.f32 v5, v10;
	v10 =	vld [tilespmem:s28+$0xC400]  }
0x15e: {  	v9 =	vadd.f32 v9, v14;
	v6 =	vadd.f32 v26, v6;
	v11 =	vld [tilespmem:s25+$0xFFFFFFA0]  }
0x15f: {  	v7 =	vadd.f32 v13, v7;
	v4 =	vadd.f32 v4, v5;
	v5 =	vld [tilespmem:s28+$0xC410]  }
0x160: {  	v6 =	vadd.f32 v28, v6;
	v13 =	vld [tilespmem:s25+$0xFFFFFFC0];
	v9 =	vadd.f32 v15, v9  }
0x161: {  	v7 =	vadd.f32 v33, v7;
	v3 =	vadd.f32 v3, v4;
	v4 =	vld [tilespmem:s28+$0xC420]  }
0x162: {  	v2 =	vadd.f32 v25, v2;
	v1 =	vmul.f32 $1.250000000e-01, v1;
	v9 =	vadd.f32 v10, v9;
	v10 =	vld [tilespmem:s25+$0xFFFFFFE0]  }
0x163: {  	v7 =	vadd.f32 v12, v7;
	v3 =	vadd.f32 v11, v3;
	v11 =	vld [tilespmem:s25+$0x0]  }
0x164: {  	v1 =	vsub.f32 v27, v1;
	v2 =	vmul.f32 $1.250000000e-01, v2;
	v5 =	vadd.f32 v5, v9;
	v9 =	vld [tilespmem:s28+$0xC430]  }
0x165: {  	v6 =	vmul.f32 $1.250000000e-01, v6;
	v12 =	vld [tilespmem:s25+$0xFFFFFEF0];
	v7 =	vadd.f32 v32, v7;
	v3 =	vadd.f32 v13, v3  }
0x166: {  	v1 =	vmul.f32 v1, v1;
	v2 =	vsub.f32 v30, v2;
	v4 =	vadd.f32 v4, v5;
	v5 =	vld [tilespmem:s28+$0xC440]  }
0x167: {  	v14 =	vld [tilespmem:s25+$0xFFFFFF00];
	s25 =	simm.s32 $0x8B70;
	v7 =	vadd.f32 v31, v7;
	v3 =	vadd.f32 v10, v3  }
0x168: {  	v6 =	vsub.f32 v29, v6;
	v2 =	vmul.f32 v2, v2;
	v13 =	vmul.f32 $3.124999920e-07, v1;
	v1 =	vld [tilespmem:s25+$0xFFFFFFF0]  }
0x169: {  	v10 =	vld [tilespmem:s28+$0xC3C0];
	v7 =	vmul.f32 $1.250000000e-01, v7;
	v11 =	vadd.f32 v11, v3;
	v4 =	vadd.f32 v9, v4  }
0x16a: {  	v6 =	vmul.f32 v6, v6;
	v8 =	vadd.f32 v13, v8;
	v9 =	vmul.f32 $3.124999920e-07, v2;
	v2 =	vld [tilespmem:s25+$0xFFFFFFD0]  }
0x16b: {  	v3 =	vld [tilespmem:s25+$0xFFFFFFB0];
	v7 =	vsub.f32 v12, v7;
	v11 =	vmul.f32 $1.250000000e-01, v11;
	v12 =	vadd.f32 v5, v4  }
0x16c: {  	v6 =	vmul.f32 v0, v6;
	v8 =	vadd.f32 v9, v8;
	v4 =	vld [tilespmem:s25+$0xFFFFFF90]  }
0x16d: {  	s28 =	simm.s32 $0x90;
	v5 =	vld [tilespmem:s25+$0xFFFFFF70];
	v9 =	vmul.f32 v7, v7;
	v11 =	vsub.f32 v14, v11;
	v12 =	vmul.f32 $1.250000000e-01, v12  }
0x16e: {  	v8 =	vadd.f32 v6, v8;
	v6 =	vld [tilespmem:s28+$0xC3D0]  }
0x16f: {  	v7 =	vld [tilespmem:s25+$0xFFFFFF50];
	v9 =	vmul.f32 $3.124999920e-07, v9;
	v13 =	vmul.f32 v11, v11;
	v10 =	vsub.f32 v10, v12  }
0x170: {  	v11 =	vld [tilespmem:s25+$0xFFFFFF10]  }
0x171: {  	s29 =	simm.s32 $0x480;
	v12 =	vld [tilespmem:s25+$0xFFFFFF30];
	v8 =	vadd.f32 v9, v8;
	v9 =	vmul.f32 $3.124999920e-07, v13;
	v10 =	vmul.f32 v10, v10  }
.LBB2_9:
0x172: {  	p1 =	sne.s32 s29, $0xFC0;
	v13 =	vld [tilespmem:s25+$0xFFFFFF20]  }
0x173: {  	v14 =	vld [tilespmem:s25+$0xFFFFFF40];
	v8 =	vadd.f32 v9, v8;
	v9 =	vmul.f32 v0, v10  }
0x174: {  	v10 =	vld [tilespmem:s28+$0xC3E0]  }
0x175: {  	v15 =	vld [tilespmem:s25+$0xFFFFFF60];
	v8 =	vadd.f32 v9, v8  }
0x176: {  	v9 =	vadd.f32 v12, v11;
	v11 =	vld [tilespmem:s28+$0xC3F0]  }
0x177: {  	v12 =	vld [tilespmem:s25+$0xFFFFFF80]  }
0x178: {  	v7 =	vadd.f32 v7, v9;
	v9 =	vadd.f32 v14, v13;
	v13 =	vld [tilespmem:s28+$0xC400]  }
0x179: {  	v14 =	vld [tilespmem:s25+$0xFFFFFFA0];
	v6 =	vadd.f32 v10, v6  }
0x17a: {  	v5 =	vadd.f32 v5, v7;
	v7 =	vadd.f32 v15, v9;
	v9 =	vld [tilespmem:s28+$0xC410]  }
0x17b: {  	v10 =	vld [tilespmem:s25+$0xFFFFFFC0];
	v6 =	vadd.f32 v11, v6  }
0x17c: {  	v4 =	vadd.f32 v4, v5;
	v5 =	vadd.f32 v12, v7;
	v7 =	vld [tilespmem:s28+$0xC420]  }
0x17d: {  	v11 =	vld [tilespmem:s25+$0xFFFFFFE0];
	v6 =	vadd.f32 v13, v6  }
0x17e: {  	v3 =	vadd.f32 v3, v4;
	v4 =	vadd.f32 v14, v5;
	v5 =	vld [tilespmem:s25+$0x0]  }
0x17f: {  	v6 =	vadd.f32 v9, v6;
	v9 =	vld [tilespmem:s28+$0xC430]  }
0x180: {  	v12 =	vld [tilespmem:s25+$0xFFFFFEF0];
	v2 =	vadd.f32 v2, v3;
	v3 =	vadd.f32 v10, v4  }
0x181: {  	v4 =	vadd.f32 v7, v6;
	v6 =	vld [tilespmem:s28+$0xC440]  }
0x182: {  	v2 =	vadd.f32 v1, v2;
	v3 =	vadd.f32 v11, v3;
	v10 =	vld [tilespmem:s28+$0xC3C0]  }
0x183: {  	v7 =	vld [tilespmem:s25+$0xFFFFFF00];
	s25 =	sadd.s32 $0x120, s25  }
0x184: {  	v1 =	vld [tilespmem:s25+$0xFFFFFFF0];
	v11 =	vmul.f32 $1.250000000e-01, v2;
	v5 =	vadd.f32 v5, v3;
	v4 =	vadd.f32 v9, v4  }
0x185: {  	v2 =	vld [tilespmem:s25+$0xFFFFFFD0]  }
0x186: {  	v3 =	vld [tilespmem:s25+$0xFFFFFFB0];
	v9 =	vsub.f32 v12, v11;
	v11 =	vmul.f32 $1.250000000e-01, v5;
	v6 =	vadd.f32 v6, v4  }
0x187: {  	v4 =	vld [tilespmem:s25+$0xFFFFFF90]  }
.Ltmp5:
0x188: {  	s28 =	sshra.s32 s29, $0x2;
	v5 =	vld [tilespmem:s25+$0xFFFFFF70];
	v9 =	vmul.f32 v9, v9;
	v11 =	vsub.f32 v7, v11;
	v12 =	vmul.f32 $1.250000000e-01, v6;
	(pc) =	sbr.rel @p1 .LBB2_9-.Ltmp5, $4  }
0x189: {  	v6 =	vld [tilespmem:s28+$0xC3D0]  }
0x18a: {  	v7 =	vld [tilespmem:s25+$0xFFFFFF50];
	v9 =	vmul.f32 $3.124999920e-07, v9;
	v13 =	vmul.f32 v11, v11;
	v10 =	vsub.f32 v10, v12  }
0x18b: {  	v11 =	vld [tilespmem:s25+$0xFFFFFF10]  }
0x18c: {  	s29 =	sadd.s32 $0x240, s29;
	v12 =	vld [tilespmem:s25+$0xFFFFFF30];
	v8 =	vadd.f32 v9, v8;
	v9 =	vmul.f32 $3.124999920e-07, v13;
	v10 =	vmul.f32 v10, v10  }
0x18d: {  	v13 =	vld [tilespmem:s25+$0xFFFFFF20]  }
0x18e: {  	v14 =	vld [tilespmem:s25+$0xFFFFFF40]  }
0x18f: {  	v15 =	vld [tilespmem:s28+$0xC3E0]  }
0x190: {  	v16 =	vld [tilespmem:s25+$0xFFFFFF60]  }
0x191: {  	v17 =	vld [tilespmem:s28+$0xC3F0]  }
0x192: {  	v18 =	vld [tilespmem:s25+$0xFFFFFF80]  }
0x193: {  	v19 =	vld [tilespmem:s28+$0xC400]  }
0x194: {  	v20 =	vld [tilespmem:s25+$0xFFFFFFA0]  }
0x195: {  	v21 =	vld [tilespmem:s28+$0xC410]  }
0x196: {  	v22 =	vld [tilespmem:s25+$0xFFFFFFC0]  }
0x197: {  	v23 =	vld [tilespmem:s28+$0xC420]  }
0x198: {  	v24 =	vld [tilespmem:s25+$0xFFFFFFE0]  }
0x199: {  	v25 =	vld [tilespmem:s25+$0x0]  }
0x19a: {  	v26 =	vld [tilespmem:s28+$0xC430]  }
0x19b: {  	v27 =	vld [tilespmem:s25+$0xFFFFFEF0]  }
0x19c: {  	v28 =	vld [tilespmem:s28+$0xC440]  }
0x19d: {  	v29 =	vld [tilespmem:s28+$0xC3C0]  }
0x19e: {  	v30 =	vld [tilespmem:s25+$0xFFFFFF00];
	s25 =	sadd.s32 @!p0 $0x318, s24;
	s28 =	simm.s32 @!p0 $0x48;
	s29 =	simm.s32 @!p0 $0x8940  }
0x19f: {  	[tilespmem:s29], [sflag:$0x4] =	stream.indirect.gather @!p0 [hbm4b:s3+s28], $0x20, s25, s28, $0xb8;
	[tilespmem:$0xDA50] =	vst v63  }
0x1a0: {  	s29 =	simm.s32 @!p0 $0xC3C0  }
0x1a1: {  	[tilespmem:s29], [sflag:$0x4] =	stream.indirect.gather @!p0 [hbm4b:s4+s28], $0x10, s25, s28, $0xb8;
	[tilespmem:$0xDA50] =	vst v63  }
0x1a2: {  	_ =	swait.ge [sflag:s13], $0x900  }
0x1a3: {  	[sflag:s13] =	ssyncset.done $0x0  }
0x1a4: {  	[sflag:s13] =	ssyncadd.s32 $0xFFFFF700  }
0x1a5: {  	_ =	swait.ge [sflag:s13], $0x480  }
0x1a6: {  	[sflag:s13] =	ssyncset.done $0x0  }
0x1a7: {  	s25 =	simm.s32 $0x9350;
	[sflag:s13] =	ssyncadd.s32 $0xFFFFFB80  }
0x1a8: {  	v31 =	vld [tilespmem:s25+$0xFFFFFFF0]  }
0x1a9: {  	v32 =	vld [tilespmem:s25+$0xFFFFFFD0]  }
0x1aa: {  	v11 =	vadd.f32 v12, v11;
	v12 =	vld [tilespmem:s25+$0xFFFFFFB0]  }
0x1ab: {  	v33 =	vld [tilespmem:s25+$0xFFFFFF90]  }
0x1ac: {  	s28 =	simm.s32 $0x0;
	v7 =	vadd.f32 v7, v11;
	v11 =	vadd.f32 v14, v13;
	v13 =	vld [tilespmem:s25+$0xFFFFFF70]  }
0x1ad: {  	v6 =	vadd.f32 v15, v6;
	v14 =	vld [tilespmem:s28+$0xC850]  }
0x1ae: {  	v5 =	vadd.f32 v5, v7;
	v7 =	vadd.f32 v16, v11;
	v11 =	vld [tilespmem:s25+$0xFFFFFF50]  }
0x1af: {  	v6 =	vadd.f32 v17, v6;
	v15 =	vld [tilespmem:s25+$0xFFFFFF10]  }
0x1b0: {  	v4 =	vadd.f32 v4, v5;
	v5 =	vadd.f32 v18, v7;
	v7 =	vld [tilespmem:s25+$0xFFFFFF30]  }
0x1b1: {  	v8 =	vadd.f32 v9, v8;
	v9 =	vmul.f32 v0, v10;
	v6 =	vadd.f32 v19, v6;
	v10 =	vld [tilespmem:s25+$0xFFFFFF20]  }
0x1b2: {  	v3 =	vadd.f32 v3, v4;
	v4 =	vadd.f32 v20, v5;
	v5 =	vld [tilespmem:s25+$0xFFFFFF40]  }
0x1b3: {  	v8 =	vadd.f32 v9, v8;
	v9 =	vld [tilespmem:s28+$0xC860];
	v6 =	vadd.f32 v21, v6  }
0x1b4: {  	v2 =	vadd.f32 v2, v3;
	v3 =	vadd.f32 v22, v4;
	v4 =	vld [tilespmem:s25+$0xFFFFFF60]  }
0x1b5: {  	v6 =	vadd.f32 v23, v6;
	v7 =	vadd.f32 v7, v15;
	v15 =	vld [tilespmem:s28+$0xC870]  }
0x1b6: {  	v1 =	vadd.f32 v1, v2;
	v2 =	vadd.f32 v24, v3;
	v3 =	vld [tilespmem:s25+$0xFFFFFF80]  }
0x1b7: {  	v7 =	vadd.f32 v11, v7;
	v5 =	vadd.f32 v5, v10;
	v10 =	vld [tilespmem:s28+$0xC880]  }
0x1b8: {  	v9 =	vadd.f32 v9, v14;
	v6 =	vadd.f32 v26, v6;
	v11 =	vld [tilespmem:s25+$0xFFFFFFA0]  }
0x1b9: {  	v7 =	vadd.f32 v13, v7;
	v4 =	vadd.f32 v4, v5;
	v5 =	vld [tilespmem:s28+$0xC890]  }
0x1ba: {  	v6 =	vadd.f32 v28, v6;
	v13 =	vld [tilespmem:s25+$0xFFFFFFC0];
	v9 =	vadd.f32 v15, v9  }
0x1bb: {  	v7 =	vadd.f32 v33, v7;
	v3 =	vadd.f32 v3, v4;
	v4 =	vld [tilespmem:s28+$0xC8A0]  }
0x1bc: {  	v2 =	vadd.f32 v25, v2;
	v1 =	vmul.f32 $1.250000000e-01, v1;
	v9 =	vadd.f32 v10, v9;
	v10 =	vld [tilespmem:s25+$0xFFFFFFE0]  }
0x1bd: {  	v7 =	vadd.f32 v12, v7;
	v3 =	vadd.f32 v11, v3;
	v11 =	vld [tilespmem:s25+$0x0]  }
0x1be: {  	v1 =	vsub.f32 v27, v1;
	v2 =	vmul.f32 $1.250000000e-01, v2;
	v5 =	vadd.f32 v5, v9;
	v9 =	vld [tilespmem:s28+$0xC8B0]  }
0x1bf: {  	v6 =	vmul.f32 $1.250000000e-01, v6;
	v12 =	vld [tilespmem:s25+$0xFFFFFEF0];
	v7 =	vadd.f32 v32, v7;
	v3 =	vadd.f32 v13, v3  }
0x1c0: {  	v1 =	vmul.f32 v1, v1;
	v2 =	vsub.f32 v30, v2;
	v4 =	vadd.f32 v4, v5;
	v5 =	vld [tilespmem:s28+$0xC8C0]  }
0x1c1: {  	v14 =	vld [tilespmem:s25+$0xFFFFFF00];
	s25 =	simm.s32 $0x9470;
	v7 =	vadd.f32 v31, v7;
	v3 =	vadd.f32 v10, v3  }
0x1c2: {  	v6 =	vsub.f32 v29, v6;
	v2 =	vmul.f32 v2, v2;
	v13 =	vmul.f32 $3.124999920e-07, v1;
	v1 =	vld [tilespmem:s25+$0xFFFFFFF0]  }
0x1c3: {  	v10 =	vld [tilespmem:s28+$0xC840];
	v7 =	vmul.f32 $1.250000000e-01, v7;
	v11 =	vadd.f32 v11, v3;
	v4 =	vadd.f32 v9, v4  }
0x1c4: {  	v6 =	vmul.f32 v6, v6;
	v8 =	vadd.f32 v13, v8;
	v9 =	vmul.f32 $3.124999920e-07, v2;
	v2 =	vld [tilespmem:s25+$0xFFFFFFD0]  }
0x1c5: {  	v3 =	vld [tilespmem:s25+$0xFFFFFFB0];
	v7 =	vsub.f32 v12, v7;
	v11 =	vmul.f32 $1.250000000e-01, v11;
	v12 =	vadd.f32 v5, v4  }
0x1c6: {  	v6 =	vmul.f32 v0, v6;
	v8 =	vadd.f32 v9, v8;
	v4 =	vld [tilespmem:s25+$0xFFFFFF90]  }
0x1c7: {  	s28 =	simm.s32 $0x90;
	v5 =	vld [tilespmem:s25+$0xFFFFFF70];
	v9 =	vmul.f32 v7, v7;
	v11 =	vsub.f32 v14, v11;
	v12 =	vmul.f32 $1.250000000e-01, v12  }
0x1c8: {  	v8 =	vadd.f32 v6, v8;
	v6 =	vld [tilespmem:s28+$0xC850]  }
0x1c9: {  	v7 =	vld [tilespmem:s25+$0xFFFFFF50];
	v9 =	vmul.f32 $3.124999920e-07, v9;
	v13 =	vmul.f32 v11, v11;
	v10 =	vsub.f32 v10, v12  }
0x1ca: {  	v11 =	vld [tilespmem:s25+$0xFFFFFF10]  }
0x1cb: {  	s29 =	simm.s32 $0x480;
	v12 =	vld [tilespmem:s25+$0xFFFFFF30];
	v8 =	vadd.f32 v9, v8;
	v9 =	vmul.f32 $3.124999920e-07, v13;
	v10 =	vmul.f32 v10, v10  }
.LBB2_11:
0x1cc: {  	p1 =	sne.s32 s29, $0xFC0;
	v13 =	vld [tilespmem:s25+$0xFFFFFF20]  }
0x1cd: {  	v14 =	vld [tilespmem:s25+$0xFFFFFF40];
	v8 =	vadd.f32 v9, v8;
	v9 =	vmul.f32 v0, v10  }
0x1ce: {  	v10 =	vld [tilespmem:s28+$0xC860]  }
0x1cf: {  	v15 =	vld [tilespmem:s25+$0xFFFFFF60];
	v8 =	vadd.f32 v9, v8  }
0x1d0: {  	v9 =	vadd.f32 v12, v11;
	v11 =	vld [tilespmem:s28+$0xC870]  }
0x1d1: {  	v12 =	vld [tilespmem:s25+$0xFFFFFF80]  }
0x1d2: {  	v7 =	vadd.f32 v7, v9;
	v9 =	vadd.f32 v14, v13;
	v13 =	vld [tilespmem:s28+$0xC880]  }
0x1d3: {  	v14 =	vld [tilespmem:s25+$0xFFFFFFA0];
	v6 =	vadd.f32 v10, v6  }
0x1d4: {  	v5 =	vadd.f32 v5, v7;
	v7 =	vadd.f32 v15, v9;
	v9 =	vld [tilespmem:s28+$0xC890]  }
0x1d5: {  	v10 =	vld [tilespmem:s25+$0xFFFFFFC0];
	v6 =	vadd.f32 v11, v6  }
0x1d6: {  	v4 =	vadd.f32 v4, v5;
	v5 =	vadd.f32 v12, v7;
	v7 =	vld [tilespmem:s28+$0xC8A0]  }
0x1d7: {  	v11 =	vld [tilespmem:s25+$0xFFFFFFE0];
	v6 =	vadd.f32 v13, v6  }
0x1d8: {  	v3 =	vadd.f32 v3, v4;
	v4 =	vadd.f32 v14, v5;
	v5 =	vld [tilespmem:s25+$0x0]  }
0x1d9: {  	v6 =	vadd.f32 v9, v6;
	v9 =	vld [tilespmem:s28+$0xC8B0]  }
0x1da: {  	v12 =	vld [tilespmem:s25+$0xFFFFFEF0];
	v2 =	vadd.f32 v2, v3;
	v3 =	vadd.f32 v10, v4  }
0x1db: {  	v4 =	vadd.f32 v7, v6;
	v6 =	vld [tilespmem:s28+$0xC8C0]  }
0x1dc: {  	v2 =	vadd.f32 v1, v2;
	v3 =	vadd.f32 v11, v3;
	v10 =	vld [tilespmem:s28+$0xC840]  }
0x1dd: {  	v7 =	vld [tilespmem:s25+$0xFFFFFF00];
	s25 =	sadd.s32 $0x120, s25  }
0x1de: {  	v1 =	vld [tilespmem:s25+$0xFFFFFFF0];
	v11 =	vmul.f32 $1.250000000e-01, v2;
	v5 =	vadd.f32 v5, v3;
	v4 =	vadd.f32 v9, v4  }
0x1df: {  	v2 =	vld [tilespmem:s25+$0xFFFFFFD0]  }
0x1e0: {  	v3 =	vld [tilespmem:s25+$0xFFFFFFB0];
	v9 =	vsub.f32 v12, v11;
	v11 =	vmul.f32 $1.250000000e-01, v5;
	v6 =	vadd.f32 v6, v4  }
0x1e1: {  	v4 =	vld [tilespmem:s25+$0xFFFFFF90]  }
.Ltmp6:
0x1e2: {  	s28 =	sshra.s32 s29, $0x2;
	v5 =	vld [tilespmem:s25+$0xFFFFFF70];
	v9 =	vmul.f32 v9, v9;
	v11 =	vsub.f32 v7, v11;
	v12 =	vmul.f32 $1.250000000e-01, v6;
	(pc) =	sbr.rel @p1 .LBB2_11-.Ltmp6, $4  }
0x1e3: {  	v6 =	vld [tilespmem:s28+$0xC850]  }
0x1e4: {  	v7 =	vld [tilespmem:s25+$0xFFFFFF50];
	v9 =	vmul.f32 $3.124999920e-07, v9;
	v13 =	vmul.f32 v11, v11;
	v10 =	vsub.f32 v10, v12  }
0x1e5: {  	v11 =	vld [tilespmem:s25+$0xFFFFFF10]  }
0x1e6: {  	s29 =	sadd.s32 $0x240, s29;
	v12 =	vld [tilespmem:s25+$0xFFFFFF30];
	v8 =	vadd.f32 v9, v8;
	v9 =	vmul.f32 $3.124999920e-07, v13;
	v10 =	vmul.f32 v10, v10  }
0x1e7: {  	v13 =	vld [tilespmem:s25+$0xFFFFFF20]  }
0x1e8: {  	v14 =	vld [tilespmem:s25+$0xFFFFFF40]  }
0x1e9: {  	v15 =	vld [tilespmem:s28+$0xC860]  }
0x1ea: {  	v16 =	vld [tilespmem:s25+$0xFFFFFF60]  }
0x1eb: {  	v17 =	vld [tilespmem:s28+$0xC870]  }
0x1ec: {  	v18 =	vld [tilespmem:s25+$0xFFFFFF80]  }
0x1ed: {  	v19 =	vld [tilespmem:s28+$0xC880]  }
0x1ee: {  	v20 =	vld [tilespmem:s25+$0xFFFFFFA0]  }
0x1ef: {  	v21 =	vld [tilespmem:s28+$0xC890]  }
0x1f0: {  	v22 =	vld [tilespmem:s25+$0xFFFFFFC0]  }
0x1f1: {  	v23 =	vld [tilespmem:s28+$0xC8A0]  }
0x1f2: {  	v24 =	vld [tilespmem:s25+$0xFFFFFFE0]  }
0x1f3: {  	v25 =	vld [tilespmem:s25+$0x0]  }
0x1f4: {  	v26 =	vld [tilespmem:s28+$0xC8B0]  }
0x1f5: {  	v27 =	vld [tilespmem:s25+$0xFFFFFEF0]  }
0x1f6: {  	v28 =	vld [tilespmem:s28+$0xC8C0]  }
0x1f7: {  	v29 =	vld [tilespmem:s28+$0xC840]  }
0x1f8: {  	v30 =	vld [tilespmem:s25+$0xFFFFFF00];
	s25 =	sadd.s32 @!p0 $0x360, s24;
	s28 =	simm.s32 @!p0 $0x48;
	s29 =	simm.s32 @!p0 $0x9240  }
0x1f9: {  	[tilespmem:s29], [sflag:$0x5] =	stream.indirect.gather @!p0 [hbm4b:s3+s28], $0x20, s25, s28, $0xb8;
	[tilespmem:$0xDA50] =	vst v63  }
0x1fa: {  	s29 =	simm.s32 @!p0 $0xC840  }
0x1fb: {  	[tilespmem:s29], [sflag:$0x5] =	stream.indirect.gather @!p0 [hbm4b:s4+s28], $0x10, s25, s28, $0xb8;
	[tilespmem:$0xDA50] =	vst v63  }
0x1fc: {  	_ =	swait.ge [sflag:s15], $0x900  }
0x1fd: {  	[sflag:s15] =	ssyncset.done $0x0  }
0x1fe: {  	[sflag:s15] =	ssyncadd.s32 $0xFFFFF700  }
0x1ff: {  	_ =	swait.ge [sflag:s15], $0x480  }
0x200: {  	[sflag:s15] =	ssyncset.done $0x0  }
0x201: {  	s25 =	simm.s32 $0x9C50;
	[sflag:s15] =	ssyncadd.s32 $0xFFFFFB80  }
0x202: {  	v31 =	vld [tilespmem:s25+$0xFFFFFFF0]  }
0x203: {  	v32 =	vld [tilespmem:s25+$0xFFFFFFD0]  }
0x204: {  	v11 =	vadd.f32 v12, v11;
	v12 =	vld [tilespmem:s25+$0xFFFFFFB0]  }
0x205: {  	v33 =	vld [tilespmem:s25+$0xFFFFFF90]  }
0x206: {  	s28 =	simm.s32 $0x0;
	v7 =	vadd.f32 v7, v11;
	v11 =	vadd.f32 v14, v13;
	v13 =	vld [tilespmem:s25+$0xFFFFFF70]  }
0x207: {  	v6 =	vadd.f32 v15, v6;
	v14 =	vld [tilespmem:s28+$0xCCD0]  }
0x208: {  	v5 =	vadd.f32 v5, v7;
	v7 =	vadd.f32 v16, v11;
	v11 =	vld [tilespmem:s25+$0xFFFFFF50]  }
0x209: {  	v6 =	vadd.f32 v17, v6;
	v15 =	vld [tilespmem:s25+$0xFFFFFF10]  }
0x20a: {  	v4 =	vadd.f32 v4, v5;
	v5 =	vadd.f32 v18, v7;
	v7 =	vld [tilespmem:s25+$0xFFFFFF30]  }
0x20b: {  	v8 =	vadd.f32 v9, v8;
	v9 =	vmul.f32 v0, v10;
	v6 =	vadd.f32 v19, v6;
	v10 =	vld [tilespmem:s25+$0xFFFFFF20]  }
0x20c: {  	v3 =	vadd.f32 v3, v4;
	v4 =	vadd.f32 v20, v5;
	v5 =	vld [tilespmem:s25+$0xFFFFFF40]  }
0x20d: {  	v8 =	vadd.f32 v9, v8;
	v9 =	vld [tilespmem:s28+$0xCCE0];
	v6 =	vadd.f32 v21, v6  }
0x20e: {  	v2 =	vadd.f32 v2, v3;
	v3 =	vadd.f32 v22, v4;
	v4 =	vld [tilespmem:s25+$0xFFFFFF60]  }
0x20f: {  	v6 =	vadd.f32 v23, v6;
	v7 =	vadd.f32 v7, v15;
	v15 =	vld [tilespmem:s28+$0xCCF0]  }
0x210: {  	v1 =	vadd.f32 v1, v2;
	v2 =	vadd.f32 v24, v3;
	v3 =	vld [tilespmem:s25+$0xFFFFFF80]  }
0x211: {  	v7 =	vadd.f32 v11, v7;
	v5 =	vadd.f32 v5, v10;
	v10 =	vld [tilespmem:s28+$0xCD00]  }
0x212: {  	v9 =	vadd.f32 v9, v14;
	v6 =	vadd.f32 v26, v6;
	v11 =	vld [tilespmem:s25+$0xFFFFFFA0]  }
0x213: {  	v7 =	vadd.f32 v13, v7;
	v4 =	vadd.f32 v4, v5;
	v5 =	vld [tilespmem:s28+$0xCD10]  }
0x214: {  	v6 =	vadd.f32 v28, v6;
	v13 =	vld [tilespmem:s25+$0xFFFFFFC0];
	v9 =	vadd.f32 v15, v9  }
0x215: {  	v7 =	vadd.f32 v33, v7;
	v3 =	vadd.f32 v3, v4;
	v4 =	vld [tilespmem:s28+$0xCD20]  }
0x216: {  	v2 =	vadd.f32 v25, v2;
	v1 =	vmul.f32 $1.250000000e-01, v1;
	v9 =	vadd.f32 v10, v9;
	v10 =	vld [tilespmem:s25+$0xFFFFFFE0]  }
0x217: {  	v7 =	vadd.f32 v12, v7;
	v3 =	vadd.f32 v11, v3;
	v11 =	vld [tilespmem:s25+$0x0]  }
0x218: {  	v1 =	vsub.f32 v27, v1;
	v2 =	vmul.f32 $1.250000000e-01, v2;
	v5 =	vadd.f32 v5, v9;
	v9 =	vld [tilespmem:s28+$0xCD30]  }
0x219: {  	v6 =	vmul.f32 $1.250000000e-01, v6;
	v12 =	vld [tilespmem:s25+$0xFFFFFEF0];
	v7 =	vadd.f32 v32, v7;
	v3 =	vadd.f32 v13, v3  }
0x21a: {  	v1 =	vmul.f32 v1, v1;
	v2 =	vsub.f32 v30, v2;
	v4 =	vadd.f32 v4, v5;
	v5 =	vld [tilespmem:s28+$0xCD40]  }
0x21b: {  	v14 =	vld [tilespmem:s25+$0xFFFFFF00];
	s25 =	simm.s32 $0x9D70;
	v7 =	vadd.f32 v31, v7;
	v3 =	vadd.f32 v10, v3  }
0x21c: {  	v6 =	vsub.f32 v29, v6;
	v2 =	vmul.f32 v2, v2;
	v13 =	vmul.f32 $3.124999920e-07, v1;
	v1 =	vld [tilespmem:s25+$0xFFFFFFF0]  }
0x21d: {  	v10 =	vld [tilespmem:s28+$0xCCC0];
	v7 =	vmul.f32 $1.250000000e-01, v7;
	v11 =	vadd.f32 v11, v3;
	v4 =	vadd.f32 v9, v4  }
0x21e: {  	v6 =	vmul.f32 v6, v6;
	v8 =	vadd.f32 v13, v8;
	v9 =	vmul.f32 $3.124999920e-07, v2;
	v2 =	vld [tilespmem:s25+$0xFFFFFFD0]  }
0x21f: {  	v3 =	vld [tilespmem:s25+$0xFFFFFFB0];
	v7 =	vsub.f32 v12, v7;
	v11 =	vmul.f32 $1.250000000e-01, v11;
	v12 =	vadd.f32 v5, v4  }
0x220: {  	v6 =	vmul.f32 v0, v6;
	v8 =	vadd.f32 v9, v8;
	v4 =	vld [tilespmem:s25+$0xFFFFFF90]  }
0x221: {  	s28 =	simm.s32 $0x90;
	v5 =	vld [tilespmem:s25+$0xFFFFFF70];
	v9 =	vmul.f32 v7, v7;
	v11 =	vsub.f32 v14, v11;
	v12 =	vmul.f32 $1.250000000e-01, v12  }
0x222: {  	v8 =	vadd.f32 v6, v8;
	v6 =	vld [tilespmem:s28+$0xCCD0]  }
0x223: {  	v7 =	vld [tilespmem:s25+$0xFFFFFF50];
	v9 =	vmul.f32 $3.124999920e-07, v9;
	v13 =	vmul.f32 v11, v11;
	v10 =	vsub.f32 v10, v12  }
0x224: {  	v11 =	vld [tilespmem:s25+$0xFFFFFF10]  }
0x225: {  	s29 =	simm.s32 $0x480;
	v12 =	vld [tilespmem:s25+$0xFFFFFF30];
	v8 =	vadd.f32 v9, v8;
	v9 =	vmul.f32 $3.124999920e-07, v13;
	v10 =	vmul.f32 v10, v10  }
.LBB2_13:
0x226: {  	p1 =	sne.s32 s29, $0xFC0;
	v13 =	vld [tilespmem:s25+$0xFFFFFF20]  }
0x227: {  	v14 =	vld [tilespmem:s25+$0xFFFFFF40];
	v8 =	vadd.f32 v9, v8;
	v9 =	vmul.f32 v0, v10  }
0x228: {  	v10 =	vld [tilespmem:s28+$0xCCE0]  }
0x229: {  	v15 =	vld [tilespmem:s25+$0xFFFFFF60];
	v8 =	vadd.f32 v9, v8  }
0x22a: {  	v9 =	vadd.f32 v12, v11;
	v11 =	vld [tilespmem:s28+$0xCCF0]  }
0x22b: {  	v12 =	vld [tilespmem:s25+$0xFFFFFF80]  }
0x22c: {  	v7 =	vadd.f32 v7, v9;
	v9 =	vadd.f32 v14, v13;
	v13 =	vld [tilespmem:s28+$0xCD00]  }
0x22d: {  	v14 =	vld [tilespmem:s25+$0xFFFFFFA0];
	v6 =	vadd.f32 v10, v6  }
0x22e: {  	v5 =	vadd.f32 v5, v7;
	v7 =	vadd.f32 v15, v9;
	v9 =	vld [tilespmem:s28+$0xCD10]  }
0x22f: {  	v10 =	vld [tilespmem:s25+$0xFFFFFFC0];
	v6 =	vadd.f32 v11, v6  }
0x230: {  	v4 =	vadd.f32 v4, v5;
	v5 =	vadd.f32 v12, v7;
	v7 =	vld [tilespmem:s28+$0xCD20]  }
0x231: {  	v11 =	vld [tilespmem:s25+$0xFFFFFFE0];
	v6 =	vadd.f32 v13, v6  }
0x232: {  	v3 =	vadd.f32 v3, v4;
	v4 =	vadd.f32 v14, v5;
	v5 =	vld [tilespmem:s25+$0x0]  }
0x233: {  	v6 =	vadd.f32 v9, v6;
	v9 =	vld [tilespmem:s28+$0xCD30]  }
0x234: {  	v12 =	vld [tilespmem:s25+$0xFFFFFEF0];
	v2 =	vadd.f32 v2, v3;
	v3 =	vadd.f32 v10, v4  }
0x235: {  	v4 =	vadd.f32 v7, v6;
	v6 =	vld [tilespmem:s28+$0xCD40]  }
0x236: {  	v2 =	vadd.f32 v1, v2;
	v3 =	vadd.f32 v11, v3;
	v10 =	vld [tilespmem:s28+$0xCCC0]  }
0x237: {  	v7 =	vld [tilespmem:s25+$0xFFFFFF00];
	s25 =	sadd.s32 $0x120, s25  }
0x238: {  	v1 =	vld [tilespmem:s25+$0xFFFFFFF0];
	v11 =	vmul.f32 $1.250000000e-01, v2;
	v5 =	vadd.f32 v5, v3;
	v4 =	vadd.f32 v9, v4  }
0x239: {  	v2 =	vld [tilespmem:s25+$0xFFFFFFD0]  }
0x23a: {  	v3 =	vld [tilespmem:s25+$0xFFFFFFB0];
	v9 =	vsub.f32 v12, v11;
	v11 =	vmul.f32 $1.250000000e-01, v5;
	v6 =	vadd.f32 v6, v4  }
0x23b: {  	v4 =	vld [tilespmem:s25+$0xFFFFFF90]  }
.Ltmp7:
0x23c: {  	s28 =	sshra.s32 s29, $0x2;
	v5 =	vld [tilespmem:s25+$0xFFFFFF70];
	v9 =	vmul.f32 v9, v9;
	v11 =	vsub.f32 v7, v11;
	v12 =	vmul.f32 $1.250000000e-01, v6;
	(pc) =	sbr.rel @p1 .LBB2_13-.Ltmp7, $4  }
0x23d: {  	v6 =	vld [tilespmem:s28+$0xCCD0]  }
0x23e: {  	v7 =	vld [tilespmem:s25+$0xFFFFFF50];
	v9 =	vmul.f32 $3.124999920e-07, v9;
	v13 =	vmul.f32 v11, v11;
	v10 =	vsub.f32 v10, v12  }
0x23f: {  	v11 =	vld [tilespmem:s25+$0xFFFFFF10]  }
0x240: {  	s29 =	sadd.s32 $0x240, s29;
	v12 =	vld [tilespmem:s25+$0xFFFFFF30];
	v8 =	vadd.f32 v9, v8;
	v9 =	vmul.f32 $3.124999920e-07, v13;
	v10 =	vmul.f32 v10, v10  }
0x241: {  	v13 =	vld [tilespmem:s25+$0xFFFFFF20]  }
0x242: {  	v14 =	vld [tilespmem:s25+$0xFFFFFF40]  }
0x243: {  	v15 =	vld [tilespmem:s28+$0xCCE0]  }
0x244: {  	v16 =	vld [tilespmem:s25+$0xFFFFFF60]  }
0x245: {  	v17 =	vld [tilespmem:s28+$0xCCF0]  }
0x246: {  	v18 =	vld [tilespmem:s25+$0xFFFFFF80]  }
0x247: {  	v19 =	vld [tilespmem:s28+$0xCD00]  }
0x248: {  	v20 =	vld [tilespmem:s25+$0xFFFFFFA0]  }
0x249: {  	v21 =	vld [tilespmem:s28+$0xCD10]  }
0x24a: {  	v22 =	vld [tilespmem:s25+$0xFFFFFFC0]  }
0x24b: {  	v23 =	vld [tilespmem:s28+$0xCD20]  }
0x24c: {  	v24 =	vld [tilespmem:s25+$0xFFFFFFE0]  }
0x24d: {  	v25 =	vld [tilespmem:s25+$0x0]  }
0x24e: {  	v26 =	vld [tilespmem:s28+$0xCD30]  }
0x24f: {  	v27 =	vld [tilespmem:s25+$0xFFFFFEF0]  }
0x250: {  	v28 =	vld [tilespmem:s28+$0xCD40]  }
0x251: {  	v29 =	vld [tilespmem:s28+$0xCCC0]  }
0x252: {  	v30 =	vld [tilespmem:s25+$0xFFFFFF00];
	s25 =	sadd.s32 @!p0 $0x3A8, s24;
	s28 =	simm.s32 @!p0 $0x48;
	s29 =	simm.s32 @!p0 $0x9B40  }
0x253: {  	[tilespmem:s29], [sflag:$0x6] =	stream.indirect.gather @!p0 [hbm4b:s3+s28], $0x20, s25, s28, $0xb8;
	[tilespmem:$0xDA50] =	vst v63  }
0x254: {  	s29 =	simm.s32 @!p0 $0xCCC0  }
0x255: {  	[tilespmem:s29], [sflag:$0x6] =	stream.indirect.gather @!p0 [hbm4b:s4+s28], $0x10, s25, s28, $0xb8;
	[tilespmem:$0xDA50] =	vst v63  }
0x256: {  	_ =	swait.ge [sflag:s16], $0x900  }
0x257: {  	[sflag:s16] =	ssyncset.done $0x0  }
0x258: {  	[sflag:s16] =	ssyncadd.s32 $0xFFFFF700  }
0x259: {  	_ =	swait.ge [sflag:s16], $0x480  }
0x25a: {  	[sflag:s16] =	ssyncset.done $0x0  }
0x25b: {  	s25 =	simm.s32 $0xA550;
	[sflag:s16] =	ssyncadd.s32 $0xFFFFFB80  }
0x25c: {  	v31 =	vld [tilespmem:s25+$0xFFFFFFF0]  }
0x25d: {  	v32 =	vld [tilespmem:s25+$0xFFFFFFD0]  }
0x25e: {  	v11 =	vadd.f32 v12, v11;
	v12 =	vld [tilespmem:s25+$0xFFFFFFB0]  }
0x25f: {  	v33 =	vld [tilespmem:s25+$0xFFFFFF90]  }
0x260: {  	s28 =	simm.s32 $0x0;
	v7 =	vadd.f32 v7, v11;
	v11 =	vadd.f32 v14, v13;
	v13 =	vld [tilespmem:s25+$0xFFFFFF70]  }
0x261: {  	v6 =	vadd.f32 v15, v6;
	v14 =	vld [tilespmem:s28+$0xD150]  }
0x262: {  	v5 =	vadd.f32 v5, v7;
	v7 =	vadd.f32 v16, v11;
	v11 =	vld [tilespmem:s25+$0xFFFFFF50]  }
0x263: {  	v6 =	vadd.f32 v17, v6;
	v15 =	vld [tilespmem:s25+$0xFFFFFF10]  }
0x264: {  	v4 =	vadd.f32 v4, v5;
	v5 =	vadd.f32 v18, v7;
	v7 =	vld [tilespmem:s25+$0xFFFFFF30]  }
0x265: {  	v8 =	vadd.f32 v9, v8;
	v9 =	vmul.f32 v0, v10;
	v6 =	vadd.f32 v19, v6;
	v10 =	vld [tilespmem:s25+$0xFFFFFF20]  }
0x266: {  	v3 =	vadd.f32 v3, v4;
	v4 =	vadd.f32 v20, v5;
	v5 =	vld [tilespmem:s25+$0xFFFFFF40]  }
0x267: {  	v8 =	vadd.f32 v9, v8;
	v9 =	vld [tilespmem:s28+$0xD160];
	v6 =	vadd.f32 v21, v6  }
0x268: {  	v2 =	vadd.f32 v2, v3;
	v3 =	vadd.f32 v22, v4;
	v4 =	vld [tilespmem:s25+$0xFFFFFF60]  }
0x269: {  	v6 =	vadd.f32 v23, v6;
	v7 =	vadd.f32 v7, v15;
	v15 =	vld [tilespmem:s28+$0xD170]  }
0x26a: {  	v1 =	vadd.f32 v1, v2;
	v2 =	vadd.f32 v24, v3;
	v3 =	vld [tilespmem:s25+$0xFFFFFF80]  }
0x26b: {  	v7 =	vadd.f32 v11, v7;
	v5 =	vadd.f32 v5, v10;
	v10 =	vld [tilespmem:s28+$0xD180]  }
0x26c: {  	v9 =	vadd.f32 v9, v14;
	v6 =	vadd.f32 v26, v6;
	v11 =	vld [tilespmem:s25+$0xFFFFFFA0]  }
0x26d: {  	v7 =	vadd.f32 v13, v7;
	v4 =	vadd.f32 v4, v5;
	v5 =	vld [tilespmem:s28+$0xD190]  }
0x26e: {  	v6 =	vadd.f32 v28, v6;
	v13 =	vld [tilespmem:s25+$0xFFFFFFC0];
	v9 =	vadd.f32 v15, v9  }
0x26f: {  	v7 =	vadd.f32 v33, v7;
	v3 =	vadd.f32 v3, v4;
	v4 =	vld [tilespmem:s28+$0xD1A0]  }
0x270: {  	v2 =	vadd.f32 v25, v2;
	v1 =	vmul.f32 $1.250000000e-01, v1;
	v9 =	vadd.f32 v10, v9;
	v10 =	vld [tilespmem:s25+$0xFFFFFFE0]  }
0x271: {  	v7 =	vadd.f32 v12, v7;
	v3 =	vadd.f32 v11, v3;
	v11 =	vld [tilespmem:s25+$0x0]  }
0x272: {  	v1 =	vsub.f32 v27, v1;
	v2 =	vmul.f32 $1.250000000e-01, v2;
	v5 =	vadd.f32 v5, v9;
	v9 =	vld [tilespmem:s28+$0xD1B0]  }
0x273: {  	v6 =	vmul.f32 $1.250000000e-01, v6;
	v12 =	vld [tilespmem:s25+$0xFFFFFEF0];
	v7 =	vadd.f32 v32, v7;
	v3 =	vadd.f32 v13, v3  }
0x274: {  	v1 =	vmul.f32 v1, v1;
	v2 =	vsub.f32 v30, v2;
	v4 =	vadd.f32 v4, v5;
	v5 =	vld [tilespmem:s28+$0xD1C0]  }
0x275: {  	v14 =	vld [tilespmem:s25+$0xFFFFFF00];
	s25 =	simm.s32 $0xA670;
	v7 =	vadd.f32 v31, v7;
	v3 =	vadd.f32 v10, v3  }
0x276: {  	v6 =	vsub.f32 v29, v6;
	v2 =	vmul.f32 v2, v2;
	v13 =	vmul.f32 $3.124999920e-07, v1;
	v1 =	vld [tilespmem:s25+$0xFFFFFFF0]  }
0x277: {  	v10 =	vld [tilespmem:s28+$0xD140];
	v7 =	vmul.f32 $1.250000000e-01, v7;
	v11 =	vadd.f32 v11, v3;
	v4 =	vadd.f32 v9, v4  }
0x278: {  	v6 =	vmul.f32 v6, v6;
	v8 =	vadd.f32 v13, v8;
	v9 =	vmul.f32 $3.124999920e-07, v2;
	v2 =	vld [tilespmem:s25+$0xFFFFFFD0]  }
0x279: {  	v3 =	vld [tilespmem:s25+$0xFFFFFFB0];
	v7 =	vsub.f32 v12, v7;
	v11 =	vmul.f32 $1.250000000e-01, v11;
	v12 =	vadd.f32 v5, v4  }
0x27a: {  	v6 =	vmul.f32 v0, v6;
	v8 =	vadd.f32 v9, v8;
	v4 =	vld [tilespmem:s25+$0xFFFFFF90]  }
0x27b: {  	s28 =	simm.s32 $0x90;
	v5 =	vld [tilespmem:s25+$0xFFFFFF70];
	v9 =	vmul.f32 v7, v7;
	v11 =	vsub.f32 v14, v11;
	v12 =	vmul.f32 $1.250000000e-01, v12  }
0x27c: {  	v8 =	vadd.f32 v6, v8;
	v6 =	vld [tilespmem:s28+$0xD150]  }
0x27d: {  	v7 =	vld [tilespmem:s25+$0xFFFFFF50];
	v9 =	vmul.f32 $3.124999920e-07, v9;
	v13 =	vmul.f32 v11, v11;
	v10 =	vsub.f32 v10, v12  }
0x27e: {  	v11 =	vld [tilespmem:s25+$0xFFFFFF10]  }
0x27f: {  	s29 =	simm.s32 $0x480;
	v12 =	vld [tilespmem:s25+$0xFFFFFF30];
	v8 =	vadd.f32 v9, v8;
	v9 =	vmul.f32 $3.124999920e-07, v13;
	v10 =	vmul.f32 v10, v10  }
.LBB2_15:
0x280: {  	p1 =	sne.s32 s29, $0xFC0;
	v13 =	vld [tilespmem:s25+$0xFFFFFF20]  }
0x281: {  	v14 =	vld [tilespmem:s25+$0xFFFFFF40];
	v8 =	vadd.f32 v9, v8;
	v9 =	vmul.f32 v0, v10  }
0x282: {  	v10 =	vld [tilespmem:s28+$0xD160]  }
0x283: {  	v15 =	vld [tilespmem:s25+$0xFFFFFF60];
	v8 =	vadd.f32 v9, v8  }
0x284: {  	v9 =	vadd.f32 v12, v11;
	v11 =	vld [tilespmem:s28+$0xD170]  }
0x285: {  	v12 =	vld [tilespmem:s25+$0xFFFFFF80]  }
0x286: {  	v7 =	vadd.f32 v7, v9;
	v9 =	vadd.f32 v14, v13;
	v13 =	vld [tilespmem:s28+$0xD180]  }
0x287: {  	v14 =	vld [tilespmem:s25+$0xFFFFFFA0];
	v6 =	vadd.f32 v10, v6  }
0x288: {  	v5 =	vadd.f32 v5, v7;
	v7 =	vadd.f32 v15, v9;
	v9 =	vld [tilespmem:s28+$0xD190]  }
0x289: {  	v10 =	vld [tilespmem:s25+$0xFFFFFFC0];
	v6 =	vadd.f32 v11, v6  }
0x28a: {  	v4 =	vadd.f32 v4, v5;
	v5 =	vadd.f32 v12, v7;
	v7 =	vld [tilespmem:s28+$0xD1A0]  }
0x28b: {  	v11 =	vld [tilespmem:s25+$0xFFFFFFE0];
	v6 =	vadd.f32 v13, v6  }
0x28c: {  	v3 =	vadd.f32 v3, v4;
	v4 =	vadd.f32 v14, v5;
	v5 =	vld [tilespmem:s25+$0x0]  }
0x28d: {  	v6 =	vadd.f32 v9, v6;
	v9 =	vld [tilespmem:s28+$0xD1B0]  }
0x28e: {  	v12 =	vld [tilespmem:s25+$0xFFFFFEF0];
	v2 =	vadd.f32 v2, v3;
	v3 =	vadd.f32 v10, v4  }
0x28f: {  	v4 =	vadd.f32 v7, v6;
	v6 =	vld [tilespmem:s28+$0xD1C0]  }
0x290: {  	v2 =	vadd.f32 v1, v2;
	v3 =	vadd.f32 v11, v3;
	v10 =	vld [tilespmem:s28+$0xD140]  }
0x291: {  	v7 =	vld [tilespmem:s25+$0xFFFFFF00];
	s25 =	sadd.s32 $0x120, s25  }
0x292: {  	v1 =	vld [tilespmem:s25+$0xFFFFFFF0];
	v11 =	vmul.f32 $1.250000000e-01, v2;
	v5 =	vadd.f32 v5, v3;
	v4 =	vadd.f32 v9, v4  }
0x293: {  	v2 =	vld [tilespmem:s25+$0xFFFFFFD0]  }
0x294: {  	v3 =	vld [tilespmem:s25+$0xFFFFFFB0];
	v9 =	vsub.f32 v12, v11;
	v11 =	vmul.f32 $1.250000000e-01, v5;
	v6 =	vadd.f32 v6, v4  }
0x295: {  	v4 =	vld [tilespmem:s25+$0xFFFFFF90]  }
.Ltmp8:
0x296: {  	s28 =	sshra.s32 s29, $0x2;
	v5 =	vld [tilespmem:s25+$0xFFFFFF70];
	v9 =	vmul.f32 v9, v9;
	v11 =	vsub.f32 v7, v11;
	v12 =	vmul.f32 $1.250000000e-01, v6;
	(pc) =	sbr.rel @p1 .LBB2_15-.Ltmp8, $4  }
0x297: {  	v6 =	vld [tilespmem:s28+$0xD150]  }
0x298: {  	v7 =	vld [tilespmem:s25+$0xFFFFFF50];
	v9 =	vmul.f32 $3.124999920e-07, v9;
	v13 =	vmul.f32 v11, v11;
	v10 =	vsub.f32 v10, v12  }
0x299: {  	v11 =	vld [tilespmem:s25+$0xFFFFFF10]  }
0x29a: {  	s29 =	sadd.s32 $0x240, s29;
	v12 =	vld [tilespmem:s25+$0xFFFFFF30];
	v8 =	vadd.f32 v9, v8;
	v9 =	vmul.f32 $3.124999920e-07, v13;
	v10 =	vmul.f32 v10, v10  }
0x29b: {  	v13 =	vld [tilespmem:s25+$0xFFFFFF20]  }
0x29c: {  	v14 =	vld [tilespmem:s25+$0xFFFFFF40]  }
0x29d: {  	v15 =	vld [tilespmem:s28+$0xD160]  }
0x29e: {  	v16 =	vld [tilespmem:s25+$0xFFFFFF60]  }
0x29f: {  	v17 =	vld [tilespmem:s28+$0xD170]  }
0x2a0: {  	v18 =	vld [tilespmem:s25+$0xFFFFFF80]  }
0x2a1: {  	v19 =	vld [tilespmem:s28+$0xD180]  }
0x2a2: {  	v20 =	vld [tilespmem:s25+$0xFFFFFFA0]  }
0x2a3: {  	v21 =	vld [tilespmem:s28+$0xD190]  }
0x2a4: {  	v22 =	vld [tilespmem:s25+$0xFFFFFFC0]  }
0x2a5: {  	v23 =	vld [tilespmem:s28+$0xD1A0]  }
0x2a6: {  	v24 =	vld [tilespmem:s25+$0xFFFFFFE0]  }
0x2a7: {  	v25 =	vld [tilespmem:s25+$0x0]  }
0x2a8: {  	v26 =	vld [tilespmem:s28+$0xD1B0]  }
0x2a9: {  	v27 =	vld [tilespmem:s25+$0xFFFFFEF0]  }
0x2aa: {  	v28 =	vld [tilespmem:s28+$0xD1C0]  }
0x2ab: {  	v29 =	vld [tilespmem:s28+$0xD140]  }
0x2ac: {  	v30 =	vld [tilespmem:s25+$0xFFFFFF00];
	s24 =	sadd.s32 @!p0 $0x3F0, s24;
	s25 =	simm.s32 @!p0 $0x48;
	s28 =	simm.s32 @!p0 $0xA440  }
0x2ad: {  	[tilespmem:s28], [sflag:$0x7] =	stream.indirect.gather @!p0 [hbm4b:s3+s25], $0x20, s24, s25, $0xb8;
	[tilespmem:$0xDA50] =	vst v63  }
0x2ae: {  	s28 =	simm.s32 @!p0 $0xD140  }
0x2af: {  	[tilespmem:s28], [sflag:$0x7] =	stream.indirect.gather @!p0 [hbm4b:s4+s25], $0x10, s24, s25, $0xb8;
	[tilespmem:$0xDA50] =	vst v63  }
0x2b0: {  	_ =	swait.ge [sflag:s18], $0x900  }
0x2b1: {  	[sflag:s18] =	ssyncset.done $0x0  }
0x2b2: {  	[sflag:s18] =	ssyncadd.s32 $0xFFFFF700  }
0x2b3: {  	_ =	swait.ge [sflag:s18], $0x480  }
0x2b4: {  	[sflag:s18] =	ssyncset.done $0x0  }
0x2b5: {  	s24 =	simm.s32 $0xAE50;
	[sflag:s18] =	ssyncadd.s32 $0xFFFFFB80  }
0x2b6: {  	v31 =	vld [tilespmem:s24+$0xFFFFFFF0]  }
0x2b7: {  	v32 =	vld [tilespmem:s24+$0xFFFFFFD0]  }
0x2b8: {  	v11 =	vadd.f32 v12, v11;
	v12 =	vld [tilespmem:s24+$0xFFFFFFB0]  }
0x2b9: {  	v33 =	vld [tilespmem:s24+$0xFFFFFF90]  }
0x2ba: {  	s29 =	simm.s32 $0x0;
	v7 =	vadd.f32 v7, v11;
	v11 =	vadd.f32 v14, v13;
	v13 =	vld [tilespmem:s24+$0xFFFFFF70]  }
0x2bb: {  	v6 =	vadd.f32 v15, v6;
	v14 =	vld [tilespmem:s29+$0xD5D0]  }
0x2bc: {  	v5 =	vadd.f32 v5, v7;
	v7 =	vadd.f32 v16, v11;
	v11 =	vld [tilespmem:s24+$0xFFFFFF50]  }
0x2bd: {  	v6 =	vadd.f32 v17, v6;
	v15 =	vld [tilespmem:s24+$0xFFFFFF10]  }
0x2be: {  	v4 =	vadd.f32 v4, v5;
	v5 =	vadd.f32 v18, v7;
	v7 =	vld [tilespmem:s24+$0xFFFFFF30]  }
0x2bf: {  	v8 =	vadd.f32 v9, v8;
	v9 =	vmul.f32 v0, v10;
	v6 =	vadd.f32 v19, v6;
	v10 =	vld [tilespmem:s24+$0xFFFFFF20]  }
0x2c0: {  	v3 =	vadd.f32 v3, v4;
	v4 =	vadd.f32 v20, v5;
	v5 =	vld [tilespmem:s24+$0xFFFFFF40]  }
0x2c1: {  	v8 =	vadd.f32 v9, v8;
	v9 =	vld [tilespmem:s29+$0xD5E0];
	v6 =	vadd.f32 v21, v6  }
0x2c2: {  	v2 =	vadd.f32 v2, v3;
	v3 =	vadd.f32 v22, v4;
	v4 =	vld [tilespmem:s24+$0xFFFFFF60]  }
0x2c3: {  	v6 =	vadd.f32 v23, v6;
	v7 =	vadd.f32 v7, v15;
	v15 =	vld [tilespmem:s29+$0xD5F0]  }
0x2c4: {  	v1 =	vadd.f32 v1, v2;
	v2 =	vadd.f32 v24, v3;
	v3 =	vld [tilespmem:s24+$0xFFFFFF80]  }
0x2c5: {  	v7 =	vadd.f32 v11, v7;
	v5 =	vadd.f32 v5, v10;
	v10 =	vld [tilespmem:s29+$0xD600]  }
0x2c6: {  	v9 =	vadd.f32 v9, v14;
	v6 =	vadd.f32 v26, v6;
	v11 =	vld [tilespmem:s24+$0xFFFFFFA0]  }
0x2c7: {  	v7 =	vadd.f32 v13, v7;
	v4 =	vadd.f32 v4, v5;
	v5 =	vld [tilespmem:s29+$0xD610]  }
0x2c8: {  	v6 =	vadd.f32 v28, v6;
	v13 =	vld [tilespmem:s24+$0xFFFFFFC0];
	v9 =	vadd.f32 v15, v9  }
0x2c9: {  	v7 =	vadd.f32 v33, v7;
	v3 =	vadd.f32 v3, v4;
	v4 =	vld [tilespmem:s29+$0xD620]  }
0x2ca: {  	v2 =	vadd.f32 v25, v2;
	v1 =	vmul.f32 $1.250000000e-01, v1;
	v9 =	vadd.f32 v10, v9;
	v10 =	vld [tilespmem:s24+$0xFFFFFFE0]  }
0x2cb: {  	v7 =	vadd.f32 v12, v7;
	v3 =	vadd.f32 v11, v3;
	v11 =	vld [tilespmem:s24+$0x0]  }
0x2cc: {  	v1 =	vsub.f32 v27, v1;
	v2 =	vmul.f32 $1.250000000e-01, v2;
	v5 =	vadd.f32 v5, v9;
	v9 =	vld [tilespmem:s29+$0xD630]  }
0x2cd: {  	v6 =	vmul.f32 $1.250000000e-01, v6;
	v12 =	vld [tilespmem:s24+$0xFFFFFEF0];
	v7 =	vadd.f32 v32, v7;
	v3 =	vadd.f32 v13, v3  }
0x2ce: {  	v1 =	vmul.f32 v1, v1;
	v2 =	vsub.f32 v30, v2;
	v4 =	vadd.f32 v4, v5;
	v5 =	vld [tilespmem:s29+$0xD640]  }
0x2cf: {  	v14 =	vld [tilespmem:s24+$0xFFFFFF00];
	v7 =	vadd.f32 v31, v7;
	v3 =	vadd.f32 v10, v3  }
0x2d0: {  	v6 =	vsub.f32 v29, v6;
	s24 =	simm.s32 $0xAF70;
	v2 =	vmul.f32 v2, v2;
	v13 =	vld [tilespmem:s29+$0xD5C0];
	v10 =	vmul.f32 $3.124999920e-07, v1  }
0x2d1: {  	v1 =	vld [tilespmem:s24+$0xFFFFFFF0];
	v7 =	vmul.f32 $1.250000000e-01, v7;
	v11 =	vadd.f32 v11, v3;
	v4 =	vadd.f32 v9, v4  }
0x2d2: {  	v6 =	vmul.f32 v6, v6;
	v8 =	vadd.f32 v10, v8;
	v9 =	vmul.f32 $3.124999920e-07, v2;
	v2 =	vld [tilespmem:s24+$0xFFFFFFD0]  }
0x2d3: {  	v3 =	vld [tilespmem:s24+$0xFFFFFFB0];
	v7 =	vsub.f32 v12, v7;
	v10 =	vmul.f32 $1.250000000e-01, v11;
	v11 =	vadd.f32 v5, v4  }
0x2d4: {  	v6 =	vmul.f32 v0, v6;
	v8 =	vadd.f32 v9, v8;
	v4 =	vld [tilespmem:s24+$0xFFFFFF90]  }
0x2d5: {  	v5 =	vld [tilespmem:s24+$0xFFFFFF70];
	v7 =	vmul.f32 v7, v7;
	v9 =	vsub.f32 v14, v10;
	v11 =	vmul.f32 $1.250000000e-01, v11  }
0x2d6: {  	s25 =	simm.s32 $0x90;
	v12 =	vld [tilespmem:s24+$0xFFFFFF30];
	v8 =	vadd.f32 v6, v8  }
0x2d7: {  	v6 =	vld [tilespmem:s25+$0xD5D0];
	v7 =	vmul.f32 $3.124999920e-07, v7;
	v9 =	vmul.f32 v9, v9;
	v13 =	vsub.f32 v13, v11  }
0x2d8: {  	v10 =	vld [tilespmem:s24+$0xFFFFFF50]  }
0x2d9: {  	s28 =	simm.s32 $0x480;
	v11 =	vld [tilespmem:s24+$0xFFFFFF10];
	v7 =	vadd.f32 v7, v8;
	v8 =	vmul.f32 $3.124999920e-07, v9;
	v9 =	vmul.f32 v13, v13  }
.LBB2_17:
0x2da: {  	p1 =	sne.s32 s28, $0xFC0;
	v13 =	vld [tilespmem:s24+$0xFFFFFF20]  }
0x2db: {  	v14 =	vld [tilespmem:s24+$0xFFFFFF40];
	v7 =	vadd.f32 v8, v7;
	v8 =	vmul.f32 v0, v9  }
0x2dc: {  	v9 =	vld [tilespmem:s25+$0xD5E0]  }
0x2dd: {  	v15 =	vld [tilespmem:s24+$0xFFFFFF60];
	v7 =	vadd.f32 v8, v7  }
0x2de: {  	v8 =	vadd.f32 v12, v11;
	v11 =	vld [tilespmem:s25+$0xD5F0]  }
0x2df: {  	v12 =	vld [tilespmem:s24+$0xFFFFFF80]  }
0x2e0: {  	v8 =	vadd.f32 v10, v8;
	v10 =	vadd.f32 v14, v13;
	v13 =	vld [tilespmem:s25+$0xD600]  }
0x2e1: {  	v14 =	vld [tilespmem:s24+$0xFFFFFFA0];
	v6 =	vadd.f32 v9, v6  }
0x2e2: {  	v5 =	vadd.f32 v5, v8;
	v8 =	vadd.f32 v15, v10;
	v9 =	vld [tilespmem:s25+$0xD610]  }
0x2e3: {  	v10 =	vld [tilespmem:s24+$0xFFFFFFC0];
	v6 =	vadd.f32 v11, v6  }
0x2e4: {  	v4 =	vadd.f32 v4, v5;
	v5 =	vadd.f32 v12, v8;
	v8 =	vld [tilespmem:s25+$0xD620]  }
0x2e5: {  	v11 =	vld [tilespmem:s24+$0xFFFFFFE0];
	v6 =	vadd.f32 v13, v6  }
0x2e6: {  	v3 =	vadd.f32 v3, v4;
	v4 =	vadd.f32 v14, v5;
	v5 =	vld [tilespmem:s24+$0x0]  }
0x2e7: {  	v6 =	vadd.f32 v9, v6;
	v9 =	vld [tilespmem:s25+$0xD630]  }
0x2e8: {  	v12 =	vld [tilespmem:s24+$0xFFFFFEF0];
	v2 =	vadd.f32 v2, v3;
	v3 =	vadd.f32 v10, v4  }
0x2e9: {  	v4 =	vadd.f32 v8, v6;
	v6 =	vld [tilespmem:s25+$0xD640]  }
0x2ea: {  	v2 =	vadd.f32 v1, v2;
	v3 =	vadd.f32 v11, v3;
	v8 =	vld [tilespmem:s25+$0xD5C0]  }
0x2eb: {  	v10 =	vld [tilespmem:s24+$0xFFFFFF00];
	s24 =	sadd.s32 $0x120, s24  }
0x2ec: {  	v1 =	vld [tilespmem:s24+$0xFFFFFFF0];
	v11 =	vmul.f32 $1.250000000e-01, v2;
	v5 =	vadd.f32 v5, v3;
	v4 =	vadd.f32 v9, v4  }
0x2ed: {  	v2 =	vld [tilespmem:s24+$0xFFFFFFD0]  }
0x2ee: {  	v3 =	vld [tilespmem:s24+$0xFFFFFFB0];
	v9 =	vsub.f32 v12, v11;
	v11 =	vmul.f32 $1.250000000e-01, v5;
	v6 =	vadd.f32 v6, v4  }
0x2ef: {  	v4 =	vld [tilespmem:s24+$0xFFFFFF90]  }
.Ltmp9:
0x2f0: {  	s25 =	sshra.s32 s28, $0x2;
	v5 =	vld [tilespmem:s24+$0xFFFFFF70];
	v9 =	vmul.f32 v9, v9;
	v11 =	vsub.f32 v10, v11;
	v12 =	vmul.f32 $1.250000000e-01, v6;
	(pc) =	sbr.rel @p1 .LBB2_17-.Ltmp9, $4  }
0x2f1: {  	v6 =	vld [tilespmem:s25+$0xD5D0]  }
0x2f2: {  	v10 =	vld [tilespmem:s24+$0xFFFFFF50];
	v9 =	vmul.f32 $3.124999920e-07, v9;
	v13 =	vmul.f32 v11, v11;
	v14 =	vsub.f32 v8, v12  }
0x2f3: {  	v11 =	vld [tilespmem:s24+$0xFFFFFF10]  }
0x2f4: {  	s28 =	sadd.s32 $0x240, s28;
	v12 =	vld [tilespmem:s24+$0xFFFFFF30];
	v7 =	vadd.f32 v9, v7;
	v8 =	vmul.f32 $3.124999920e-07, v13;
	v9 =	vmul.f32 v14, v14  }
0x2f5: {  	v13 =	vld [tilespmem:s24+$0xFFFFFF20]  }
0x2f6: {  	v14 =	vld [tilespmem:s24+$0xFFFFFF40]  }
0x2f7: {  	v15 =	vld [tilespmem:s25+$0xD5E0]  }
0x2f8: {  	v16 =	vld [tilespmem:s24+$0xFFFFFF60]  }
0x2f9: {  	v53 =	vld [tilespmem:s25+$0xD5F0];
	v11 =	vadd.f32 v12, v11  }
0x2fa: {  	v17 =	vld [tilespmem:s24+$0xFFFFFF80]  }
0x2fb: {  	v55 =	vld [tilespmem:s25+$0xD600];
	v54 =	vadd.f32 v14, v13;
	v10 =	vadd.f32 v10, v11  }
0x2fc: {  	v56 =	vld [tilespmem:s24+$0xFFFFFFA0];
	v6 =	vadd.f32 v15, v6  }
0x2fd: {  	v58 =	vld [tilespmem:s25+$0xD610];
	v57 =	vadd.f32 v16, v54;
	v5 =	vadd.f32 v5, v10  }
0x2fe: {  	v59 =	vld [tilespmem:s24+$0xFFFFFFC0];
	v6 =	vadd.f32 v53, v6  }
0x2ff: {  	v60 =	vld [tilespmem:s25+$0xD620];
	v4 =	vadd.f32 v4, v5;
	v5 =	vadd.f32 v17, v57  }
0x300: {  	v61 =	vld [tilespmem:s24+$0xFFFFFFE0];
	v6 =	vadd.f32 v55, v6  }
0x301: {  	v62 =	vld [tilespmem:s25+$0xD630];
	v3 =	vadd.f32 v3, v4;
	v4 =	vadd.f32 v56, v5  }
0x302: {  	v6 =	vadd.f32 v58, v6;
	v5 =	vld [tilespmem:s24+$0x0]  }
0x303: {  	v63 =	vld [tilespmem:s24+$0xFFFFFEF0];
	v2 =	vadd.f32 v2, v3;
	v3 =	vadd.f32 v59, v4  }
0x304: {  	v4 =	vadd.f32 v60, v6;
	v6 =	vld [tilespmem:s25+$0xD640]  }
0x305: {  	v1 =	vadd.f32 v1, v2;
	v2 =	vadd.f32 v61, v3  }
0x306: {  	v3 =	vld [tilespmem:s24+$0xFFFFFF00]  }
0x307: {  	v4 =	vadd.f32 v62, v4;
	v1 =	vmul.f32 $1.250000000e-01, v1;
	v2 =	vadd.f32 v5, v2  }
0x308: {  	v5 =	vld [tilespmem:s25+$0xD5C0]  }
0x309: {  	v4 =	vadd.f32 v6, v4;
	v1 =	vsub.f32 v63, v1;
	v2 =	vmul.f32 $1.250000000e-01, v2  }
0x30a: {  	v6 =	vadd.f32 v8, v7;
	v7 =	vmul.f32 v0, v9  }
0x30b: {  	v1 =	vmul.f32 v1, v1;
	v2 =	vsub.f32 v3, v2;
	v3 =	vmul.f32 $1.250000000e-01, v4  }
0x30c: {  	v4 =	vadd.f32 v7, v6  }
0x30d: {  	v1 =	vmul.f32 $3.124999920e-07, v1;
	v2 =	vmul.f32 v2, v2;
	v3 =	vsub.f32 v5, v3;
	_ =	sdelay $0x1  }
.Ltmp10:
0x30e: {  	v1 =	vadd.f32 v1, v4;
	v2 =	vmul.f32 $3.124999920e-07, v2;
	v3 =	vmul.f32 v3, v3;
	(pc) =	sbr.rel @p0 .LBB2_20-.Ltmp10, $3  }
0x30f: {  	_ = 	snop  }
0x310: {  	v1 =	vadd.f32 v2, v1;
	v2 =	vmul.f32 v0, v3;
	_ =	sdelay $0x1  }
0x311: {  	v7 =	vadd.f32 v2, v1  }
0x312: {  	s24 =	smul.u32 $0x900, s22;
	_ =	sdelay $0x1  }
.Ltmp11:
0x313: {  	s24 =	sshra.s32 s24, $0x2;
	(pc) =	sbr.rel .LBB2_2-.Ltmp11, $4  }
0x314: {  	s24 =	sadd.s32 $0x438, s24  }
0x315: {  	[tilespmem:s31], [sflag:$0x8] =	stream.indirect.gather [hbm4b:s3+s9], $0x20, s24, s9, $0xb8;
	[tilespmem:$0xDA50] =	vst v63  }
0x316: {  	s22 =	sadd.s32 $0x1, s22  }
0x317: {  	[tilespmem:s0], [sflag:$0x8] =	stream.indirect.gather [hbm4b:s4+s9], $0x10, s24, s9, $0xb8;
	[tilespmem:$0xDA50] =	vst v63  }
.LBB2_21:
0x318: {  	_ =	sfence.sel $0x180000  }
0x319: {  	[bflag:$0x0] =	sbarrier.arrive $0xFFFF  }
0x31a: {  	_ =	strace $0x90000047  }
0x31b: {  	s0 =	stileid.u32;
	[bflag:$0x2] =	sbarrier.arrive $0xFFFF  }
0x31c: {  	p0 =	sne.s32 s0, $0x0;
	s0 =	rddreg [dreg:$0x1]  }
0x31d: {  	s0 =	sadd.s32 @!p0 $0x100000, s0  }
0x31e: {  	[sflag:s0] =	ssyncadd.tile.s32 @!p0 $0x1;
	_ =	shalt  }
.Lfunc_end2:
_tile_overlayer_lowered:
.L_overlay_start_2:
0x31f: {  	(tag) =	ssettag $0x2  }
0x320: {  	s0 =	rddreg [dreg:$0x0];
	s2 =	stileid.u32  }
0x321: {  	s1 =	rddreg [dreg:$0x1];
	p0 =	sne.s32 s2, $0x0  }
0x322: {  	s3 =	rddreg [dreg:$0x2];
	[bflag:$0x3] =	sbarrier.arrive $0xFFFF;
	s2 =	simm.s32 @!p0 $0x1C09  }
0x323: {  	[timem:s3], [sflag:s2] =	dma.local @!p0 [hbm:s0], s1  }
0x324: {  	s0 =	simm.s32 @!p0 $0x9  }
0x325: {  	_ =	swait.ge @!p0 [sflag:s0], s1  }
0x326: {  	s1 =	ssub.s32 @!p0 $0x0, s1;
	[sflag:s0] =	ssyncset.done @!p0 $0x0  }
0x327: {  	[sflag:s0] =	ssyncadd.s32 @!p0 s1  }
0x328: {  	[bflag:$0x3] =	sbarrier.arrive $0xFFFF  }
0x329: {  	_ =	shalt  }

</sc_bundles>
